<compile_context>
chip_gen: v7x
topology: tpu7x:2x2x1
jax: 0.10.2.dev20260603
libtpu: 0.0.44.dev20260713+nightly
codegen_flags: <defaults>
</compile_context>

<pallas_src>
import functools

import jax
import jax.numpy as jnp
from jax import lax
from jax.experimental import pallas as pl
from jax.experimental.pallas import tpu as pltpu
from jax.experimental.pallas import tpu_sc as plsc

N_NODES = 10000
N_EDGES = 320000
DEPTH = 50
UNIT = 32
HID = 128
T = 5000

NC = 2
NS = 16
NW = NC * NS

_MESH = plsc.VectorSubcoreMesh(core_axis_name="c", subcore_axis_name="s")

_A_CH = 800
_A_NCHUNK = (N_NODES * DEPTH) // _A_CH
_A_ITERS = (_A_NCHUNK + NW - 1) // NW


@functools.partial(
    pl.kernel,
    out_type=[
        jax.ShapeDtypeStruct((N_NODES * DEPTH, UNIT), jnp.float32),
        jax.ShapeDtypeStruct((N_NODES * DEPTH, UNIT), jnp.float32),
    ],
    mesh=_MESH,
    compiler_params=pltpu.CompilerParams(use_tc_tiling_on_sc=False),
    scratch_types=[
        [pltpu.VMEM((_A_CH,), jnp.int32)] * 2,
        [pltpu.VMEM((_A_CH,), jnp.int32)] * 2,
        [pltpu.VMEM((_A_CH, UNIT), jnp.float32)] * 2,
        [pltpu.VMEM((_A_CH, UNIT), jnp.float32)] * 2,
        pltpu.VMEM_SHARED((256, UNIT), jnp.float32),
        pltpu.VMEM_SHARED((1024, UNIT), jnp.float32),
        [pltpu.SemaphoreType.DMA] * 2,
        [pltpu.SemaphoreType.DMA] * 2,
    ],
)
def _embed_gather(tags_hbm, subs_hbm, tagtab_hbm, subtab_hbm,
                  outT_hbm, outS_hbm, idxT, idxS, rowT, rowS,
                  tagtab_v, subtab_v, semT, semS):
    wid = lax.axis_index("s") * NC + lax.axis_index("c")

    @pl.when(lax.axis_index("s") == 0)
    def _():
        pltpu.sync_copy(tagtab_hbm, tagtab_v)
        pltpu.sync_copy(subtab_hbm, subtab_v)

    plsc.subcore_barrier()

    def fire(j, b):
        base = j * _A_CH
        pltpu.sync_copy(tags_hbm.at[pl.ds(base, _A_CH)], idxT[b])
        pltpu.sync_copy(subs_hbm.at[pl.ds(base, _A_CH)], idxS[b])
        pltpu.async_copy(tagtab_v.at[idxT[b]], rowT[b], semT[b])
        pltpu.async_copy(subtab_v.at[idxS[b]], rowS[b], semS[b])

    def drain(j, b):
        base = j * _A_CH
        pltpu.make_async_copy(tagtab_v.at[pl.ds(0, _A_CH)], rowT[b],
                              semT[b]).wait()
        pltpu.sync_copy(rowT[b], outT_hbm.at[pl.ds(base, _A_CH)])
        pltpu.make_async_copy(subtab_v.at[pl.ds(0, _A_CH)], rowS[b],
                              semS[b]).wait()
        pltpu.sync_copy(rowS[b], outS_hbm.at[pl.ds(base, _A_CH)])

    fire(wid, 0)

    def body(i, carry):
        for b in range(2):
            k = i * 2 + b
            j_cur = k * NW + wid
            j_nxt = j_cur + NW

            @pl.when(j_nxt < _A_NCHUNK)
            def _():
                fire(j_nxt, 1 - b)

            @pl.when(j_cur < _A_NCHUNK)
            def _():
                drain(j_cur, b)

        return carry

    lax.fori_loop(0, _A_ITERS // 2, body, 0)


_D_CH = 400
_D_EPT = N_EDGES // NW
_D_NCH = _D_EPT // _D_CH
_DW = 16
_ROWS_PT = 624


@functools.partial(
    pl.kernel,
    out_type=jax.ShapeDtypeStruct((NC * N_NODES, _DW), jnp.float32),
    mesh=_MESH,
    compiler_params=pltpu.CompilerParams(use_tc_tiling_on_sc=False),
    scratch_types=[
        pltpu.VMEM((_D_CH,), jnp.int32),
        pltpu.VMEM((_D_CH, _DW), jnp.float32),
        pltpu.VMEM((_ROWS_PT, _DW), jnp.float32),
        pltpu.VMEM_SHARED((N_NODES, _DW), jnp.float32),
    ],
)
def _degree(dst_hbm, out_hbm, didx, ones_v, zero_v, deg_sh):
    c = lax.axis_index("c")
    s = lax.axis_index("s")
    wid = s * NC + c

    pat = jnp.where(lax.iota(jnp.int32, 16) == 0, 1.0, 0.0).astype(jnp.float32)
    zpat = jnp.zeros((16,), jnp.float32)

    def initrow(r, carry):
        ones_v[r, :] = pat
        return carry

    lax.fori_loop(0, _D_CH, initrow, 0)

    def zrow(r, carry):
        zero_v[r, :] = zpat
        return carry

    lax.fori_loop(0, _ROWS_PT, zrow, 0)
    pltpu.sync_copy(zero_v, deg_sh.at[pl.ds(s * _ROWS_PT, _ROWS_PT)])

    @pl.when(s == NS - 1)
    def _():
        pltpu.sync_copy(zero_v.at[pl.ds(0, 16)],
                        deg_sh.at[pl.ds(NS * _ROWS_PT, 16)])

    plsc.subcore_barrier()

    def body(i, carry):
        base = wid * _D_EPT + i * _D_CH
        pltpu.sync_copy(dst_hbm.at[pl.ds(base, _D_CH)], didx)
        pltpu.sync_copy(ones_v, deg_sh.at[didx], add=True)
        return carry

    lax.fori_loop(0, _D_NCH, body, 0)
    plsc.subcore_barrier()
    pltpu.sync_copy(deg_sh.at[pl.ds(s * _ROWS_PT, _ROWS_PT)],
                    out_hbm.at[pl.ds(c * N_NODES + s * _ROWS_PT, _ROWS_PT)])

    @pl.when(s == NS - 1)
    def _():
        pltpu.sync_copy(deg_sh.at[pl.ds(NS * _ROWS_PT, 16)],
                        out_hbm.at[pl.ds(c * N_NODES + NS * _ROWS_PT, 16)])


_C_CH = 400
_C_EPT = N_EDGES // NS
_C_NCH = _C_EPT // _C_CH
_HHID = HID // NC
_C_RPT = 624


@functools.partial(
    pl.kernel,
    out_type=jax.ShapeDtypeStruct((NC * N_NODES, _HHID), jnp.float32),
    mesh=_MESH,
    compiler_params=pltpu.CompilerParams(use_tc_tiling_on_sc=False),
    scratch_types=[
        [pltpu.VMEM((_C_CH,), jnp.int32)] * 2,
        [pltpu.VMEM((_C_CH,), jnp.int32)] * 2,
        [pltpu.VMEM((_C_CH, _HHID), jnp.float32)] * 2,
        pltpu.VMEM_SHARED((N_NODES, _HHID), jnp.float32),
        [pltpu.SemaphoreType.DMA] * 2,
    ],
)
def _edge_agg(src_hbm, dst_hbm, xe2_hbm, out_hbm,
              sidx, didx, msgs, agg_sh, sem):
    c = lax.axis_index("c")
    s = lax.axis_index("s")
    roff = c * N_NODES

    zpat = jnp.zeros((16,), jnp.float32)

    def zrow(r, carry):
        def zcol(k, carry2):
            msgs[0][r, pl.ds(k * 16, 16)] = zpat
            msgs[1][r, pl.ds(k * 16, 16)] = zpat
            return carry2

        lax.fori_loop(0, _HHID // 16, zcol, 0)
        return carry

    lax.fori_loop(0, _C_CH, zrow, 0)
    pltpu.sync_copy(msgs[0], agg_sh.at[pl.ds(s * _C_RPT, _C_CH)])
    pltpu.sync_copy(msgs[0].at[pl.ds(0, _C_RPT - _C_CH)],
                    agg_sh.at[pl.ds(s * _C_RPT + _C_CH, _C_RPT - _C_CH)])

    @pl.when(s == NS - 1)
    def _():
        pltpu.sync_copy(msgs[0].at[pl.ds(0, 16)],
                        agg_sh.at[pl.ds(NS * _C_RPT, 16)])

    plsc.subcore_barrier()

    def fire(chunk, b):
        base = s * _C_EPT + chunk * _C_CH
        pltpu.sync_copy(src_hbm.at[pl.ds(base, _C_CH)], sidx[b])
        pltpu.sync_copy(dst_hbm.at[pl.ds(base, _C_CH)], didx[b])

        def adj(k, carry2):
            sidx[b][pl.ds(k * 16, 16)] = sidx[b][pl.ds(k * 16, 16)] + roff
            return carry2

        lax.fori_loop(0, _C_CH // 16, adj, 0)
        pltpu.async_copy(xe2_hbm.at[sidx[b]], msgs[b], sem[b])

    def drain(b):
        pltpu.make_async_copy(xe2_hbm.at[pl.ds(0, _C_CH)], msgs[b],
                              sem[b]).wait()
        pltpu.sync_copy(msgs[b], agg_sh.at[didx[b]], add=True)

    fire(0, 0)

    def body(i, carry):
        for b in range(2):
            nxt = i * 2 + b + 1

            @pl.when(nxt < _C_NCH)
            def _():
                fire(nxt, 1 - b)

            drain(b)
        return carry

    lax.fori_loop(0, _C_NCH // 2, body, 0)
    plsc.subcore_barrier()
    pltpu.sync_copy(agg_sh.at[pl.ds(s * _C_RPT, _C_RPT)],
                    out_hbm.at[pl.ds(roff + s * _C_RPT, _C_RPT)])

    @pl.when(s == NS - 1)
    def _():
        pltpu.sync_copy(agg_sh.at[pl.ds(NS * _C_RPT, 16)],
                        out_hbm.at[pl.ds(roff + NS * _C_RPT, 16)])


_T_PAD = 5120
_T_PT = _T_PAD // NW


@functools.partial(
    pl.kernel,
    out_type=jax.ShapeDtypeStruct((_T_PAD, HID), jnp.float32),
    mesh=_MESH,
    compiler_params=pltpu.CompilerParams(use_tc_tiling_on_sc=False),
    scratch_types=[
        pltpu.VMEM((_T_PT,), jnp.int32),
        pltpu.VMEM((_T_PT, HID), jnp.float32),
        pltpu.SemaphoreType.DMA,
    ],
)
def _ids_gather(ids_hbm, h_hbm, out_hbm, idx, rows, sem):
    wid = lax.axis_index("s") * NC + lax.axis_index("c")
    base = wid * _T_PT
    pltpu.sync_copy(ids_hbm.at[pl.ds(base, _T_PT)], idx)
    pltpu.async_copy(h_hbm.at[idx], rows, sem).wait()
    pltpu.sync_copy(rows, out_hbm.at[pl.ds(base, _T_PT)])


_B_BLK = 400


def _xe_body(tagE_ref, subE_ref, W1_ref, b1_ref, W2_ref, b2_ref,
             g_ref, bb_ref, out_ref):
    x = (tagE_ref[...] + subE_ref[...]).astype(jnp.bfloat16)
    a = jnp.maximum(
        jnp.dot(x, W1_ref[...], preferred_element_type=jnp.float32) + b1_ref[...], 0.0)
    a = a.astype(jnp.bfloat16)
    y = jnp.dot(a, W2_ref[...], preferred_element_type=jnp.float32) + b2_ref[...]
    mu = jnp.mean(y, axis=1, keepdims=True)
    var = jnp.mean((y - mu) ** 2, axis=1, keepdims=True)
    out_ref[...] = (y - mu) * lax.rsqrt(var + 1e-12) * g_ref[...] + bb_ref[...]


def _xe_mlp(tagE, subE, W1, b1, W2, b2, ln_g, ln_b):
    n = tagE.shape[0]
    grid = n // _B_BLK
    return pl.pallas_call(
        _xe_body,
        grid=(grid,),
        in_specs=[
            pl.BlockSpec((_B_BLK, DEPTH * UNIT), lambda i: (i, 0)),
            pl.BlockSpec((_B_BLK, DEPTH * UNIT), lambda i: (i, 0)),
            pl.BlockSpec(W1.shape, lambda i: (0, 0)),
            pl.BlockSpec(b1.shape, lambda i: (0,)),
            pl.BlockSpec(W2.shape, lambda i: (0, 0)),
            pl.BlockSpec(b2.shape, lambda i: (0,)),
            pl.BlockSpec(ln_g.shape, lambda i: (0,)),
            pl.BlockSpec(ln_b.shape, lambda i: (0,)),
        ],
        out_specs=pl.BlockSpec((_B_BLK, HID), lambda i: (i, 0)),
        out_shape=jax.ShapeDtypeStruct((n, HID), jnp.float32),
    )(tagE, subE, W1, b1, W2, b2, ln_g, ln_b)


_H_BLK = 1000


def _h_body(aL_ref, aR_ref, d0_ref, d1_ref, WgT_ref, WgB_ref, bg_ref, out_ref):
    deg = jnp.clip(d0_ref[:, 0:1] + d1_ref[:, 0:1], 1.0, None)
    xL = aL_ref[...] / deg
    xR = aR_ref[...] / deg
    out_ref[...] = jnp.maximum(
        jnp.dot(xL, WgT_ref[...], preferred_element_type=jnp.float32)
        + jnp.dot(xR, WgB_ref[...], preferred_element_type=jnp.float32)
        + bg_ref[...], 0.0)


def _h_mlp(agg2, deg2, Wg, bg):
    grid = N_NODES // _H_BLK
    return pl.pallas_call(
        _h_body,
        grid=(grid,),
        in_specs=[
            pl.BlockSpec((_H_BLK, _HHID), lambda i: (i, 0)),
            pl.BlockSpec((_H_BLK, _HHID), lambda i: (i + N_NODES // _H_BLK, 0)),
            pl.BlockSpec((_H_BLK, _DW), lambda i: (i, 0)),
            pl.BlockSpec((_H_BLK, _DW), lambda i: (i + N_NODES // _H_BLK, 0)),
            pl.BlockSpec((_HHID, HID), lambda i: (0, 0)),
            pl.BlockSpec((_HHID, HID), lambda i: (0, 0)),
            pl.BlockSpec(bg.shape, lambda i: (0,)),
        ],
        out_specs=pl.BlockSpec((_H_BLK, HID), lambda i: (i, 0)),
        out_shape=jax.ShapeDtypeStruct((N_NODES, HID), jnp.float32),
    )(agg2, agg2, deg2, deg2, Wg[:_HHID], Wg[_HHID:], bg)


_F_BLK = 1000


def _head_body(tx_ref, te_ref, W1a_ref, W1b_ref, b1_ref, W2_ref, b2_ref,
               W3_ref, b3_ref, out_ref):
    a = jnp.maximum(
        jnp.dot(te_ref[...], W1a_ref[...], preferred_element_type=jnp.float32)
        + jnp.dot(tx_ref[...], W1b_ref[...], preferred_element_type=jnp.float32)
        + b1_ref[...], 0.0)
    b = jnp.maximum(
        jnp.dot(a, W2_ref[...], preferred_element_type=jnp.float32) + b2_ref[...], 0.0)
    out_ref[...] = jnp.dot(b, W3_ref[...], preferred_element_type=jnp.float32) + b3_ref[...]


def _head(tx, text_emb, Wm1a, Wm1b, bm1, Wm2, bm2, Wm3, bm3):
    grid = T // _F_BLK
    return pl.pallas_call(
        _head_body,
        grid=(grid,),
        in_specs=[
            pl.BlockSpec((_F_BLK, HID), lambda i: (i, 0)),
            pl.BlockSpec((_F_BLK, HID), lambda i: (i, 0)),
            pl.BlockSpec(Wm1a.shape, lambda i: (0, 0)),
            pl.BlockSpec(Wm1b.shape, lambda i: (0, 0)),
            pl.BlockSpec(bm1.shape, lambda i: (0,)),
            pl.BlockSpec(Wm2.shape, lambda i: (0, 0)),
            pl.BlockSpec(bm2.shape, lambda i: (0,)),
            pl.BlockSpec(Wm3.shape, lambda i: (0, 0)),
            pl.BlockSpec(bm3.shape, lambda i: (0,)),
        ],
        out_specs=pl.BlockSpec((_F_BLK, Wm3.shape[1]), lambda i: (i, 0)),
        out_shape=jax.ShapeDtypeStruct((T, Wm3.shape[1]), jnp.float32),
    )(tx, text_emb, Wm1a, Wm1b, bm1, Wm2, bm2, Wm3, bm3)


def kernel(xpath_tags_seq, xpath_subs_seq, text_embeddings, ids, edge_index,
           tag_table, sub_table, W1, b1, W2, b2, ln_g, ln_b,
           Wg, bg, Wm1, bm1, Wm2, bm2, Wm3, bm3):
    tags_flat = xpath_tags_seq.reshape(-1)
    subs_flat = xpath_subs_seq.reshape(-1)
    tagE, subE = _embed_gather(tags_flat, subs_flat, tag_table, sub_table)
    tagE = tagE.reshape(N_NODES, DEPTH * UNIT)
    subE = subE.reshape(N_NODES, DEPTH * UNIT)
    xe = _xe_mlp(tagE, subE, W1.astype(jnp.bfloat16), b1,
                 W2.astype(jnp.bfloat16), b2, ln_g, ln_b)

    src = edge_index[0]
    dst = edge_index[1]
    deg2 = _degree(dst)
    xe2 = jnp.concatenate([xe[:, :_HHID], xe[:, _HHID:]], axis=0)
    agg2 = _edge_agg(src, dst, xe2)
    h = _h_mlp(agg2, deg2, Wg, bg)

    ids_pad = jnp.concatenate([ids, jnp.zeros((_T_PAD - T,), jnp.int32)])
    tx = _ids_gather(ids_pad, h)[:T]
    return _head(tx, text_embeddings, Wm1[:HID], Wm1[HID:], bm1,
                 Wm2, bm2, Wm3, bm3)

# --- scband reference (transcript-rebuilt; emitter-appended) ---
"""Pipeline reference for scband-model-28132035789184 (READ-ONLY COPY).

The authoritative reference and input builder live on the scoring server;
editing this copy changes nothing except your own understanding.
"""

import jax, jax.numpy as jnp
import numpy as np

N_NODES = 10000
N_EDGES = 320000
DEPTH = 50
UNIT = 32
TAG_V = 256
SUB_V = 1024
HID = 128
GNN_OUT = 128
TEXT = 128
T = 5000
H1 = 256
H2 = 128
NCLS = 10


def setup_inputs(seed: int = 0) -> dict:
    key = jax.random.key(seed)
    ks = jax.random.split(key, 24)
    s = 0.02
    inp = {}
    inp['xpath_tags_seq'] = jax.random.randint(ks[0], (N_NODES, DEPTH), 0, TAG_V, dtype=jnp.int32)
    inp['xpath_subs_seq'] = jax.random.randint(ks[1], (N_NODES, DEPTH), 0, SUB_V, dtype=jnp.int32)
    inp['text_embeddings'] = jax.random.normal(ks[2], (T, TEXT), dtype=jnp.float32)
    inp['ids'] = jax.random.randint(ks[3], (T,), 0, N_NODES, dtype=jnp.int32)
    inp['edge_index'] = jax.random.randint(ks[4], (2, N_EDGES), 0, N_NODES, dtype=jnp.int32)
    # XPathEmbeddings params (MarkupLM-style)
    inp['tag_table'] = jax.random.normal(ks[5], (TAG_V, UNIT), dtype=jnp.float32) * s
    inp['sub_table'] = jax.random.normal(ks[6], (SUB_V, UNIT), dtype=jnp.float32) * s
    inp['W1'] = jax.random.normal(ks[7], (DEPTH * UNIT, 4 * HID), dtype=jnp.float32) * s
    inp['b1'] = jnp.zeros((4 * HID,), dtype=jnp.float32)
    inp['W2'] = jax.random.normal(ks[8], (4 * HID, HID), dtype=jnp.float32) * s
    inp['b2'] = jnp.zeros((HID,), dtype=jnp.float32)
    inp['ln_g'] = jnp.ones((HID,), dtype=jnp.float32)
    inp['ln_b'] = jnp.zeros((HID,), dtype=jnp.float32)
    # GNN (GraphConv) params
    inp['Wg'] = jax.random.normal(ks[9], (HID, GNN_OUT), dtype=jnp.float32) * s
    inp['bg'] = jnp.zeros((GNN_OUT,), dtype=jnp.float32)
    # MLP classifier params
    inp['Wm1'] = jax.random.normal(ks[10], (TEXT + GNN_OUT, H1), dtype=jnp.float32) * s
    inp['bm1'] = jnp.zeros((H1,), dtype=jnp.float32)
    inp['Wm2'] = jax.random.normal(ks[11], (H1, H2), dtype=jnp.float32) * s
    inp['bm2'] = jnp.zeros((H2,), dtype=jnp.float32)
    inp['Wm3'] = jax.random.normal(ks[12], (H2, NCLS), dtype=jnp.float32) * s
    inp['bm3'] = jnp.zeros((NCLS,), dtype=jnp.float32)
    return inp


def _layernorm(x, g, b, eps=1e-12):
    mu = jnp.mean(x, axis=-1, keepdims=True)
    var = jnp.mean((x - mu) ** 2, axis=-1, keepdims=True)
    return (x - mu) * jax.lax.rsqrt(var + eps) * g + b


def reference(xpath_tags_seq, xpath_subs_seq, text_embeddings, ids, edge_index,
              tag_table, sub_table, W1, b1, W2, b2, ln_g, ln_b,
              Wg, bg, Wm1, bm1, Wm2, bm2, Wm3, bm3):
    # --- XPathEmbeddings: per-depth tag + subs unit embeddings ---
    tag_e = jnp.take(tag_table, xpath_tags_seq, axis=0)   # [N, 50, 32]
    sub_e = jnp.take(sub_table, xpath_subs_seq, axis=0)   # [N, 50, 32]
    xe = (tag_e + sub_e).reshape(xpath_tags_seq.shape[0], DEPTH * UNIT)
    xe = jax.nn.relu(xe @ W1 + b1)
    xe = xe @ W2 + b2
    xe = _layernorm(xe, ln_g, ln_b)                        # [N, HID]
    # torch.squeeze is a no-op for [N, HID]
    # --- GNN (GraphConv, mean aggregation over incoming edges) ---
    src = edge_index[0]
    dst = edge_index[1]
    msg = jnp.take(xe, src, axis=0)                        # gather [E, HID]
    agg = jax.ops.segment_sum(msg, dst, num_segments=N_NODES)
    deg = jax.ops.segment_sum(jnp.ones((msg.shape[0],), jnp.float32), dst, num_segments=N_NODES)
    agg = agg / jnp.clip(deg, 1.0, None)[:, None]
    h = jax.nn.relu(agg @ Wg + bg)                         # [N, GNN_OUT]
    # --- fetch text-node embeddings (global index_select over batched graphs) ---
    tx = jnp.take(h, ids, axis=0)                          # [T, GNN_OUT]
    z = jnp.concatenate([text_embeddings, tx], axis=1)     # [T, TEXT+GNN_OUT]
    # --- MLP classifier (dropout = identity in eval) ---
    z = jax.nn.relu(z @ Wm1 + bm1)
    z = jax.nn.relu(z @ Wm2 + bm2)
    out = z @ Wm3 + bm3                                    # [T, NCLS]
    return out

if __name__ == "__main__":
    import jax
    _d = setup_inputs()
    print(jax.jit(kernel)(*tuple(_d.values())))

</pallas_src>

<mosaic_0001>
#map = affine_map<(d0, d1) -> (0)>
#map1 = affine_map<(d0, d1) -> (0, 0)>
module attributes {stable_mosaic.version = 14 : i64} {
  func.func @_degree(%arg0: i32, %arg1: i32, %arg2: memref<320000xi32, #tpu.memory_space<hbm>>, %arg3: memref<20000x16xf32, #tpu.memory_space<hbm>>, %arg4: memref<400xi32, #tpu.memory_space<vmem>>, %arg5: memref<400x16xf32, #tpu.memory_space<vmem>>, %arg6: memref<624x16xf32, #tpu.memory_space<vmem>>, %arg7: memref<10000x16xf32, #tpu.memory_space<vmem_shared>>) attributes {dimension_semantics = [#tpu.dimension_semantics<core_parallel>, #tpu.dimension_semantics<subcore_parallel>], iteration_bounds = array<i64: 2, 16>, scalar_prefetch = 0 : i64, scratch_operands = 4 : i64, tpu.core_type = #tpu.core_type<sc_vector_subcore>, window_params = [{transform_indices = #map}, {transform_indices = #map1}]} {
    %mul3A = arith.constant 2 : i32
    %mul3A_0 = arith.muli %arg1, %mul3A : i32
    %add3A = arith.addi %mul3A_0, %arg0 : i32
    %iota3A = tpu.iota {dimensions = array<i32: 0>} : vector<16xi32>
    %eq3A = arith.constant 0 : i32
    %eq3A_1 = vector.broadcast %eq3A : i32 to vector<16xi32>
    %eq3A_2 = arith.cmpi eq, %iota3A, %eq3A_1 : vector<16xi32>
    %jit3A = arith.constant 1.000000e+00 : f32
    %jit3A_3 = arith.constant 0.000000e+00 : f32
    %broadcast_in_dim3A = vector.broadcast %jit3A : f32 to vector<16xf32>
    %broadcast_in_dim3A_4 = vector.broadcast %jit3A_3 : f32 to vector<16xf32>
    %select_n3A = arith.select %eq3A_2, %broadcast_in_dim3A, %broadcast_in_dim3A_4 : vector<16xi1>, vector<16xf32>
    %broadcast_in_dim3A_5 = arith.constant 0.000000e+00 : f32
    %broadcast_in_dim3A_6 = vector.broadcast %broadcast_in_dim3A_5 : f32 to vector<16xf32>
    %scan3A = arith.constant 0 : i32
    %scan3A_7 = arith.constant 0 : i32
    %scan3A_8 = arith.constant 400 : i32
    %scan3A_9 = arith.addi %scan3A_7, %scan3A_8 : i32
    %scan3A_10 = arith.constant 1 : i32
    scf.for %scan3A_42 = %scan3A_7 to %scan3A_9 step %scan3A_10  : i32 {
      %swap3A = arith.index_cast %scan3A_42 : i32 to index
      %swap3A_43 = arith.constant 0 : index
      %swap3A_44 = tpu.vector_load %arg5[%swap3A, %swap3A_43] {strides = array<i32>} : memref<400x16xf32, #tpu.memory_space<vmem>>, vector<1x16xf32>,
      %swap3A_45 = vector.shape_cast %swap3A_44 : vector<1x16xf32> to vector<16xf32>
      %swap3A_46 = vector.shape_cast %select_n3A : vector<16xf32> to vector<1x16xf32>
      tpu.vector_store %arg5[%swap3A, %swap3A_43], %swap3A_46 {strides = array<i32>} : memref<400x16xf32, #tpu.memory_space<vmem>>, vector<1x16xf32>,
    }
    %scan3A_11 = arith.constant 400 : i32
    %scan3A_12 = arith.constant 0 : i32
    %scan3A_13 = arith.constant 0 : i32
    %scan3A_14 = arith.constant 624 : i32
    %scan3A_15 = arith.addi %scan3A_13, %scan3A_14 : i32
    %scan3A_16 = arith.constant 1 : i32
    scf.for %scan3A_42 = %scan3A_13 to %scan3A_15 step %scan3A_16  : i32 {
      %swap3A = arith.index_cast %scan3A_42 : i32 to index
      %swap3A_43 = arith.constant 0 : index
      %swap3A_44 = tpu.vector_load %arg6[%swap3A, %swap3A_43] {strides = array<i32>} : memref<624x16xf32, #tpu.memory_space<vmem>>, vector<1x16xf32>,
      %swap3A_45 = vector.shape_cast %swap3A_44 : vector<1x16xf32> to vector<16xf32>
      %swap3A_46 = vector.shape_cast %broadcast_in_dim3A_6 : vector<16xf32> to vector<1x16xf32>
      tpu.vector_store %arg6[%swap3A, %swap3A_43], %swap3A_46 {strides = array<i32>} : memref<624x16xf32, #tpu.memory_space<vmem>>, vector<1x16xf32>,
    }
    %scan3A_17 = arith.constant 624 : i32
    %mul3A_18 = arith.constant 624 : i32
    %mul3A_19 = arith.muli %arg1, %mul3A_18 : i32
    "tpu.region"() ({
      %run_scoped3A = tpu.sem_alloc : memref<!tpu.dma_semaphore, #tpu.memory_space<semaphore_mem>>
      %dma_start3A = arith.constant 0 : i32
      %dma_start3A_42 = tpu.memref_slice %arg7[%mul3A_19, %dma_start3A] : memref<10000x16xf32, #tpu.memory_space<vmem_shared>> -> memref<624x16xf32, #tpu.memory_space<vmem_shared>>
      %dma_start3A_43 = arith.constant 0 : i32
      %dma_start3A_44 = tpu.memref_slice %arg7[%mul3A_19, %dma_start3A_43] : memref<10000x16xf32, #tpu.memory_space<vmem_shared>> -> memref<624x16xf32, #tpu.memory_space<vmem_shared>>
      tpu.enqueue_dma source(%arg6 : memref<624x16xf32, #tpu.memory_space<vmem>>) target(%dma_start3A_44 : memref<624x16xf32, #tpu.memory_space<vmem_shared>>) target_semaphore(%run_scoped3A : memref<!tpu.dma_semaphore, #tpu.memory_space<semaphore_mem>>)
      %dma_wait3A = arith.constant 0 : i32
      %dma_wait3A_45 = tpu.memref_slice %arg7[%mul3A_19, %dma_wait3A] : memref<10000x16xf32, #tpu.memory_space<vmem_shared>> -> memref<624x16xf32, #tpu.memory_space<vmem_shared>>
      %dma_wait3A_46 = arith.constant 0 : i32
      %dma_wait3A_47 = tpu.memref_slice %arg7[%mul3A_19, %dma_wait3A_46] : memref<10000x16xf32, #tpu.memory_space<vmem_shared>> -> memref<624x16xf32, #tpu.memory_space<vmem_shared>>
      tpu.wait_dma2 semaphore(%run_scoped3A : memref<!tpu.dma_semaphore, #tpu.memory_space<semaphore_mem>>) src(%arg6 : memref<624x16xf32, #tpu.memory_space<vmem>>) dst(%dma_wait3A_47 : memref<624x16xf32, #tpu.memory_space<vmem_shared>>)
      tpu.yield
    }) : () -> ()
    %eq3A_20 = arith.constant 15 : i32
    %eq3A_21 = arith.cmpi eq, %arg1, %eq3A_20 : i32
    %convert_element_type3A = arith.extui %eq3A_21 : i1 to i32
    %cond3A = arith.constant 0 : i32
    %cond3A_22 = arith.cmpi ne, %convert_element_type3A, %cond3A : i32
    scf.if %cond3A_22 {
      "tpu.region"() ({
        %run_scoped3A = tpu.sem_alloc : memref<!tpu.dma_semaphore, #tpu.memory_space<semaphore_mem>>
        %dma_start3A = arith.constant 0 : i32
        %dma_start3A_42 = arith.constant 0 : i32
        %dma_start3A_43 = tpu.memref_slice %arg6[%dma_start3A, %dma_start3A_42] : memref<624x16xf32, #tpu.memory_space<vmem>> -> memref<16x16xf32, #tpu.memory_space<vmem>>
        %dma_start3A_44 = arith.constant 9984 : i32
        %dma_start3A_45 = arith.constant 0 : i32
        %dma_start3A_46 = tpu.memref_slice %arg7[%dma_start3A_44, %dma_start3A_45] : memref<10000x16xf32, #tpu.memory_space<vmem_shared>> -> memref<16x16xf32, #tpu.memory_space<vmem_shared>>
        %dma_start3A_47 = arith.constant 9984 : i32
        %dma_start3A_48 = arith.constant 0 : i32
        %dma_start3A_49 = tpu.memref_slice %arg7[%dma_start3A_47, %dma_start3A_48] : memref<10000x16xf32, #tpu.memory_space<vmem_shared>> -> memref<16x16xf32, #tpu.memory_space<vmem_shared>>
        %dma_start3A_50 = arith.constant 0 : i32
        %dma_start3A_51 = arith.constant 0 : i32
        %dma_start3A_52 = tpu.memref_slice %arg6[%dma_start3A_50, %dma_start3A_51] : memref<624x16xf32, #tpu.memory_space<vmem>> -> memref<16x16xf32, #tpu.memory_space<vmem>>
        tpu.enqueue_dma source(%dma_start3A_52 : memref<16x16xf32, #tpu.memory_space<vmem>>) target(%dma_start3A_49 : memref<16x16xf32, #tpu.memory_space<vmem_shared>>) target_semaphore(%run_scoped3A : memref<!tpu.dma_semaphore, #tpu.memory_space<semaphore_mem>>)
        %dma_wait3A = arith.constant 0 : i32
        %dma_wait3A_53 = arith.constant 0 : i32
        %dma_wait3A_54 = tpu.memref_slice %arg6[%dma_wait3A, %dma_wait3A_53] : memref<624x16xf32, #tpu.memory_space<vmem>> -> memref<16x16xf32, #tpu.memory_space<vmem>>
        %dma_wait3A_55 = arith.constant 9984 : i32
        %dma_wait3A_56 = arith.constant 0 : i32
        %dma_wait3A_57 = tpu.memref_slice %arg7[%dma_wait3A_55, %dma_wait3A_56] : memref<10000x16xf32, #tpu.memory_space<vmem_shared>> -> memref<16x16xf32, #tpu.memory_space<vmem_shared>>
        %dma_wait3A_58 = arith.constant 9984 : i32
        %dma_wait3A_59 = arith.constant 0 : i32
        %dma_wait3A_60 = tpu.memref_slice %arg7[%dma_wait3A_58, %dma_wait3A_59] : memref<10000x16xf32, #tpu.memory_space<vmem_shared>> -> memref<16x16xf32, #tpu.memory_space<vmem_shared>>
        %dma_wait3A_61 = arith.constant 0 : i32
        %dma_wait3A_62 = arith.constant 0 : i32
        %dma_wait3A_63 = tpu.memref_slice %arg6[%dma_wait3A_61, %dma_wait3A_62] : memref<624x16xf32, #tpu.memory_space<vmem>> -> memref<16x16xf32, #tpu.memory_space<vmem>>
        tpu.wait_dma2 semaphore(%run_scoped3A : memref<!tpu.dma_semaphore, #tpu.memory_space<semaphore_mem>>) src(%dma_wait3A_63 : memref<16x16xf32, #tpu.memory_space<vmem>>) dst(%dma_wait3A_60 : memref<16x16xf32, #tpu.memory_space<vmem_shared>>)
        tpu.yield
      }) : () -> ()
    } else {
    }
    %barrier3A = arith.constant 0 : index
    tpu.barrier barrier_id(%barrier3A)
    %scan3A_23 = arith.constant 0 : i32
    %scan3A_24 = arith.constant 0 : i32
    %scan3A_25 = arith.constant 25 : i32
    %scan3A_26 = arith.addi %scan3A_24, %scan3A_25 : i32
    %scan3A_27 = arith.constant 1 : i32
    scf.for %scan3A_42 = %scan3A_24 to %scan3A_26 step %scan3A_27  : i32 {
      %mul3A_43 = arith.constant 10000 : i32
      %mul3A_44 = arith.muli %add3A, %mul3A_43 : i32
      %mul3A_45 = arith.constant 400 : i32
      %mul3A_46 = arith.muli %scan3A_42, %mul3A_45 : i32
      %add3A_47 = arith.addi %mul3A_44, %mul3A_46 : i32
      "tpu.region"() ({
        %run_scoped3A = tpu.sem_alloc : memref<!tpu.dma_semaphore, #tpu.memory_space<semaphore_mem>>
        %dma_start3A = tpu.memref_slice %arg2[%add3A_47] : memref<320000xi32, #tpu.memory_space<hbm>> -> memref<400xi32, #tpu.memory_space<hbm>>
        %dma_start3A_48 = tpu.memref_slice %arg2[%add3A_47] : memref<320000xi32, #tpu.memory_space<hbm>> -> memref<400xi32, #tpu.memory_space<hbm>>
        tpu.enqueue_dma source(%dma_start3A_48 : memref<400xi32, #tpu.memory_space<hbm>>) target(%arg4 : memref<400xi32, #tpu.memory_space<vmem>>) target_semaphore(%run_scoped3A : memref<!tpu.dma_semaphore, #tpu.memory_space<semaphore_mem>>)
        %dma_wait3A = tpu.memref_slice %arg2[%add3A_47] : memref<320000xi32, #tpu.memory_space<hbm>> -> memref<400xi32, #tpu.memory_space<hbm>>
        %dma_wait3A_49 = tpu.memref_slice %arg2[%add3A_47] : memref<320000xi32, #tpu.memory_space<hbm>> -> memref<400xi32, #tpu.memory_space<hbm>>
        tpu.wait_dma2 semaphore(%run_scoped3A : memref<!tpu.dma_semaphore, #tpu.memory_space<semaphore_mem>>) src(%dma_wait3A_49 : memref<400xi32, #tpu.memory_space<hbm>>) dst(%arg4 : memref<400xi32, #tpu.memory_space<vmem>>)
        tpu.yield
      }) : () -> ()
      "tpu.region"() ({
        %run_scoped3A = tpu.sem_alloc : memref<!tpu.dma_semaphore, #tpu.memory_space<semaphore_mem>>
        %dma_start3A = arith.constant 0 : i32
        %dma_start3A_48 = arith.constant 0 : i32
        %dma_start3A_49 = tpu.memref_slice %arg7[%dma_start3A, %dma_start3A_48] : memref<10000x16xf32, #tpu.memory_space<vmem_shared>> -> memref<10000x16xf32, #tpu.memory_space<vmem_shared>>
        tpu.enqueue_indirect_dma source(%arg5 : memref<400x16xf32, #tpu.memory_space<vmem>>) target(%dma_start3A_49 : memref<10000x16xf32, #tpu.memory_space<vmem_shared>>) offsets(%arg4 : memref<400xi32, #tpu.memory_space<vmem>>) semaphore(%run_scoped3A : memref<!tpu.dma_semaphore, #tpu.memory_space<semaphore_mem>>) {add = true}
        %dma_wait3A = arith.constant 0 : i32
        %dma_wait3A_50 = arith.constant 0 : i32
        %dma_wait3A_51 = tpu.memref_slice %arg7[%dma_wait3A, %dma_wait3A_50] : memref<10000x16xf32, #tpu.memory_space<vmem_shared>> -> memref<10000x16xf32, #tpu.memory_space<vmem_shared>>
        tpu.wait_indirect_dma semaphore(%run_scoped3A : memref<!tpu.dma_semaphore, #tpu.memory_space<semaphore_mem>>) src(%arg5 : memref<400x16xf32, #tpu.memory_space<vmem>>) dst(%dma_wait3A_51 : memref<10000x16xf32, #tpu.memory_space<vmem_shared>>)
        tpu.yield
      }) : () -> ()
    }
    %scan3A_28 = arith.constant 25 : i32
    %barrier3A_29 = arith.constant 0 : index
    tpu.barrier barrier_id(%barrier3A_29)
    %mul3A_30 = arith.constant 624 : i32
    %mul3A_31 = arith.muli %arg1, %mul3A_30 : i32
    %mul3A_32 = arith.constant 10000 : i32
    %mul3A_33 = arith.muli %arg0, %mul3A_32 : i32
    %mul3A_34 = arith.constant 624 : i32
    %mul3A_35 = arith.muli %arg1, %mul3A_34 : i32
    %add3A_36 = arith.addi %mul3A_33, %mul3A_35 : i32
    "tpu.region"() ({
      %run_scoped3A = tpu.sem_alloc : memref<!tpu.dma_semaphore, #tpu.memory_space<semaphore_mem>>
      %dma_start3A = arith.constant 0 : i32
      %dma_start3A_42 = tpu.memref_slice %arg3[%add3A_36, %dma_start3A] : memref<20000x16xf32, #tpu.memory_space<hbm>> -> memref<624x16xf32, #tpu.memory_space<hbm>>
      %dma_start3A_43 = arith.constant 0 : i32
      %dma_start3A_44 = tpu.memref_slice %arg7[%mul3A_31, %dma_start3A_43] : memref<10000x16xf32, #tpu.memory_space<vmem_shared>> -> memref<624x16xf32, #tpu.memory_space<vmem_shared>>
      tpu.enqueue_dma source(%dma_start3A_44 : memref<624x16xf32, #tpu.memory_space<vmem_shared>>) target(%dma_start3A_42 : memref<624x16xf32, #tpu.memory_space<hbm>>) target_semaphore(%run_scoped3A : memref<!tpu.dma_semaphore, #tpu.memory_space<semaphore_mem>>)
      %dma_wait3A = arith.constant 0 : i32
      %dma_wait3A_45 = tpu.memref_slice %arg3[%add3A_36, %dma_wait3A] : memref<20000x16xf32, #tpu.memory_space<hbm>> -> memref<624x16xf32, #tpu.memory_space<hbm>>
      %dma_wait3A_46 = arith.constant 0 : i32
      %dma_wait3A_47 = tpu.memref_slice %arg7[%mul3A_31, %dma_wait3A_46] : memref<10000x16xf32, #tpu.memory_space<vmem_shared>> -> memref<624x16xf32, #tpu.memory_space<vmem_shared>>
      tpu.wait_dma2 semaphore(%run_scoped3A : memref<!tpu.dma_semaphore, #tpu.memory_space<semaphore_mem>>) src(%dma_wait3A_47 : memref<624x16xf32, #tpu.memory_space<vmem_shared>>) dst(%dma_wait3A_45 : memref<624x16xf32, #tpu.memory_space<hbm>>)
      tpu.yield
    }) : () -> ()
    %eq3A_37 = arith.constant 15 : i32
    %eq3A_38 = arith.cmpi eq, %arg1, %eq3A_37 : i32
    %convert_element_type3A_39 = arith.extui %eq3A_38 : i1 to i32
    %cond3A_40 = arith.constant 0 : i32
    %cond3A_41 = arith.cmpi ne, %convert_element_type3A_39, %cond3A_40 : i32
    scf.if %cond3A_41 {
      %mul3A_42 = arith.constant 10000 : i32
      %mul3A_43 = arith.muli %arg0, %mul3A_42 : i32
      %add3A_44 = arith.constant 9984 : i32
      %add3A_45 = arith.addi %mul3A_43, %add3A_44 : i32
      "tpu.region"() ({
        %run_scoped3A = tpu.sem_alloc : memref<!tpu.dma_semaphore, #tpu.memory_space<semaphore_mem>>
        %dma_start3A = arith.constant 0 : i32
        %dma_start3A_46 = tpu.memref_slice %arg3[%add3A_45, %dma_start3A] : memref<20000x16xf32, #tpu.memory_space<hbm>> -> memref<16x16xf32, #tpu.memory_space<hbm>>
        %dma_start3A_47 = arith.constant 9984 : i32
        %dma_start3A_48 = arith.constant 0 : i32
        %dma_start3A_49 = tpu.memref_slice %arg7[%dma_start3A_47, %dma_start3A_48] : memref<10000x16xf32, #tpu.memory_space<vmem_shared>> -> memref<16x16xf32, #tpu.memory_space<vmem_shared>>
        tpu.enqueue_dma source(%dma_start3A_49 : memref<16x16xf32, #tpu.memory_space<vmem_shared>>) target(%dma_start3A_46 : memref<16x16xf32, #tpu.memory_space<hbm>>) target_semaphore(%run_scoped3A : memref<!tpu.dma_semaphore, #tpu.memory_space<semaphore_mem>>)
        %dma_wait3A = arith.constant 0 : i32
        %dma_wait3A_50 = tpu.memref_slice %arg3[%add3A_45, %dma_wait3A] : memref<20000x16xf32, #tpu.memory_space<hbm>> -> memref<16x16xf32, #tpu.memory_space<hbm>>
        %dma_wait3A_51 = arith.constant 9984 : i32
        %dma_wait3A_52 = arith.constant 0 : i32
        %dma_wait3A_53 = tpu.memref_slice %arg7[%dma_wait3A_51, %dma_wait3A_52] : memref<10000x16xf32, #tpu.memory_space<vmem_shared>> -> memref<16x16xf32, #tpu.memory_space<vmem_shared>>
        tpu.wait_dma2 semaphore(%run_scoped3A : memref<!tpu.dma_semaphore, #tpu.memory_space<semaphore_mem>>) src(%dma_wait3A_53 : memref<16x16xf32, #tpu.memory_space<vmem_shared>>) dst(%dma_wait3A_50 : memref<16x16xf32, #tpu.memory_space<hbm>>)
        tpu.yield
      }) : () -> ()
    } else {
    }
    return
  }
}

#map = affine_map<(d0, d1) -> (0)>
#map1 = affine_map<(d0, d1) -> (0, 0)>
module attributes {stable_mosaic.version = 14 : i64} {
  func.func @_embed_gather(%arg0: i32, %arg1: i32, %arg2: memref<500000xi32, #tpu.memory_space<hbm>>, %arg3: memref<500000xi32, #tpu.memory_space<hbm>>, %arg4: memref<256x32xf32, #tpu.memory_space<hbm>>, %arg5: memref<1024x32xf32, #tpu.memory_space<hbm>>, %arg6: memref<500000x32xf32, #tpu.memory_space<hbm>>, %arg7: memref<500000x32xf32, #tpu.memory_space<hbm>>, %arg8: memref<800xi32, #tpu.memory_space<vmem>>, %arg9: memref<800xi32, #tpu.memory_space<vmem>>, %arg10: memref<800xi32, #tpu.memory_space<vmem>>, %arg11: memref<800xi32, #tpu.memory_space<vmem>>, %arg12: memref<800x32xf32, #tpu.memory_space<vmem>>, %arg13: memref<800x32xf32, #tpu.memory_space<vmem>>, %arg14: memref<800x32xf32, #tpu.memory_space<vmem>>, %arg15: memref<800x32xf32, #tpu.memory_space<vmem>>, %arg16: memref<256x32xf32, #tpu.memory_space<vmem_shared>>, %arg17: memref<1024x32xf32, #tpu.memory_space<vmem_shared>>, %arg18: memref<!tpu.dma_semaphore, #tpu.memory_space<semaphore_mem>>, %arg19: memref<!tpu.dma_semaphore, #tpu.memory_space<semaphore_mem>>, %arg20: memref<!tpu.dma_semaphore, #tpu.memory_space<semaphore_mem>>, %arg21: memref<!tpu.dma_semaphore, #tpu.memory_space<semaphore_mem>>) attributes {dimension_semantics = [#tpu.dimension_semantics<core_parallel>, #tpu.dimension_semantics<subcore_parallel>], iteration_bounds = array<i64: 2, 16>, scalar_prefetch = 0 : i64, scratch_operands = 14 : i64, tpu.core_type = #tpu.core_type<sc_vector_subcore>, window_params = [{transform_indices = #map}, {transform_indices = #map}, {transform_indices = #map1}, {transform_indices = #map1}, {transform_indices = #map1}, {transform_indices = #map1}]} {
    %mul3A = arith.constant 2 : i32
    %mul3A_0 = arith.muli %arg1, %mul3A : i32
    %add3A = arith.addi %mul3A_0, %arg0 : i32
    %eq3A = arith.constant 0 : i32
    %eq3A_1 = arith.cmpi eq, %arg1, %eq3A : i32
    %convert_element_type3A = arith.extui %eq3A_1 : i1 to i32
    %cond3A = arith.constant 0 : i32
    %cond3A_2 = arith.cmpi ne, %convert_element_type3A, %cond3A : i32
    scf.if %cond3A_2 {
      "tpu.region"() ({
        %run_scoped3A = tpu.sem_alloc : memref<!tpu.dma_semaphore, #tpu.memory_space<semaphore_mem>>
        tpu.enqueue_dma source(%arg4 : memref<256x32xf32, #tpu.memory_space<hbm>>) target(%arg16 : memref<256x32xf32, #tpu.memory_space<vmem_shared>>) target_semaphore(%run_scoped3A : memref<!tpu.dma_semaphore, #tpu.memory_space<semaphore_mem>>)
        tpu.wait_dma2 semaphore(%run_scoped3A : memref<!tpu.dma_semaphore, #tpu.memory_space<semaphore_mem>>) src(%arg4 : memref<256x32xf32, #tpu.memory_space<hbm>>) dst(%arg16 : memref<256x32xf32, #tpu.memory_space<vmem_shared>>)
        tpu.yield
      }) : () -> ()
      "tpu.region"() ({
        %run_scoped3A = tpu.sem_alloc : memref<!tpu.dma_semaphore, #tpu.memory_space<semaphore_mem>>
        tpu.enqueue_dma source(%arg5 : memref<1024x32xf32, #tpu.memory_space<hbm>>) target(%arg17 : memref<1024x32xf32, #tpu.memory_space<vmem_shared>>) target_semaphore(%run_scoped3A : memref<!tpu.dma_semaphore, #tpu.memory_space<semaphore_mem>>)
        tpu.wait_dma2 semaphore(%run_scoped3A : memref<!tpu.dma_semaphore, #tpu.memory_space<semaphore_mem>>) src(%arg5 : memref<1024x32xf32, #tpu.memory_space<hbm>>) dst(%arg17 : memref<1024x32xf32, #tpu.memory_space<vmem_shared>>)
        tpu.yield
      }) : () -> ()
    } else {
    }
    %barrier3A = arith.constant 0 : index
    tpu.barrier barrier_id(%barrier3A)
    %mul3A_3 = arith.constant 800 : i32
    %mul3A_4 = arith.muli %add3A, %mul3A_3 : i32
    "tpu.region"() ({
      %run_scoped3A = tpu.sem_alloc : memref<!tpu.dma_semaphore, #tpu.memory_space<semaphore_mem>>
      %dma_start3A_15 = tpu.memref_slice %arg2[%mul3A_4] : memref<500000xi32, #tpu.memory_space<hbm>> -> memref<800xi32, #tpu.memory_space<hbm>>
      %dma_start3A_16 = tpu.memref_slice %arg2[%mul3A_4] : memref<500000xi32, #tpu.memory_space<hbm>> -> memref<800xi32, #tpu.memory_space<hbm>>
      tpu.enqueue_dma source(%dma_start3A_16 : memref<800xi32, #tpu.memory_space<hbm>>) target(%arg8 : memref<800xi32, #tpu.memory_space<vmem>>) target_semaphore(%run_scoped3A : memref<!tpu.dma_semaphore, #tpu.memory_space<semaphore_mem>>)
      %dma_wait3A = tpu.memref_slice %arg2[%mul3A_4] : memref<500000xi32, #tpu.memory_space<hbm>> -> memref<800xi32, #tpu.memory_space<hbm>>
      %dma_wait3A_17 = tpu.memref_slice %arg2[%mul3A_4] : memref<500000xi32, #tpu.memory_space<hbm>> -> memref<800xi32, #tpu.memory_space<hbm>>
      tpu.wait_dma2 semaphore(%run_scoped3A : memref<!tpu.dma_semaphore, #tpu.memory_space<semaphore_mem>>) src(%dma_wait3A_17 : memref<800xi32, #tpu.memory_space<hbm>>) dst(%arg8 : memref<800xi32, #tpu.memory_space<vmem>>)
      tpu.yield
    }) : () -> ()
    "tpu.region"() ({
      %run_scoped3A = tpu.sem_alloc : memref<!tpu.dma_semaphore, #tpu.memory_space<semaphore_mem>>
      %dma_start3A_15 = tpu.memref_slice %arg3[%mul3A_4] : memref<500000xi32, #tpu.memory_space<hbm>> -> memref<800xi32, #tpu.memory_space<hbm>>
      %dma_start3A_16 = tpu.memref_slice %arg3[%mul3A_4] : memref<500000xi32, #tpu.memory_space<hbm>> -> memref<800xi32, #tpu.memory_space<hbm>>
      tpu.enqueue_dma source(%dma_start3A_16 : memref<800xi32, #tpu.memory_space<hbm>>) target(%arg10 : memref<800xi32, #tpu.memory_space<vmem>>) target_semaphore(%run_scoped3A : memref<!tpu.dma_semaphore, #tpu.memory_space<semaphore_mem>>)
      %dma_wait3A = tpu.memref_slice %arg3[%mul3A_4] : memref<500000xi32, #tpu.memory_space<hbm>> -> memref<800xi32, #tpu.memory_space<hbm>>
      %dma_wait3A_17 = tpu.memref_slice %arg3[%mul3A_4] : memref<500000xi32, #tpu.memory_space<hbm>> -> memref<800xi32, #tpu.memory_space<hbm>>
      tpu.wait_dma2 semaphore(%run_scoped3A : memref<!tpu.dma_semaphore, #tpu.memory_space<semaphore_mem>>) src(%dma_wait3A_17 : memref<800xi32, #tpu.memory_space<hbm>>) dst(%arg10 : memref<800xi32, #tpu.memory_space<vmem>>)
      tpu.yield
    }) : () -> ()
    %dma_start3A = arith.constant 0 : i32
    %dma_start3A_5 = arith.constant 0 : i32
    %dma_start3A_6 = tpu.memref_slice %arg16[%dma_start3A, %dma_start3A_5] : memref<256x32xf32, #tpu.memory_space<vmem_shared>> -> memref<256x32xf32, #tpu.memory_space<vmem_shared>>
    tpu.enqueue_indirect_dma source(%dma_start3A_6 : memref<256x32xf32, #tpu.memory_space<vmem_shared>>) target(%arg12 : memref<800x32xf32, #tpu.memory_space<vmem>>) offsets(%arg8 : memref<800xi32, #tpu.memory_space<vmem>>) semaphore(%arg18 : memref<!tpu.dma_semaphore, #tpu.memory_space<semaphore_mem>>)
    %dma_start3A_7 = arith.constant 0 : i32
    %dma_start3A_8 = arith.constant 0 : i32
    %dma_start3A_9 = tpu.memref_slice %arg17[%dma_start3A_7, %dma_start3A_8] : memref<1024x32xf32, #tpu.memory_space<vmem_shared>> -> memref<1024x32xf32, #tpu.memory_space<vmem_shared>>
    tpu.enqueue_indirect_dma source(%dma_start3A_9 : memref<1024x32xf32, #tpu.memory_space<vmem_shared>>) target(%arg14 : memref<800x32xf32, #tpu.memory_space<vmem>>) offsets(%arg10 : memref<800xi32, #tpu.memory_space<vmem>>) semaphore(%arg20 : memref<!tpu.dma_semaphore, #tpu.memory_space<semaphore_mem>>)
    %scan3A = arith.constant 0 : i32
    %scan3A_10 = arith.constant 0 : i32
    %scan3A_11 = arith.constant 10 : i32
    %scan3A_12 = arith.addi %scan3A_10, %scan3A_11 : i32
    %scan3A_13 = arith.constant 1 : i32
    scf.for %scan3A_15 = %scan3A_10 to %scan3A_12 step %scan3A_13  : i32 {
      %mul3A_16 = arith.constant 2 : i32
      %mul3A_17 = arith.muli %scan3A_15, %mul3A_16 : i32
      %add3A_18 = arith.constant 0 : i32
      %add3A_19 = arith.addi %mul3A_17, %add3A_18 : i32
      %mul3A_20 = arith.constant 32 : i32
      %mul3A_21 = arith.muli %add3A_19, %mul3A_20 : i32
      %add3A_22 = arith.addi %mul3A_21, %add3A : i32
      %add3A_23 = arith.constant 32 : i32
      %add3A_24 = arith.addi %add3A_22, %add3A_23 : i32
      %lt3A = arith.constant 625 : i32
      %lt3A_25 = arith.cmpi slt, %add3A_24, %lt3A : i32
      %convert_element_type3A_26 = arith.extui %lt3A_25 : i1 to i32
      %cond3A_27 = arith.constant 0 : i32
      %cond3A_28 = arith.cmpi ne, %convert_element_type3A_26, %cond3A_27 : i32
      scf.if %cond3A_28 {
        %mul3A_53 = arith.constant 800 : i32
        %mul3A_54 = arith.muli %add3A_24, %mul3A_53 : i32
        "tpu.region"() ({
          %run_scoped3A = tpu.sem_alloc : memref<!tpu.dma_semaphore, #tpu.memory_space<semaphore_mem>>
          %dma_start3A_61 = tpu.memref_slice %arg2[%mul3A_54] : memref<500000xi32, #tpu.memory_space<hbm>> -> memref<800xi32, #tpu.memory_space<hbm>>
          %dma_start3A_62 = tpu.memref_slice %arg2[%mul3A_54] : memref<500000xi32, #tpu.memory_space<hbm>> -> memref<800xi32, #tpu.memory_space<hbm>>
          tpu.enqueue_dma source(%dma_start3A_62 : memref<800xi32, #tpu.memory_space<hbm>>) target(%arg9 : memref<800xi32, #tpu.memory_space<vmem>>) target_semaphore(%run_scoped3A : memref<!tpu.dma_semaphore, #tpu.memory_space<semaphore_mem>>)
          %dma_wait3A = tpu.memref_slice %arg2[%mul3A_54] : memref<500000xi32, #tpu.memory_space<hbm>> -> memref<800xi32, #tpu.memory_space<hbm>>
          %dma_wait3A_63 = tpu.memref_slice %arg2[%mul3A_54] : memref<500000xi32, #tpu.memory_space<hbm>> -> memref<800xi32, #tpu.memory_space<hbm>>
          tpu.wait_dma2 semaphore(%run_scoped3A : memref<!tpu.dma_semaphore, #tpu.memory_space<semaphore_mem>>) src(%dma_wait3A_63 : memref<800xi32, #tpu.memory_space<hbm>>) dst(%arg9 : memref<800xi32, #tpu.memory_space<vmem>>)
          tpu.yield
        }) : () -> ()
        "tpu.region"() ({
          %run_scoped3A = tpu.sem_alloc : memref<!tpu.dma_semaphore, #tpu.memory_space<semaphore_mem>>
          %dma_start3A_61 = tpu.memref_slice %arg3[%mul3A_54] : memref<500000xi32, #tpu.memory_space<hbm>> -> memref<800xi32, #tpu.memory_space<hbm>>
          %dma_start3A_62 = tpu.memref_slice %arg3[%mul3A_54] : memref<500000xi32, #tpu.memory_space<hbm>> -> memref<800xi32, #tpu.memory_space<hbm>>
          tpu.enqueue_dma source(%dma_start3A_62 : memref<800xi32, #tpu.memory_space<hbm>>) target(%arg11 : memref<800xi32, #tpu.memory_space<vmem>>) target_semaphore(%run_scoped3A : memref<!tpu.dma_semaphore, #tpu.memory_space<semaphore_mem>>)
          %dma_wait3A = tpu.memref_slice %arg3[%mul3A_54] : memref<500000xi32, #tpu.memory_space<hbm>> -> memref<800xi32, #tpu.memory_space<hbm>>
          %dma_wait3A_63 = tpu.memref_slice %arg3[%mul3A_54] : memref<500000xi32, #tpu.memory_space<hbm>> -> memref<800xi32, #tpu.memory_space<hbm>>
          tpu.wait_dma2 semaphore(%run_scoped3A : memref<!tpu.dma_semaphore, #tpu.memory_space<semaphore_mem>>) src(%dma_wait3A_63 : memref<800xi32, #tpu.memory_space<hbm>>) dst(%arg11 : memref<800xi32, #tpu.memory_space<vmem>>)
          tpu.yield
        }) : () -> ()
        %dma_start3A_55 = arith.constant 0 : i32
        %dma_start3A_56 = arith.constant 0 : i32
        %dma_start3A_57 = tpu.memref_slice %arg16[%dma_start3A_55, %dma_start3A_56] : memref<256x32xf32, #tpu.memory_space<vmem_shared>> -> memref<256x32xf32, #tpu.memory_space<vmem_shared>>
        tpu.enqueue_indirect_dma source(%dma_start3A_57 : memref<256x32xf32, #tpu.memory_space<vmem_shared>>) target(%arg13 : memref<800x32xf32, #tpu.memory_space<vmem>>) offsets(%arg9 : memref<800xi32, #tpu.memory_space<vmem>>) semaphore(%arg19 : memref<!tpu.dma_semaphore, #tpu.memory_space<semaphore_mem>>)
        %dma_start3A_58 = arith.constant 0 : i32
        %dma_start3A_59 = arith.constant 0 : i32
        %dma_start3A_60 = tpu.memref_slice %arg17[%dma_start3A_58, %dma_start3A_59] : memref<1024x32xf32, #tpu.memory_space<vmem_shared>> -> memref<1024x32xf32, #tpu.memory_space<vmem_shared>>
        tpu.enqueue_indirect_dma source(%dma_start3A_60 : memref<1024x32xf32, #tpu.memory_space<vmem_shared>>) target(%arg15 : memref<800x32xf32, #tpu.memory_space<vmem>>) offsets(%arg11 : memref<800xi32, #tpu.memory_space<vmem>>) semaphore(%arg21 : memref<!tpu.dma_semaphore, #tpu.memory_space<semaphore_mem>>)
      } else {
      }
      %lt3A_29 = arith.constant 625 : i32
      %lt3A_30 = arith.cmpi slt, %add3A_22, %lt3A_29 : i32
      %convert_element_type3A_31 = arith.extui %lt3A_30 : i1 to i32
      %cond3A_32 = arith.constant 0 : i32
      %cond3A_33 = arith.cmpi ne, %convert_element_type3A_31, %cond3A_32 : i32
      scf.if %cond3A_33 {
        %mul3A_53 = arith.constant 800 : i32
        %mul3A_54 = arith.muli %add3A_22, %mul3A_53 : i32
        %dma_wait3A = arith.constant 0 : i32
        %dma_wait3A_55 = arith.constant 0 : i32
        %dma_wait3A_56 = tpu.memref_slice %arg16[%dma_wait3A, %dma_wait3A_55] : memref<256x32xf32, #tpu.memory_space<vmem_shared>> -> memref<800x32xf32, #tpu.memory_space<vmem_shared>>
        %dma_wait3A_57 = arith.constant 0 : i32
        %dma_wait3A_58 = arith.constant 0 : i32
        %dma_wait3A_59 = tpu.memref_slice %arg16[%dma_wait3A_57, %dma_wait3A_58] : memref<256x32xf32, #tpu.memory_space<vmem_shared>> -> memref<800x32xf32, #tpu.memory_space<vmem_shared>>
        tpu.wait_dma2 semaphore(%arg18 : memref<!tpu.dma_semaphore, #tpu.memory_space<semaphore_mem>>) src(%dma_wait3A_59 : memref<800x32xf32, #tpu.memory_space<vmem_shared>>) dst(%arg12 : memref<800x32xf32, #tpu.memory_space<vmem>>)
        "tpu.region"() ({
          %run_scoped3A = tpu.sem_alloc : memref<!tpu.dma_semaphore, #tpu.memory_space<semaphore_mem>>
          %dma_start3A_66 = arith.constant 0 : i32
          %dma_start3A_67 = tpu.memref_slice %arg6[%mul3A_54, %dma_start3A_66] : memref<500000x32xf32, #tpu.memory_space<hbm>> -> memref<800x32xf32, #tpu.memory_space<hbm>>
          %dma_start3A_68 = arith.constant 0 : i32
          %dma_start3A_69 = tpu.memref_slice %arg6[%mul3A_54, %dma_start3A_68] : memref<500000x32xf32, #tpu.memory_space<hbm>> -> memref<800x32xf32, #tpu.memory_space<hbm>>
          tpu.enqueue_dma source(%arg12 : memref<800x32xf32, #tpu.memory_space<vmem>>) target(%dma_start3A_69 : memref<800x32xf32, #tpu.memory_space<hbm>>) target_semaphore(%run_scoped3A : memref<!tpu.dma_semaphore, #tpu.memory_space<semaphore_mem>>)
          %dma_wait3A_70 = arith.constant 0 : i32
          %dma_wait3A_71 = tpu.memref_slice %arg6[%mul3A_54, %dma_wait3A_70] : memref<500000x32xf32, #tpu.memory_space<hbm>> -> memref<800x32xf32, #tpu.memory_space<hbm>>
          %dma_wait3A_72 = arith.constant 0 : i32
          %dma_wait3A_73 = tpu.memref_slice %arg6[%mul3A_54, %dma_wait3A_72] : memref<500000x32xf32, #tpu.memory_space<hbm>> -> memref<800x32xf32, #tpu.memory_space<hbm>>
          tpu.wait_dma2 semaphore(%run_scoped3A : memref<!tpu.dma_semaphore, #tpu.memory_space<semaphore_mem>>) src(%arg12 : memref<800x32xf32, #tpu.memory_space<vmem>>) dst(%dma_wait3A_73 : memref<800x32xf32, #tpu.memory_space<hbm>>)
          tpu.yield
        }) : () -> ()
        %dma_wait3A_60 = arith.constant 0 : i32
        %dma_wait3A_61 = arith.constant 0 : i32
        %dma_wait3A_62 = tpu.memref_slice %arg17[%dma_wait3A_60, %dma_wait3A_61] : memref<1024x32xf32, #tpu.memory_space<vmem_shared>> -> memref<800x32xf32, #tpu.memory_space<vmem_shared>>
        %dma_wait3A_63 = arith.constant 0 : i32
        %dma_wait3A_64 = arith.constant 0 : i32
        %dma_wait3A_65 = tpu.memref_slice %arg17[%dma_wait3A_63, %dma_wait3A_64] : memref<1024x32xf32, #tpu.memory_space<vmem_shared>> -> memref<800x32xf32, #tpu.memory_space<vmem_shared>>
        tpu.wait_dma2 semaphore(%arg20 : memref<!tpu.dma_semaphore, #tpu.memory_space<semaphore_mem>>) src(%dma_wait3A_65 : memref<800x32xf32, #tpu.memory_space<vmem_shared>>) dst(%arg14 : memref<800x32xf32, #tpu.memory_space<vmem>>)
        "tpu.region"() ({
          %run_scoped3A = tpu.sem_alloc : memref<!tpu.dma_semaphore, #tpu.memory_space<semaphore_mem>>
          %dma_start3A_66 = arith.constant 0 : i32
          %dma_start3A_67 = tpu.memref_slice %arg7[%mul3A_54, %dma_start3A_66] : memref<500000x32xf32, #tpu.memory_space<hbm>> -> memref<800x32xf32, #tpu.memory_space<hbm>>
          %dma_start3A_68 = arith.constant 0 : i32
          %dma_start3A_69 = tpu.memref_slice %arg7[%mul3A_54, %dma_start3A_68] : memref<500000x32xf32, #tpu.memory_space<hbm>> -> memref<800x32xf32, #tpu.memory_space<hbm>>
          tpu.enqueue_dma source(%arg14 : memref<800x32xf32, #tpu.memory_space<vmem>>) target(%dma_start3A_69 : memref<800x32xf32, #tpu.memory_space<hbm>>) target_semaphore(%run_scoped3A : memref<!tpu.dma_semaphore, #tpu.memory_space<semaphore_mem>>)
          %dma_wait3A_70 = arith.constant 0 : i32
          %dma_wait3A_71 = tpu.memref_slice %arg7[%mul3A_54, %dma_wait3A_70] : memref<500000x32xf32, #tpu.memory_space<hbm>> -> memref<800x32xf32, #tpu.memory_space<hbm>>
          %dma_wait3A_72 = arith.constant 0 : i32
          %dma_wait3A_73 = tpu.memref_slice %arg7[%mul3A_54, %dma_wait3A_72] : memref<500000x32xf32, #tpu.memory_space<hbm>> -> memref<800x32xf32, #tpu.memory_space<hbm>>
          tpu.wait_dma2 semaphore(%run_scoped3A : memref<!tpu.dma_semaphore, #tpu.memory_space<semaphore_mem>>) src(%arg14 : memref<800x32xf32, #tpu.memory_space<vmem>>) dst(%dma_wait3A_73 : memref<800x32xf32, #tpu.memory_space<hbm>>)
          tpu.yield
        }) : () -> ()
      } else {
      }
      %mul3A_34 = arith.constant 2 : i32
      %mul3A_35 = arith.muli %scan3A_15, %mul3A_34 : i32
      %add3A_36 = arith.constant 1 : i32
      %add3A_37 = arith.addi %mul3A_35, %add3A_36 : i32
      %mul3A_38 = arith.constant 32 : i32
      %mul3A_39 = arith.muli %add3A_37, %mul3A_38 : i32
      %add3A_40 = arith.addi %mul3A_39, %add3A : i32
      %add3A_41 = arith.constant 32 : i32
      %add3A_42 = arith.addi %add3A_40, %add3A_41 : i32
      %lt3A_43 = arith.constant 625 : i32
      %lt3A_44 = arith.cmpi slt, %add3A_42, %lt3A_43 : i32
      %convert_element_type3A_45 = arith.extui %lt3A_44 : i1 to i32
      %cond3A_46 = arith.constant 0 : i32
      %cond3A_47 = arith.cmpi ne, %convert_element_type3A_45, %cond3A_46 : i32
      scf.if %cond3A_47 {
        %mul3A_53 = arith.constant 800 : i32
        %mul3A_54 = arith.muli %add3A_42, %mul3A_53 : i32
        "tpu.region"() ({
          %run_scoped3A = tpu.sem_alloc : memref<!tpu.dma_semaphore, #tpu.memory_space<semaphore_mem>>
          %dma_start3A_61 = tpu.memref_slice %arg2[%mul3A_54] : memref<500000xi32, #tpu.memory_space<hbm>> -> memref<800xi32, #tpu.memory_space<hbm>>
          %dma_start3A_62 = tpu.memref_slice %arg2[%mul3A_54] : memref<500000xi32, #tpu.memory_space<hbm>> -> memref<800xi32, #tpu.memory_space<hbm>>
          tpu.enqueue_dma source(%dma_start3A_62 : memref<800xi32, #tpu.memory_space<hbm>>) target(%arg8 : memref<800xi32, #tpu.memory_space<vmem>>) target_semaphore(%run_scoped3A : memref<!tpu.dma_semaphore, #tpu.memory_space<semaphore_mem>>)
          %dma_wait3A = tpu.memref_slice %arg2[%mul3A_54] : memref<500000xi32, #tpu.memory_space<hbm>> -> memref<800xi32, #tpu.memory_space<hbm>>
          %dma_wait3A_63 = tpu.memref_slice %arg2[%mul3A_54] : memref<500000xi32, #tpu.memory_space<hbm>> -> memref<800xi32, #tpu.memory_space<hbm>>
          tpu.wait_dma2 semaphore(%run_scoped3A : memref<!tpu.dma_semaphore, #tpu.memory_space<semaphore_mem>>) src(%dma_wait3A_63 : memref<800xi32, #tpu.memory_space<hbm>>) dst(%arg8 : memref<800xi32, #tpu.memory_space<vmem>>)
          tpu.yield
        }) : () -> ()
        "tpu.region"() ({
          %run_scoped3A = tpu.sem_alloc : memref<!tpu.dma_semaphore, #tpu.memory_space<semaphore_mem>>
          %dma_start3A_61 = tpu.memref_slice %arg3[%mul3A_54] : memref<500000xi32, #tpu.memory_space<hbm>> -> memref<800xi32, #tpu.memory_space<hbm>>
          %dma_start3A_62 = tpu.memref_slice %arg3[%mul3A_54] : memref<500000xi32, #tpu.memory_space<hbm>> -> memref<800xi32, #tpu.memory_space<hbm>>
          tpu.enqueue_dma source(%dma_start3A_62 : memref<800xi32, #tpu.memory_space<hbm>>) target(%arg10 : memref<800xi32, #tpu.memory_space<vmem>>) target_semaphore(%run_scoped3A : memref<!tpu.dma_semaphore, #tpu.memory_space<semaphore_mem>>)
          %dma_wait3A = tpu.memref_slice %arg3[%mul3A_54] : memref<500000xi32, #tpu.memory_space<hbm>> -> memref<800xi32, #tpu.memory_space<hbm>>
          %dma_wait3A_63 = tpu.memref_slice %arg3[%mul3A_54] : memref<500000xi32, #tpu.memory_space<hbm>> -> memref<800xi32, #tpu.memory_space<hbm>>
          tpu.wait_dma2 semaphore(%run_scoped3A : memref<!tpu.dma_semaphore, #tpu.memory_space<semaphore_mem>>) src(%dma_wait3A_63 : memref<800xi32, #tpu.memory_space<hbm>>) dst(%arg10 : memref<800xi32, #tpu.memory_space<vmem>>)
          tpu.yield
        }) : () -> ()
        %dma_start3A_55 = arith.constant 0 : i32
        %dma_start3A_56 = arith.constant 0 : i32
        %dma_start3A_57 = tpu.memref_slice %arg16[%dma_start3A_55, %dma_start3A_56] : memref<256x32xf32, #tpu.memory_space<vmem_shared>> -> memref<256x32xf32, #tpu.memory_space<vmem_shared>>
        tpu.enqueue_indirect_dma source(%dma_start3A_57 : memref<256x32xf32, #tpu.memory_space<vmem_shared>>) target(%arg12 : memref<800x32xf32, #tpu.memory_space<vmem>>) offsets(%arg8 : memref<800xi32, #tpu.memory_space<vmem>>) semaphore(%arg18 : memref<!tpu.dma_semaphore, #tpu.memory_space<semaphore_mem>>)
        %dma_start3A_58 = arith.constant 0 : i32
        %dma_start3A_59 = arith.constant 0 : i32
        %dma_start3A_60 = tpu.memref_slice %arg17[%dma_start3A_58, %dma_start3A_59] : memref<1024x32xf32, #tpu.memory_space<vmem_shared>> -> memref<1024x32xf32, #tpu.memory_space<vmem_shared>>
        tpu.enqueue_indirect_dma source(%dma_start3A_60 : memref<1024x32xf32, #tpu.memory_space<vmem_shared>>) target(%arg14 : memref<800x32xf32, #tpu.memory_space<vmem>>) offsets(%arg10 : memref<800xi32, #tpu.memory_space<vmem>>) semaphore(%arg20 : memref<!tpu.dma_semaphore, #tpu.memory_space<semaphore_mem>>)
      } else {
      }
      %lt3A_48 = arith.constant 625 : i32
      %lt3A_49 = arith.cmpi slt, %add3A_40, %lt3A_48 : i32
      %convert_element_type3A_50 = arith.extui %lt3A_49 : i1 to i32
      %cond3A_51 = arith.constant 0 : i32
      %cond3A_52 = arith.cmpi ne, %convert_element_type3A_50, %cond3A_51 : i32
      scf.if %cond3A_52 {
        %mul3A_53 = arith.constant 800 : i32
        %mul3A_54 = arith.muli %add3A_40, %mul3A_53 : i32
        %dma_wait3A = arith.constant 0 : i32
        %dma_wait3A_55 = arith.constant 0 : i32
        %dma_wait3A_56 = tpu.memref_slice %arg16[%dma_wait3A, %dma_wait3A_55] : memref<256x32xf32, #tpu.memory_space<vmem_shared>> -> memref<800x32xf32, #tpu.memory_space<vmem_shared>>
        %dma_wait3A_57 = arith.constant 0 : i32
        %dma_wait3A_58 = arith.constant 0 : i32
        %dma_wait3A_59 = tpu.memref_slice %arg16[%dma_wait3A_57, %dma_wait3A_58] : memref<256x32xf32, #tpu.memory_space<vmem_shared>> -> memref<800x32xf32, #tpu.memory_space<vmem_shared>>
        tpu.wait_dma2 semaphore(%arg19 : memref<!tpu.dma_semaphore, #tpu.memory_space<semaphore_mem>>) src(%dma_wait3A_59 : memref<800x32xf32, #tpu.memory_space<vmem_shared>>) dst(%arg13 : memref<800x32xf32, #tpu.memory_space<vmem>>)
        "tpu.region"() ({
          %run_scoped3A = tpu.sem_alloc : memref<!tpu.dma_semaphore, #tpu.memory_space<semaphore_mem>>
          %dma_start3A_66 = arith.constant 0 : i32
          %dma_start3A_67 = tpu.memref_slice %arg6[%mul3A_54, %dma_start3A_66] : memref<500000x32xf32, #tpu.memory_space<hbm>> -> memref<800x32xf32, #tpu.memory_space<hbm>>
          %dma_start3A_68 = arith.constant 0 : i32
          %dma_start3A_69 = tpu.memref_slice %arg6[%mul3A_54, %dma_start3A_68] : memref<500000x32xf32, #tpu.memory_space<hbm>> -> memref<800x32xf32, #tpu.memory_space<hbm>>
          tpu.enqueue_dma source(%arg13 : memref<800x32xf32, #tpu.memory_space<vmem>>) target(%dma_start3A_69 : memref<800x32xf32, #tpu.memory_space<hbm>>) target_semaphore(%run_scoped3A : memref<!tpu.dma_semaphore, #tpu.memory_space<semaphore_mem>>)
          %dma_wait3A_70 = arith.constant 0 : i32
          %dma_wait3A_71 = tpu.memref_slice %arg6[%mul3A_54, %dma_wait3A_70] : memref<500000x32xf32, #tpu.memory_space<hbm>> -> memref<800x32xf32, #tpu.memory_space<hbm>>
          %dma_wait3A_72 = arith.constant 0 : i32
          %dma_wait3A_73 = tpu.memref_slice %arg6[%mul3A_54, %dma_wait3A_72] : memref<500000x32xf32, #tpu.memory_space<hbm>> -> memref<800x32xf32, #tpu.memory_space<hbm>>
          tpu.wait_dma2 semaphore(%run_scoped3A : memref<!tpu.dma_semaphore, #tpu.memory_space<semaphore_mem>>) src(%arg13 : memref<800x32xf32, #tpu.memory_space<vmem>>) dst(%dma_wait3A_73 : memref<800x32xf32, #tpu.memory_space<hbm>>)
          tpu.yield
        }) : () -> ()
        %dma_wait3A_60 = arith.constant 0 : i32
        %dma_wait3A_61 = arith.constant 0 : i32
        %dma_wait3A_62 = tpu.memref_slice %arg17[%dma_wait3A_60, %dma_wait3A_61] : memref<1024x32xf32, #tpu.memory_space<vmem_shared>> -> memref<800x32xf32, #tpu.memory_space<vmem_shared>>
        %dma_wait3A_63 = arith.constant 0 : i32
        %dma_wait3A_64 = arith.constant 0 : i32
        %dma_wait3A_65 = tpu.memref_slice %arg17[%dma_wait3A_63, %dma_wait3A_64] : memref<1024x32xf32, #tpu.memory_space<vmem_shared>> -> memref<800x32xf32, #tpu.memory_space<vmem_shared>>
        tpu.wait_dma2 semaphore(%arg21 : memref<!tpu.dma_semaphore, #tpu.memory_space<semaphore_mem>>) src(%dma_wait3A_65 : memref<800x32xf32, #tpu.memory_space<vmem_shared>>) dst(%arg15 : memref<800x32xf32, #tpu.memory_space<vmem>>)
        "tpu.region"() ({
          %run_scoped3A = tpu.sem_alloc : memref<!tpu.dma_semaphore, #tpu.memory_space<semaphore_mem>>
          %dma_start3A_66 = arith.constant 0 : i32
          %dma_start3A_67 = tpu.memref_slice %arg7[%mul3A_54, %dma_start3A_66] : memref<500000x32xf32, #tpu.memory_space<hbm>> -> memref<800x32xf32, #tpu.memory_space<hbm>>
          %dma_start3A_68 = arith.constant 0 : i32
          %dma_start3A_69 = tpu.memref_slice %arg7[%mul3A_54, %dma_start3A_68] : memref<500000x32xf32, #tpu.memory_space<hbm>> -> memref<800x32xf32, #tpu.memory_space<hbm>>
          tpu.enqueue_dma source(%arg15 : memref<800x32xf32, #tpu.memory_space<vmem>>) target(%dma_start3A_69 : memref<800x32xf32, #tpu.memory_space<hbm>>) target_semaphore(%run_scoped3A : memref<!tpu.dma_semaphore, #tpu.memory_space<semaphore_mem>>)
          %dma_wait3A_70 = arith.constant 0 : i32
          %dma_wait3A_71 = tpu.memref_slice %arg7[%mul3A_54, %dma_wait3A_70] : memref<500000x32xf32, #tpu.memory_space<hbm>> -> memref<800x32xf32, #tpu.memory_space<hbm>>
          %dma_wait3A_72 = arith.constant 0 : i32
          %dma_wait3A_73 = tpu.memref_slice %arg7[%mul3A_54, %dma_wait3A_72] : memref<500000x32xf32, #tpu.memory_space<hbm>> -> memref<800x32xf32, #tpu.memory_space<hbm>>
          tpu.wait_dma2 semaphore(%run_scoped3A : memref<!tpu.dma_semaphore, #tpu.memory_space<semaphore_mem>>) src(%arg15 : memref<800x32xf32, #tpu.memory_space<vmem>>) dst(%dma_wait3A_73 : memref<800x32xf32, #tpu.memory_space<hbm>>)
          tpu.yield
        }) : () -> ()
      } else {
      }
    }
    %scan3A_14 = arith.constant 10 : i32
    return
  }
}

#map = affine_map<(d0, d1) -> (0)>
#map1 = affine_map<(d0, d1) -> (0, 0)>
module attributes {stable_mosaic.version = 14 : i64} {
  func.func @_ids_gather(%arg0: i32, %arg1: i32, %arg2: memref<5120xi32, #tpu.memory_space<hbm>>, %arg3: memref<10000x128xf32, #tpu.memory_space<hbm>>, %arg4: memref<5120x128xf32, #tpu.memory_space<hbm>>, %arg5: memref<160xi32, #tpu.memory_space<vmem>>, %arg6: memref<160x128xf32, #tpu.memory_space<vmem>>, %arg7: memref<!tpu.dma_semaphore, #tpu.memory_space<semaphore_mem>>) attributes {dimension_semantics = [#tpu.dimension_semantics<core_parallel>, #tpu.dimension_semantics<subcore_parallel>], iteration_bounds = array<i64: 2, 16>, scalar_prefetch = 0 : i64, scratch_operands = 3 : i64, tpu.core_type = #tpu.core_type<sc_vector_subcore>, window_params = [{transform_indices = #map}, {transform_indices = #map1}, {transform_indices = #map1}]} {
    %mul3A = arith.constant 2 : i32
    %mul3A_0 = arith.muli %arg1, %mul3A : i32
    %add3A = arith.addi %mul3A_0, %arg0 : i32
    %mul3A_1 = arith.constant 160 : i32
    %mul3A_2 = arith.muli %add3A, %mul3A_1 : i32
    "tpu.region"() ({
      %run_scoped3A = tpu.sem_alloc : memref<!tpu.dma_semaphore, #tpu.memory_space<semaphore_mem>>
      %dma_start3A_7 = tpu.memref_slice %arg2[%mul3A_2] : memref<5120xi32, #tpu.memory_space<hbm>> -> memref<160xi32, #tpu.memory_space<hbm>>
      %dma_start3A_8 = tpu.memref_slice %arg2[%mul3A_2] : memref<5120xi32, #tpu.memory_space<hbm>> -> memref<160xi32, #tpu.memory_space<hbm>>
      tpu.enqueue_dma source(%dma_start3A_8 : memref<160xi32, #tpu.memory_space<hbm>>) target(%arg5 : memref<160xi32, #tpu.memory_space<vmem>>) target_semaphore(%run_scoped3A : memref<!tpu.dma_semaphore, #tpu.memory_space<semaphore_mem>>)
      %dma_wait3A_9 = tpu.memref_slice %arg2[%mul3A_2] : memref<5120xi32, #tpu.memory_space<hbm>> -> memref<160xi32, #tpu.memory_space<hbm>>
      %dma_wait3A_10 = tpu.memref_slice %arg2[%mul3A_2] : memref<5120xi32, #tpu.memory_space<hbm>> -> memref<160xi32, #tpu.memory_space<hbm>>
      tpu.wait_dma2 semaphore(%run_scoped3A : memref<!tpu.dma_semaphore, #tpu.memory_space<semaphore_mem>>) src(%dma_wait3A_10 : memref<160xi32, #tpu.memory_space<hbm>>) dst(%arg5 : memref<160xi32, #tpu.memory_space<vmem>>)
      tpu.yield
    }) : () -> ()
    %dma_start3A = arith.constant 0 : i32
    %dma_start3A_3 = arith.constant 0 : i32
    %dma_start3A_4 = tpu.memref_slice %arg3[%dma_start3A, %dma_start3A_3] : memref<10000x128xf32, #tpu.memory_space<hbm>> -> memref<10000x128xf32, #tpu.memory_space<hbm>>
    tpu.enqueue_indirect_dma source(%dma_start3A_4 : memref<10000x128xf32, #tpu.memory_space<hbm>>) target(%arg6 : memref<160x128xf32, #tpu.memory_space<vmem>>) offsets(%arg5 : memref<160xi32, #tpu.memory_space<vmem>>) semaphore(%arg7 : memref<!tpu.dma_semaphore, #tpu.memory_space<semaphore_mem>>)
    %dma_wait3A = arith.constant 0 : i32
    %dma_wait3A_5 = arith.constant 0 : i32
    %dma_wait3A_6 = tpu.memref_slice %arg3[%dma_wait3A, %dma_wait3A_5] : memref<10000x128xf32, #tpu.memory_space<hbm>> -> memref<10000x128xf32, #tpu.memory_space<hbm>>
    tpu.wait_indirect_dma semaphore(%arg7 : memref<!tpu.dma_semaphore, #tpu.memory_space<semaphore_mem>>) src(%dma_wait3A_6 : memref<10000x128xf32, #tpu.memory_space<hbm>>) dst(%arg6 : memref<160x128xf32, #tpu.memory_space<vmem>>)
    "tpu.region"() ({
      %run_scoped3A = tpu.sem_alloc : memref<!tpu.dma_semaphore, #tpu.memory_space<semaphore_mem>>
      %dma_start3A_7 = arith.constant 0 : i32
      %dma_start3A_8 = tpu.memref_slice %arg4[%mul3A_2, %dma_start3A_7] : memref<5120x128xf32, #tpu.memory_space<hbm>> -> memref<160x128xf32, #tpu.memory_space<hbm>>
      %dma_start3A_9 = arith.constant 0 : i32
      %dma_start3A_10 = tpu.memref_slice %arg4[%mul3A_2, %dma_start3A_9] : memref<5120x128xf32, #tpu.memory_space<hbm>> -> memref<160x128xf32, #tpu.memory_space<hbm>>
      tpu.enqueue_dma source(%arg6 : memref<160x128xf32, #tpu.memory_space<vmem>>) target(%dma_start3A_10 : memref<160x128xf32, #tpu.memory_space<hbm>>) target_semaphore(%run_scoped3A : memref<!tpu.dma_semaphore, #tpu.memory_space<semaphore_mem>>)
      %dma_wait3A_11 = arith.constant 0 : i32
      %dma_wait3A_12 = tpu.memref_slice %arg4[%mul3A_2, %dma_wait3A_11] : memref<5120x128xf32, #tpu.memory_space<hbm>> -> memref<160x128xf32, #tpu.memory_space<hbm>>
      %dma_wait3A_13 = arith.constant 0 : i32
      %dma_wait3A_14 = tpu.memref_slice %arg4[%mul3A_2, %dma_wait3A_13] : memref<5120x128xf32, #tpu.memory_space<hbm>> -> memref<160x128xf32, #tpu.memory_space<hbm>>
      tpu.wait_dma2 semaphore(%run_scoped3A : memref<!tpu.dma_semaphore, #tpu.memory_space<semaphore_mem>>) src(%arg6 : memref<160x128xf32, #tpu.memory_space<vmem>>) dst(%dma_wait3A_14 : memref<160x128xf32, #tpu.memory_space<hbm>>)
      tpu.yield
    }) : () -> ()
    return
  }
}

#map = affine_map<(d0, d1) -> (0)>
#map1 = affine_map<(d0, d1) -> (0, 0)>
module attributes {stable_mosaic.version = 14 : i64} {
  func.func @_edge_agg(%arg0: i32, %arg1: i32, %arg2: memref<320000xi32, #tpu.memory_space<hbm>>, %arg3: memref<320000xi32, #tpu.memory_space<hbm>>, %arg4: memref<20000x64xf32, #tpu.memory_space<hbm>>, %arg5: memref<20000x64xf32, #tpu.memory_space<hbm>>, %arg6: memref<400xi32, #tpu.memory_space<vmem>>, %arg7: memref<400xi32, #tpu.memory_space<vmem>>, %arg8: memref<400xi32, #tpu.memory_space<vmem>>, %arg9: memref<400xi32, #tpu.memory_space<vmem>>, %arg10: memref<400x64xf32, #tpu.memory_space<vmem>>, %arg11: memref<400x64xf32, #tpu.memory_space<vmem>>, %arg12: memref<10000x64xf32, #tpu.memory_space<vmem_shared>>, %arg13: memref<!tpu.dma_semaphore, #tpu.memory_space<semaphore_mem>>, %arg14: memref<!tpu.dma_semaphore, #tpu.memory_space<semaphore_mem>>) attributes {dimension_semantics = [#tpu.dimension_semantics<core_parallel>, #tpu.dimension_semantics<subcore_parallel>], iteration_bounds = array<i64: 2, 16>, scalar_prefetch = 0 : i64, scratch_operands = 9 : i64, tpu.core_type = #tpu.core_type<sc_vector_subcore>, window_params = [{transform_indices = #map}, {transform_indices = #map}, {transform_indices = #map1}, {transform_indices = #map1}]} {
    %mul3A = arith.constant 10000 : i32
    %mul3A_0 = arith.muli %arg0, %mul3A : i32
    %broadcast_in_dim3A = arith.constant 0.000000e+00 : f32
    %broadcast_in_dim3A_1 = vector.broadcast %broadcast_in_dim3A : f32 to vector<16xf32>
    %scan3A = arith.constant 0 : i32
    %scan3A_2 = arith.constant 0 : i32
    %scan3A_3 = arith.constant 400 : i32
    %scan3A_4 = arith.addi %scan3A_2, %scan3A_3 : i32
    %scan3A_5 = arith.constant 1 : i32
    scf.for %scan3A_43 = %scan3A_2 to %scan3A_4 step %scan3A_5  : i32 {
      %scan3A_44 = arith.constant 0 : i32
      %scan3A_45 = arith.constant 0 : i32
      %scan3A_46 = arith.constant 4 : i32
      %scan3A_47 = arith.addi %scan3A_45, %scan3A_46 : i32
      %scan3A_48 = arith.constant 1 : i32
      scf.for %scan3A_50 = %scan3A_45 to %scan3A_47 step %scan3A_48  : i32 {
        %mul3A_51 = arith.constant 16 : i32
        %mul3A_52 = arith.muli %scan3A_50, %mul3A_51 : i32
        %swap3A = arith.index_cast %scan3A_43 : i32 to index
        %swap3A_53 = arith.index_cast %mul3A_52 : i32 to index
        %swap3A_54 = tpu.vector_load %arg10[%swap3A, %swap3A_53] {strides = array<i32>} : memref<400x64xf32, #tpu.memory_space<vmem>>, vector<1x16xf32>,
        %swap3A_55 = vector.shape_cast %swap3A_54 : vector<1x16xf32> to vector<16xf32>
        %swap3A_56 = vector.shape_cast %broadcast_in_dim3A_1 : vector<16xf32> to vector<1x16xf32>
        tpu.vector_store %arg10[%swap3A, %swap3A_53], %swap3A_56 {strides = array<i32>} : memref<400x64xf32, #tpu.memory_space<vmem>>, vector<1x16xf32>,
        %mul3A_57 = arith.constant 16 : i32
        %mul3A_58 = arith.muli %scan3A_50, %mul3A_57 : i32
        %swap3A_59 = arith.index_cast %scan3A_43 : i32 to index
        %swap3A_60 = arith.index_cast %mul3A_58 : i32 to index
        %swap3A_61 = tpu.vector_load %arg11[%swap3A_59, %swap3A_60] {strides = array<i32>} : memref<400x64xf32, #tpu.memory_space<vmem>>, vector<1x16xf32>,
        %swap3A_62 = vector.shape_cast %swap3A_61 : vector<1x16xf32> to vector<16xf32>
        %swap3A_63 = vector.shape_cast %broadcast_in_dim3A_1 : vector<16xf32> to vector<1x16xf32>
        tpu.vector_store %arg11[%swap3A_59, %swap3A_60], %swap3A_63 {strides = array<i32>} : memref<400x64xf32, #tpu.memory_space<vmem>>, vector<1x16xf32>,
      }
      %scan3A_49 = arith.constant 4 : i32
    }
    %scan3A_6 = arith.constant 400 : i32
    %mul3A_7 = arith.constant 624 : i32
    %mul3A_8 = arith.muli %arg1, %mul3A_7 : i32
    "tpu.region"() ({
      %run_scoped3A = tpu.sem_alloc : memref<!tpu.dma_semaphore, #tpu.memory_space<semaphore_mem>>
      %dma_start3A_43 = arith.constant 0 : i32
      %dma_start3A_44 = tpu.memref_slice %arg12[%mul3A_8, %dma_start3A_43] : memref<10000x64xf32, #tpu.memory_space<vmem_shared>> -> memref<400x64xf32, #tpu.memory_space<vmem_shared>>
      %dma_start3A_45 = arith.constant 0 : i32
      %dma_start3A_46 = tpu.memref_slice %arg12[%mul3A_8, %dma_start3A_45] : memref<10000x64xf32, #tpu.memory_space<vmem_shared>> -> memref<400x64xf32, #tpu.memory_space<vmem_shared>>
      tpu.enqueue_dma source(%arg10 : memref<400x64xf32, #tpu.memory_space<vmem>>) target(%dma_start3A_46 : memref<400x64xf32, #tpu.memory_space<vmem_shared>>) target_semaphore(%run_scoped3A : memref<!tpu.dma_semaphore, #tpu.memory_space<semaphore_mem>>)
      %dma_wait3A = arith.constant 0 : i32
      %dma_wait3A_47 = tpu.memref_slice %arg12[%mul3A_8, %dma_wait3A] : memref<10000x64xf32, #tpu.memory_space<vmem_shared>> -> memref<400x64xf32, #tpu.memory_space<vmem_shared>>
      %dma_wait3A_48 = arith.constant 0 : i32
      %dma_wait3A_49 = tpu.memref_slice %arg12[%mul3A_8, %dma_wait3A_48] : memref<10000x64xf32, #tpu.memory_space<vmem_shared>> -> memref<400x64xf32, #tpu.memory_space<vmem_shared>>
      tpu.wait_dma2 semaphore(%run_scoped3A : memref<!tpu.dma_semaphore, #tpu.memory_space<semaphore_mem>>) src(%arg10 : memref<400x64xf32, #tpu.memory_space<vmem>>) dst(%dma_wait3A_49 : memref<400x64xf32, #tpu.memory_space<vmem_shared>>)
      tpu.yield
    }) : () -> ()
    %mul3A_9 = arith.constant 624 : i32
    %mul3A_10 = arith.muli %arg1, %mul3A_9 : i32
    %add3A = arith.constant 400 : i32
    %add3A_11 = arith.addi %mul3A_10, %add3A : i32
    "tpu.region"() ({
      %run_scoped3A = tpu.sem_alloc : memref<!tpu.dma_semaphore, #tpu.memory_space<semaphore_mem>>
      %dma_start3A_43 = arith.constant 0 : i32
      %dma_start3A_44 = arith.constant 0 : i32
      %dma_start3A_45 = tpu.memref_slice %arg10[%dma_start3A_43, %dma_start3A_44] : memref<400x64xf32, #tpu.memory_space<vmem>> -> memref<224x64xf32, #tpu.memory_space<vmem>>
      %dma_start3A_46 = arith.constant 0 : i32
      %dma_start3A_47 = tpu.memref_slice %arg12[%add3A_11, %dma_start3A_46] : memref<10000x64xf32, #tpu.memory_space<vmem_shared>> -> memref<224x64xf32, #tpu.memory_space<vmem_shared>>
      %dma_start3A_48 = arith.constant 0 : i32
      %dma_start3A_49 = tpu.memref_slice %arg12[%add3A_11, %dma_start3A_48] : memref<10000x64xf32, #tpu.memory_space<vmem_shared>> -> memref<224x64xf32, #tpu.memory_space<vmem_shared>>
      %dma_start3A_50 = arith.constant 0 : i32
      %dma_start3A_51 = arith.constant 0 : i32
      %dma_start3A_52 = tpu.memref_slice %arg10[%dma_start3A_50, %dma_start3A_51] : memref<400x64xf32, #tpu.memory_space<vmem>> -> memref<224x64xf32, #tpu.memory_space<vmem>>
      tpu.enqueue_dma source(%dma_start3A_52 : memref<224x64xf32, #tpu.memory_space<vmem>>) target(%dma_start3A_49 : memref<224x64xf32, #tpu.memory_space<vmem_shared>>) target_semaphore(%run_scoped3A : memref<!tpu.dma_semaphore, #tpu.memory_space<semaphore_mem>>)
      %dma_wait3A = arith.constant 0 : i32
      %dma_wait3A_53 = arith.constant 0 : i32
      %dma_wait3A_54 = tpu.memref_slice %arg10[%dma_wait3A, %dma_wait3A_53] : memref<400x64xf32, #tpu.memory_space<vmem>> -> memref<224x64xf32, #tpu.memory_space<vmem>>
      %dma_wait3A_55 = arith.constant 0 : i32
      %dma_wait3A_56 = tpu.memref_slice %arg12[%add3A_11, %dma_wait3A_55] : memref<10000x64xf32, #tpu.memory_space<vmem_shared>> -> memref<224x64xf32, #tpu.memory_space<vmem_shared>>
      %dma_wait3A_57 = arith.constant 0 : i32
      %dma_wait3A_58 = tpu.memref_slice %arg12[%add3A_11, %dma_wait3A_57] : memref<10000x64xf32, #tpu.memory_space<vmem_shared>> -> memref<224x64xf32, #tpu.memory_space<vmem_shared>>
      %dma_wait3A_59 = arith.constant 0 : i32
      %dma_wait3A_60 = arith.constant 0 : i32
      %dma_wait3A_61 = tpu.memref_slice %arg10[%dma_wait3A_59, %dma_wait3A_60] : memref<400x64xf32, #tpu.memory_space<vmem>> -> memref<224x64xf32, #tpu.memory_space<vmem>>
      tpu.wait_dma2 semaphore(%run_scoped3A : memref<!tpu.dma_semaphore, #tpu.memory_space<semaphore_mem>>) src(%dma_wait3A_61 : memref<224x64xf32, #tpu.memory_space<vmem>>) dst(%dma_wait3A_58 : memref<224x64xf32, #tpu.memory_space<vmem_shared>>)
      tpu.yield
    }) : () -> ()
    %eq3A = arith.constant 15 : i32
    %eq3A_12 = arith.cmpi eq, %arg1, %eq3A : i32
    %convert_element_type3A = arith.extui %eq3A_12 : i1 to i32
    %cond3A = arith.constant 0 : i32
    %cond3A_13 = arith.cmpi ne, %convert_element_type3A, %cond3A : i32
    scf.if %cond3A_13 {
      "tpu.region"() ({
        %run_scoped3A = tpu.sem_alloc : memref<!tpu.dma_semaphore, #tpu.memory_space<semaphore_mem>>
        %dma_start3A_43 = arith.constant 0 : i32
        %dma_start3A_44 = arith.constant 0 : i32
        %dma_start3A_45 = tpu.memref_slice %arg10[%dma_start3A_43, %dma_start3A_44] : memref<400x64xf32, #tpu.memory_space<vmem>> -> memref<16x64xf32, #tpu.memory_space<vmem>>
        %dma_start3A_46 = arith.constant 9984 : i32
        %dma_start3A_47 = arith.constant 0 : i32
        %dma_start3A_48 = tpu.memref_slice %arg12[%dma_start3A_46, %dma_start3A_47] : memref<10000x64xf32, #tpu.memory_space<vmem_shared>> -> memref<16x64xf32, #tpu.memory_space<vmem_shared>>
        %dma_start3A_49 = arith.constant 9984 : i32
        %dma_start3A_50 = arith.constant 0 : i32
        %dma_start3A_51 = tpu.memref_slice %arg12[%dma_start3A_49, %dma_start3A_50] : memref<10000x64xf32, #tpu.memory_space<vmem_shared>> -> memref<16x64xf32, #tpu.memory_space<vmem_shared>>
        %dma_start3A_52 = arith.constant 0 : i32
        %dma_start3A_53 = arith.constant 0 : i32
        %dma_start3A_54 = tpu.memref_slice %arg10[%dma_start3A_52, %dma_start3A_53] : memref<400x64xf32, #tpu.memory_space<vmem>> -> memref<16x64xf32, #tpu.memory_space<vmem>>
        tpu.enqueue_dma source(%dma_start3A_54 : memref<16x64xf32, #tpu.memory_space<vmem>>) target(%dma_start3A_51 : memref<16x64xf32, #tpu.memory_space<vmem_shared>>) target_semaphore(%run_scoped3A : memref<!tpu.dma_semaphore, #tpu.memory_space<semaphore_mem>>)
        %dma_wait3A = arith.constant 0 : i32
        %dma_wait3A_55 = arith.constant 0 : i32
        %dma_wait3A_56 = tpu.memref_slice %arg10[%dma_wait3A, %dma_wait3A_55] : memref<400x64xf32, #tpu.memory_space<vmem>> -> memref<16x64xf32, #tpu.memory_space<vmem>>
        %dma_wait3A_57 = arith.constant 9984 : i32
        %dma_wait3A_58 = arith.constant 0 : i32
        %dma_wait3A_59 = tpu.memref_slice %arg12[%dma_wait3A_57, %dma_wait3A_58] : memref<10000x64xf32, #tpu.memory_space<vmem_shared>> -> memref<16x64xf32, #tpu.memory_space<vmem_shared>>
        %dma_wait3A_60 = arith.constant 9984 : i32
        %dma_wait3A_61 = arith.constant 0 : i32
        %dma_wait3A_62 = tpu.memref_slice %arg12[%dma_wait3A_60, %dma_wait3A_61] : memref<10000x64xf32, #tpu.memory_space<vmem_shared>> -> memref<16x64xf32, #tpu.memory_space<vmem_shared>>
        %dma_wait3A_63 = arith.constant 0 : i32
        %dma_wait3A_64 = arith.constant 0 : i32
        %dma_wait3A_65 = tpu.memref_slice %arg10[%dma_wait3A_63, %dma_wait3A_64] : memref<400x64xf32, #tpu.memory_space<vmem>> -> memref<16x64xf32, #tpu.memory_space<vmem>>
        tpu.wait_dma2 semaphore(%run_scoped3A : memref<!tpu.dma_semaphore, #tpu.memory_space<semaphore_mem>>) src(%dma_wait3A_65 : memref<16x64xf32, #tpu.memory_space<vmem>>) dst(%dma_wait3A_62 : memref<16x64xf32, #tpu.memory_space<vmem_shared>>)
        tpu.yield
      }) : () -> ()
    } else {
    }
    %barrier3A = arith.constant 0 : index
    tpu.barrier barrier_id(%barrier3A)
    %mul3A_14 = arith.constant 20000 : i32
    %mul3A_15 = arith.muli %arg1, %mul3A_14 : i32
    %add3A_16 = arith.constant 0 : i32
    %add3A_17 = arith.addi %mul3A_15, %add3A_16 : i32
    "tpu.region"() ({
      %run_scoped3A = tpu.sem_alloc : memref<!tpu.dma_semaphore, #tpu.memory_space<semaphore_mem>>
      %dma_start3A_43 = tpu.memref_slice %arg2[%add3A_17] : memref<320000xi32, #tpu.memory_space<hbm>> -> memref<400xi32, #tpu.memory_space<hbm>>
      %dma_start3A_44 = tpu.memref_slice %arg2[%add3A_17] : memref<320000xi32, #tpu.memory_space<hbm>> -> memref<400xi32, #tpu.memory_space<hbm>>
      tpu.enqueue_dma source(%dma_start3A_44 : memref<400xi32, #tpu.memory_space<hbm>>) target(%arg6 : memref<400xi32, #tpu.memory_space<vmem>>) target_semaphore(%run_scoped3A : memref<!tpu.dma_semaphore, #tpu.memory_space<semaphore_mem>>)
      %dma_wait3A = tpu.memref_slice %arg2[%add3A_17] : memref<320000xi32, #tpu.memory_space<hbm>> -> memref<400xi32, #tpu.memory_space<hbm>>
      %dma_wait3A_45 = tpu.memref_slice %arg2[%add3A_17] : memref<320000xi32, #tpu.memory_space<hbm>> -> memref<400xi32, #tpu.memory_space<hbm>>
      tpu.wait_dma2 semaphore(%run_scoped3A : memref<!tpu.dma_semaphore, #tpu.memory_space<semaphore_mem>>) src(%dma_wait3A_45 : memref<400xi32, #tpu.memory_space<hbm>>) dst(%arg6 : memref<400xi32, #tpu.memory_space<vmem>>)
      tpu.yield
    }) : () -> ()
    "tpu.region"() ({
      %run_scoped3A = tpu.sem_alloc : memref<!tpu.dma_semaphore, #tpu.memory_space<semaphore_mem>>
      %dma_start3A_43 = tpu.memref_slice %arg3[%add3A_17] : memref<320000xi32, #tpu.memory_space<hbm>> -> memref<400xi32, #tpu.memory_space<hbm>>
      %dma_start3A_44 = tpu.memref_slice %arg3[%add3A_17] : memref<320000xi32, #tpu.memory_space<hbm>> -> memref<400xi32, #tpu.memory_space<hbm>>
      tpu.enqueue_dma source(%dma_start3A_44 : memref<400xi32, #tpu.memory_space<hbm>>) target(%arg8 : memref<400xi32, #tpu.memory_space<vmem>>) target_semaphore(%run_scoped3A : memref<!tpu.dma_semaphore, #tpu.memory_space<semaphore_mem>>)
      %dma_wait3A = tpu.memref_slice %arg3[%add3A_17] : memref<320000xi32, #tpu.memory_space<hbm>> -> memref<400xi32, #tpu.memory_space<hbm>>
      %dma_wait3A_45 = tpu.memref_slice %arg3[%add3A_17] : memref<320000xi32, #tpu.memory_space<hbm>> -> memref<400xi32, #tpu.memory_space<hbm>>
      tpu.wait_dma2 semaphore(%run_scoped3A : memref<!tpu.dma_semaphore, #tpu.memory_space<semaphore_mem>>) src(%dma_wait3A_45 : memref<400xi32, #tpu.memory_space<hbm>>) dst(%arg8 : memref<400xi32, #tpu.memory_space<vmem>>)
      tpu.yield
    }) : () -> ()
    %scan3A_18 = arith.constant 0 : i32
    %scan3A_19 = arith.constant 0 : i32
    %scan3A_20 = arith.constant 25 : i32
    %scan3A_21 = arith.addi %scan3A_19, %scan3A_20 : i32
    %scan3A_22 = arith.constant 1 : i32
    scf.for %scan3A_43 = %scan3A_19 to %scan3A_21 step %scan3A_22  : i32 {
      %mul3A_44 = arith.constant 16 : i32
      %mul3A_45 = arith.muli %scan3A_43, %mul3A_44 : i32
      %get3A = arith.index_cast %mul3A_45 : i32 to index
      %get3A_46 = tpu.vector_load %arg6[%get3A] {strides = array<i32>} : memref<400xi32, #tpu.memory_space<vmem>>, vector<16xi32>,
      %get3A_47 = vector.shape_cast %get3A_46 : vector<16xi32> to vector<16xi32>
      %add3A_48 = vector.broadcast %mul3A_0 : i32 to vector<16xi32>
      %add3A_49 = arith.addi %get3A_47, %add3A_48 : vector<16xi32>
      %mul3A_50 = arith.constant 16 : i32
      %mul3A_51 = arith.muli %scan3A_43, %mul3A_50 : i32
      %swap3A = arith.index_cast %mul3A_51 : i32 to index
      %swap3A_52 = tpu.vector_load %arg6[%swap3A] {strides = array<i32>} : memref<400xi32, #tpu.memory_space<vmem>>, vector<16xi32>,
      %swap3A_53 = vector.shape_cast %swap3A_52 : vector<16xi32> to vector<16xi32>
      %swap3A_54 = vector.shape_cast %add3A_49 : vector<16xi32> to vector<16xi32>
      tpu.vector_store %arg6[%swap3A], %swap3A_54 {strides = array<i32>} : memref<400xi32, #tpu.memory_space<vmem>>, vector<16xi32>,
    }
    %scan3A_23 = arith.constant 25 : i32
    %dma_start3A = arith.constant 0 : i32
    %dma_start3A_24 = arith.constant 0 : i32
    %dma_start3A_25 = tpu.memref_slice %arg4[%dma_start3A, %dma_start3A_24] : memref<20000x64xf32, #tpu.memory_space<hbm>> -> memref<20000x64xf32, #tpu.memory_space<hbm>>
    tpu.enqueue_indirect_dma source(%dma_start3A_25 : memref<20000x64xf32, #tpu.memory_space<hbm>>) target(%arg10 : memref<400x64xf32, #tpu.memory_space<vmem>>) offsets(%arg6 : memref<400xi32, #tpu.memory_space<vmem>>) semaphore(%arg13 : memref<!tpu.dma_semaphore, #tpu.memory_space<semaphore_mem>>)
    %scan3A_26 = arith.constant 0 : i32
    %scan3A_27 = arith.constant 0 : i32
    %scan3A_28 = arith.constant 25 : i32
    %scan3A_29 = arith.addi %scan3A_27, %scan3A_28 : i32
    %scan3A_30 = arith.constant 1 : i32
    scf.for %scan3A_43 = %scan3A_27 to %scan3A_29 step %scan3A_30  : i32 {
      %mul3A_44 = arith.constant 2 : i32
      %mul3A_45 = arith.muli %scan3A_43, %mul3A_44 : i32
      %add3A_46 = arith.constant 0 : i32
      %add3A_47 = arith.addi %mul3A_45, %add3A_46 : i32
      %add3A_48 = arith.constant 1 : i32
      %add3A_49 = arith.addi %add3A_47, %add3A_48 : i32
      %lt3A = arith.constant 50 : i32
      %lt3A_50 = arith.cmpi slt, %add3A_49, %lt3A : i32
      %convert_element_type3A_51 = arith.extui %lt3A_50 : i1 to i32
      %cond3A_52 = arith.constant 0 : i32
      %cond3A_53 = arith.cmpi ne, %convert_element_type3A_51, %cond3A_52 : i32
      scf.if %cond3A_53 {
        %mul3A_76 = arith.constant 20000 : i32
        %mul3A_77 = arith.muli %arg1, %mul3A_76 : i32
        %mul3A_78 = arith.constant 400 : i32
        %mul3A_79 = arith.muli %add3A_49, %mul3A_78 : i32
        %add3A_80 = arith.addi %mul3A_77, %mul3A_79 : i32
        "tpu.region"() ({
          %run_scoped3A = tpu.sem_alloc : memref<!tpu.dma_semaphore, #tpu.memory_space<semaphore_mem>>
          %dma_start3A_90 = tpu.memref_slice %arg2[%add3A_80] : memref<320000xi32, #tpu.memory_space<hbm>> -> memref<400xi32, #tpu.memory_space<hbm>>
          %dma_start3A_91 = tpu.memref_slice %arg2[%add3A_80] : memref<320000xi32, #tpu.memory_space<hbm>> -> memref<400xi32, #tpu.memory_space<hbm>>
          tpu.enqueue_dma source(%dma_start3A_91 : memref<400xi32, #tpu.memory_space<hbm>>) target(%arg7 : memref<400xi32, #tpu.memory_space<vmem>>) target_semaphore(%run_scoped3A : memref<!tpu.dma_semaphore, #tpu.memory_space<semaphore_mem>>)
          %dma_wait3A_92 = tpu.memref_slice %arg2[%add3A_80] : memref<320000xi32, #tpu.memory_space<hbm>> -> memref<400xi32, #tpu.memory_space<hbm>>
          %dma_wait3A_93 = tpu.memref_slice %arg2[%add3A_80] : memref<320000xi32, #tpu.memory_space<hbm>> -> memref<400xi32, #tpu.memory_space<hbm>>
          tpu.wait_dma2 semaphore(%run_scoped3A : memref<!tpu.dma_semaphore, #tpu.memory_space<semaphore_mem>>) src(%dma_wait3A_93 : memref<400xi32, #tpu.memory_space<hbm>>) dst(%arg7 : memref<400xi32, #tpu.memory_space<vmem>>)
          tpu.yield
        }) : () -> ()
        "tpu.region"() ({
          %run_scoped3A = tpu.sem_alloc : memref<!tpu.dma_semaphore, #tpu.memory_space<semaphore_mem>>
          %dma_start3A_90 = tpu.memref_slice %arg3[%add3A_80] : memref<320000xi32, #tpu.memory_space<hbm>> -> memref<400xi32, #tpu.memory_space<hbm>>
          %dma_start3A_91 = tpu.memref_slice %arg3[%add3A_80] : memref<320000xi32, #tpu.memory_space<hbm>> -> memref<400xi32, #tpu.memory_space<hbm>>
          tpu.enqueue_dma source(%dma_start3A_91 : memref<400xi32, #tpu.memory_space<hbm>>) target(%arg9 : memref<400xi32, #tpu.memory_space<vmem>>) target_semaphore(%run_scoped3A : memref<!tpu.dma_semaphore, #tpu.memory_space<semaphore_mem>>)
          %dma_wait3A_92 = tpu.memref_slice %arg3[%add3A_80] : memref<320000xi32, #tpu.memory_space<hbm>> -> memref<400xi32, #tpu.memory_space<hbm>>
          %dma_wait3A_93 = tpu.memref_slice %arg3[%add3A_80] : memref<320000xi32, #tpu.memory_space<hbm>> -> memref<400xi32, #tpu.memory_space<hbm>>
          tpu.wait_dma2 semaphore(%run_scoped3A : memref<!tpu.dma_semaphore, #tpu.memory_space<semaphore_mem>>) src(%dma_wait3A_93 : memref<400xi32, #tpu.memory_space<hbm>>) dst(%arg9 : memref<400xi32, #tpu.memory_space<vmem>>)
          tpu.yield
        }) : () -> ()
        %scan3A_81 = arith.constant 0 : i32
        %scan3A_82 = arith.constant 0 : i32
        %scan3A_83 = arith.constant 25 : i32
        %scan3A_84 = arith.addi %scan3A_82, %scan3A_83 : i32
        %scan3A_85 = arith.constant 1 : i32
        scf.for %scan3A_90 = %scan3A_82 to %scan3A_84 step %scan3A_85  : i32 {
          %mul3A_91 = arith.constant 16 : i32
          %mul3A_92 = arith.muli %scan3A_90, %mul3A_91 : i32
          %get3A = arith.index_cast %mul3A_92 : i32 to index
          %get3A_93 = tpu.vector_load %arg7[%get3A] {strides = array<i32>} : memref<400xi32, #tpu.memory_space<vmem>>, vector<16xi32>,
          %get3A_94 = vector.shape_cast %get3A_93 : vector<16xi32> to vector<16xi32>
          %add3A_95 = vector.broadcast %mul3A_0 : i32 to vector<16xi32>
          %add3A_96 = arith.addi %get3A_94, %add3A_95 : vector<16xi32>
          %mul3A_97 = arith.constant 16 : i32
          %mul3A_98 = arith.muli %scan3A_90, %mul3A_97 : i32
          %swap3A = arith.index_cast %mul3A_98 : i32 to index
          %swap3A_99 = tpu.vector_load %arg7[%swap3A] {strides = array<i32>} : memref<400xi32, #tpu.memory_space<vmem>>, vector<16xi32>,
          %swap3A_100 = vector.shape_cast %swap3A_99 : vector<16xi32> to vector<16xi32>
          %swap3A_101 = vector.shape_cast %add3A_96 : vector<16xi32> to vector<16xi32>
          tpu.vector_store %arg7[%swap3A], %swap3A_101 {strides = array<i32>} : memref<400xi32, #tpu.memory_space<vmem>>, vector<16xi32>,
        }
        %scan3A_86 = arith.constant 25 : i32
        %dma_start3A_87 = arith.constant 0 : i32
        %dma_start3A_88 = arith.constant 0 : i32
        %dma_start3A_89 = tpu.memref_slice %arg4[%dma_start3A_87, %dma_start3A_88] : memref<20000x64xf32, #tpu.memory_space<hbm>> -> memref<20000x64xf32, #tpu.memory_space<hbm>>
        tpu.enqueue_indirect_dma source(%dma_start3A_89 : memref<20000x64xf32, #tpu.memory_space<hbm>>) target(%arg11 : memref<400x64xf32, #tpu.memory_space<vmem>>) offsets(%arg7 : memref<400xi32, #tpu.memory_space<vmem>>) semaphore(%arg14 : memref<!tpu.dma_semaphore, #tpu.memory_space<semaphore_mem>>)
      } else {
      }
      %dma_wait3A = arith.constant 0 : i32
      %dma_wait3A_54 = arith.constant 0 : i32
      %dma_wait3A_55 = tpu.memref_slice %arg4[%dma_wait3A, %dma_wait3A_54] : memref<20000x64xf32, #tpu.memory_space<hbm>> -> memref<400x64xf32, #tpu.memory_space<hbm>>
      %dma_wait3A_56 = arith.constant 0 : i32
      %dma_wait3A_57 = arith.constant 0 : i32
      %dma_wait3A_58 = tpu.memref_slice %arg4[%dma_wait3A_56, %dma_wait3A_57] : memref<20000x64xf32, #tpu.memory_space<hbm>> -> memref<400x64xf32, #tpu.memory_space<hbm>>
      tpu.wait_dma2 semaphore(%arg13 : memref<!tpu.dma_semaphore, #tpu.memory_space<semaphore_mem>>) src(%dma_wait3A_58 : memref<400x64xf32, #tpu.memory_space<hbm>>) dst(%arg10 : memref<400x64xf32, #tpu.memory_space<vmem>>)
      "tpu.region"() ({
        %run_scoped3A = tpu.sem_alloc : memref<!tpu.dma_semaphore, #tpu.memory_space<semaphore_mem>>
        %dma_start3A_76 = arith.constant 0 : i32
        %dma_start3A_77 = arith.constant 0 : i32
        %dma_start3A_78 = tpu.memref_slice %arg12[%dma_start3A_76, %dma_start3A_77] : memref<10000x64xf32, #tpu.memory_space<vmem_shared>> -> memref<10000x64xf32, #tpu.memory_space<vmem_shared>>
        tpu.enqueue_indirect_dma source(%arg10 : memref<400x64xf32, #tpu.memory_space<vmem>>) target(%dma_start3A_78 : memref<10000x64xf32, #tpu.memory_space<vmem_shared>>) offsets(%arg8 : memref<400xi32, #tpu.memory_space<vmem>>) semaphore(%run_scoped3A : memref<!tpu.dma_semaphore, #tpu.memory_space<semaphore_mem>>) {add = true}
        %dma_wait3A_79 = arith.constant 0 : i32
        %dma_wait3A_80 = arith.constant 0 : i32
        %dma_wait3A_81 = tpu.memref_slice %arg12[%dma_wait3A_79, %dma_wait3A_80] : memref<10000x64xf32, #tpu.memory_space<vmem_shared>> -> memref<10000x64xf32, #tpu.memory_space<vmem_shared>>
        tpu.wait_indirect_dma semaphore(%run_scoped3A : memref<!tpu.dma_semaphore, #tpu.memory_space<semaphore_mem>>) src(%arg10 : memref<400x64xf32, #tpu.memory_space<vmem>>) dst(%dma_wait3A_81 : memref<10000x64xf32, #tpu.memory_space<vmem_shared>>)
        tpu.yield
      }) : () -> ()
      %mul3A_59 = arith.constant 2 : i32
      %mul3A_60 = arith.muli %scan3A_43, %mul3A_59 : i32
      %add3A_61 = arith.constant 1 : i32
      %add3A_62 = arith.addi %mul3A_60, %add3A_61 : i32
      %add3A_63 = arith.constant 1 : i32
      %add3A_64 = arith.addi %add3A_62, %add3A_63 : i32
      %lt3A_65 = arith.constant 50 : i32
      %lt3A_66 = arith.cmpi slt, %add3A_64, %lt3A_65 : i32
      %convert_element_type3A_67 = arith.extui %lt3A_66 : i1 to i32
      %cond3A_68 = arith.constant 0 : i32
      %cond3A_69 = arith.cmpi ne, %convert_element_type3A_67, %cond3A_68 : i32
      scf.if %cond3A_69 {
        %mul3A_76 = arith.constant 20000 : i32
        %mul3A_77 = arith.muli %arg1, %mul3A_76 : i32
        %mul3A_78 = arith.constant 400 : i32
        %mul3A_79 = arith.muli %add3A_64, %mul3A_78 : i32
        %add3A_80 = arith.addi %mul3A_77, %mul3A_79 : i32
        "tpu.region"() ({
          %run_scoped3A = tpu.sem_alloc : memref<!tpu.dma_semaphore, #tpu.memory_space<semaphore_mem>>
          %dma_start3A_90 = tpu.memref_slice %arg2[%add3A_80] : memref<320000xi32, #tpu.memory_space<hbm>> -> memref<400xi32, #tpu.memory_space<hbm>>
          %dma_start3A_91 = tpu.memref_slice %arg2[%add3A_80] : memref<320000xi32, #tpu.memory_space<hbm>> -> memref<400xi32, #tpu.memory_space<hbm>>
          tpu.enqueue_dma source(%dma_start3A_91 : memref<400xi32, #tpu.memory_space<hbm>>) target(%arg6 : memref<400xi32, #tpu.memory_space<vmem>>) target_semaphore(%run_scoped3A : memref<!tpu.dma_semaphore, #tpu.memory_space<semaphore_mem>>)
          %dma_wait3A_92 = tpu.memref_slice %arg2[%add3A_80] : memref<320000xi32, #tpu.memory_space<hbm>> -> memref<400xi32, #tpu.memory_space<hbm>>
          %dma_wait3A_93 = tpu.memref_slice %arg2[%add3A_80] : memref<320000xi32, #tpu.memory_space<hbm>> -> memref<400xi32, #tpu.memory_space<hbm>>
          tpu.wait_dma2 semaphore(%run_scoped3A : memref<!tpu.dma_semaphore, #tpu.memory_space<semaphore_mem>>) src(%dma_wait3A_93 : memref<400xi32, #tpu.memory_space<hbm>>) dst(%arg6 : memref<400xi32, #tpu.memory_space<vmem>>)
          tpu.yield
        }) : () -> ()
        "tpu.region"() ({
          %run_scoped3A = tpu.sem_alloc : memref<!tpu.dma_semaphore, #tpu.memory_space<semaphore_mem>>
          %dma_start3A_90 = tpu.memref_slice %arg3[%add3A_80] : memref<320000xi32, #tpu.memory_space<hbm>> -> memref<400xi32, #tpu.memory_space<hbm>>
          %dma_start3A_91 = tpu.memref_slice %arg3[%add3A_80] : memref<320000xi32, #tpu.memory_space<hbm>> -> memref<400xi32, #tpu.memory_space<hbm>>
          tpu.enqueue_dma source(%dma_start3A_91 : memref<400xi32, #tpu.memory_space<hbm>>) target(%arg8 : memref<400xi32, #tpu.memory_space<vmem>>) target_semaphore(%run_scoped3A : memref<!tpu.dma_semaphore, #tpu.memory_space<semaphore_mem>>)
          %dma_wait3A_92 = tpu.memref_slice %arg3[%add3A_80] : memref<320000xi32, #tpu.memory_space<hbm>> -> memref<400xi32, #tpu.memory_space<hbm>>
          %dma_wait3A_93 = tpu.memref_slice %arg3[%add3A_80] : memref<320000xi32, #tpu.memory_space<hbm>> -> memref<400xi32, #tpu.memory_space<hbm>>
          tpu.wait_dma2 semaphore(%run_scoped3A : memref<!tpu.dma_semaphore, #tpu.memory_space<semaphore_mem>>) src(%dma_wait3A_93 : memref<400xi32, #tpu.memory_space<hbm>>) dst(%arg8 : memref<400xi32, #tpu.memory_space<vmem>>)
          tpu.yield
        }) : () -> ()
        %scan3A_81 = arith.constant 0 : i32
        %scan3A_82 = arith.constant 0 : i32
        %scan3A_83 = arith.constant 25 : i32
        %scan3A_84 = arith.addi %scan3A_82, %scan3A_83 : i32
        %scan3A_85 = arith.constant 1 : i32
        scf.for %scan3A_90 = %scan3A_82 to %scan3A_84 step %scan3A_85  : i32 {
          %mul3A_91 = arith.constant 16 : i32
          %mul3A_92 = arith.muli %scan3A_90, %mul3A_91 : i32
          %get3A = arith.index_cast %mul3A_92 : i32 to index
          %get3A_93 = tpu.vector_load %arg6[%get3A] {strides = array<i32>} : memref<400xi32, #tpu.memory_space<vmem>>, vector<16xi32>,
          %get3A_94 = vector.shape_cast %get3A_93 : vector<16xi32> to vector<16xi32>
          %add3A_95 = vector.broadcast %mul3A_0 : i32 to vector<16xi32>
          %add3A_96 = arith.addi %get3A_94, %add3A_95 : vector<16xi32>
          %mul3A_97 = arith.constant 16 : i32
          %mul3A_98 = arith.muli %scan3A_90, %mul3A_97 : i32
          %swap3A = arith.index_cast %mul3A_98 : i32 to index
          %swap3A_99 = tpu.vector_load %arg6[%swap3A] {strides = array<i32>} : memref<400xi32, #tpu.memory_space<vmem>>, vector<16xi32>,
          %swap3A_100 = vector.shape_cast %swap3A_99 : vector<16xi32> to vector<16xi32>
          %swap3A_101 = vector.shape_cast %add3A_96 : vector<16xi32> to vector<16xi32>
          tpu.vector_store %arg6[%swap3A], %swap3A_101 {strides = array<i32>} : memref<400xi32, #tpu.memory_space<vmem>>, vector<16xi32>,
        }
        %scan3A_86 = arith.constant 25 : i32
        %dma_start3A_87 = arith.constant 0 : i32
        %dma_start3A_88 = arith.constant 0 : i32
        %dma_start3A_89 = tpu.memref_slice %arg4[%dma_start3A_87, %dma_start3A_88] : memref<20000x64xf32, #tpu.memory_space<hbm>> -> memref<20000x64xf32, #tpu.memory_space<hbm>>
        tpu.enqueue_indirect_dma source(%dma_start3A_89 : memref<20000x64xf32, #tpu.memory_space<hbm>>) target(%arg10 : memref<400x64xf32, #tpu.memory_space<vmem>>) offsets(%arg6 : memref<400xi32, #tpu.memory_space<vmem>>) semaphore(%arg13 : memref<!tpu.dma_semaphore, #tpu.memory_space<semaphore_mem>>)
      } else {
      }
      %dma_wait3A_70 = arith.constant 0 : i32
      %dma_wait3A_71 = arith.constant 0 : i32
      %dma_wait3A_72 = tpu.memref_slice %arg4[%dma_wait3A_70, %dma_wait3A_71] : memref<20000x64xf32, #tpu.memory_space<hbm>> -> memref<400x64xf32, #tpu.memory_space<hbm>>
      %dma_wait3A_73 = arith.constant 0 : i32
      %dma_wait3A_74 = arith.constant 0 : i32
      %dma_wait3A_75 = tpu.memref_slice %arg4[%dma_wait3A_73, %dma_wait3A_74] : memref<20000x64xf32, #tpu.memory_space<hbm>> -> memref<400x64xf32, #tpu.memory_space<hbm>>
      tpu.wait_dma2 semaphore(%arg14 : memref<!tpu.dma_semaphore, #tpu.memory_space<semaphore_mem>>) src(%dma_wait3A_75 : memref<400x64xf32, #tpu.memory_space<hbm>>) dst(%arg11 : memref<400x64xf32, #tpu.memory_space<vmem>>)
      "tpu.region"() ({
        %run_scoped3A = tpu.sem_alloc : memref<!tpu.dma_semaphore, #tpu.memory_space<semaphore_mem>>
        %dma_start3A_76 = arith.constant 0 : i32
        %dma_start3A_77 = arith.constant 0 : i32
        %dma_start3A_78 = tpu.memref_slice %arg12[%dma_start3A_76, %dma_start3A_77] : memref<10000x64xf32, #tpu.memory_space<vmem_shared>> -> memref<10000x64xf32, #tpu.memory_space<vmem_shared>>
        tpu.enqueue_indirect_dma source(%arg11 : memref<400x64xf32, #tpu.memory_space<vmem>>) target(%dma_start3A_78 : memref<10000x64xf32, #tpu.memory_space<vmem_shared>>) offsets(%arg9 : memref<400xi32, #tpu.memory_space<vmem>>) semaphore(%run_scoped3A : memref<!tpu.dma_semaphore, #tpu.memory_space<semaphore_mem>>) {add = true}
        %dma_wait3A_79 = arith.constant 0 : i32
        %dma_wait3A_80 = arith.constant 0 : i32
        %dma_wait3A_81 = tpu.memref_slice %arg12[%dma_wait3A_79, %dma_wait3A_80] : memref<10000x64xf32, #tpu.memory_space<vmem_shared>> -> memref<10000x64xf32, #tpu.memory_space<vmem_shared>>
        tpu.wait_indirect_dma semaphore(%run_scoped3A : memref<!tpu.dma_semaphore, #tpu.memory_space<semaphore_mem>>) src(%arg11 : memref<400x64xf32, #tpu.memory_space<vmem>>) dst(%dma_wait3A_81 : memref<10000x64xf32, #tpu.memory_space<vmem_shared>>)
        tpu.yield
      }) : () -> ()
    }
    %scan3A_31 = arith.constant 25 : i32
    %barrier3A_32 = arith.constant 0 : index
    tpu.barrier barrier_id(%barrier3A_32)
    %mul3A_33 = arith.constant 624 : i32
    %mul3A_34 = arith.muli %arg1, %mul3A_33 : i32
    %mul3A_35 = arith.constant 624 : i32
    %mul3A_36 = arith.muli %arg1, %mul3A_35 : i32
    %add3A_37 = arith.addi %mul3A_0, %mul3A_36 : i32
    "tpu.region"() ({
      %run_scoped3A = tpu.sem_alloc : memref<!tpu.dma_semaphore, #tpu.memory_space<semaphore_mem>>
      %dma_start3A_43 = arith.constant 0 : i32
      %dma_start3A_44 = tpu.memref_slice %arg5[%add3A_37, %dma_start3A_43] : memref<20000x64xf32, #tpu.memory_space<hbm>> -> memref<624x64xf32, #tpu.memory_space<hbm>>
      %dma_start3A_45 = arith.constant 0 : i32
      %dma_start3A_46 = tpu.memref_slice %arg12[%mul3A_34, %dma_start3A_45] : memref<10000x64xf32, #tpu.memory_space<vmem_shared>> -> memref<624x64xf32, #tpu.memory_space<vmem_shared>>
      tpu.enqueue_dma source(%dma_start3A_46 : memref<624x64xf32, #tpu.memory_space<vmem_shared>>) target(%dma_start3A_44 : memref<624x64xf32, #tpu.memory_space<hbm>>) target_semaphore(%run_scoped3A : memref<!tpu.dma_semaphore, #tpu.memory_space<semaphore_mem>>)
      %dma_wait3A = arith.constant 0 : i32
      %dma_wait3A_47 = tpu.memref_slice %arg5[%add3A_37, %dma_wait3A] : memref<20000x64xf32, #tpu.memory_space<hbm>> -> memref<624x64xf32, #tpu.memory_space<hbm>>
      %dma_wait3A_48 = arith.constant 0 : i32
      %dma_wait3A_49 = tpu.memref_slice %arg12[%mul3A_34, %dma_wait3A_48] : memref<10000x64xf32, #tpu.memory_space<vmem_shared>> -> memref<624x64xf32, #tpu.memory_space<vmem_shared>>
      tpu.wait_dma2 semaphore(%run_scoped3A : memref<!tpu.dma_semaphore, #tpu.memory_space<semaphore_mem>>) src(%dma_wait3A_49 : memref<624x64xf32, #tpu.memory_space<vmem_shared>>) dst(%dma_wait3A_47 : memref<624x64xf32, #tpu.memory_space<hbm>>)
      tpu.yield
    }) : () -> ()
    %eq3A_38 = arith.constant 15 : i32
    %eq3A_39 = arith.cmpi eq, %arg1, %eq3A_38 : i32
    %convert_element_type3A_40 = arith.extui %eq3A_39 : i1 to i32
    %cond3A_41 = arith.constant 0 : i32
    %cond3A_42 = arith.cmpi ne, %convert_element_type3A_40, %cond3A_41 : i32
    scf.if %cond3A_42 {
      %add3A_43 = arith.constant 9984 : i32
      %add3A_44 = arith.addi %mul3A_0, %add3A_43 : i32
      "tpu.region"() ({
        %run_scoped3A = tpu.sem_alloc : memref<!tpu.dma_semaphore, #tpu.memory_space<semaphore_mem>>
        %dma_start3A_45 = arith.constant 0 : i32
        %dma_start3A_46 = tpu.memref_slice %arg5[%add3A_44, %dma_start3A_45] : memref<20000x64xf32, #tpu.memory_space<hbm>> -> memref<16x64xf32, #tpu.memory_space<hbm>>
        %dma_start3A_47 = arith.constant 9984 : i32
        %dma_start3A_48 = arith.constant 0 : i32
        %dma_start3A_49 = tpu.memref_slice %arg12[%dma_start3A_47, %dma_start3A_48] : memref<10000x64xf32, #tpu.memory_space<vmem_shared>> -> memref<16x64xf32, #tpu.memory_space<vmem_shared>>
        tpu.enqueue_dma source(%dma_start3A_49 : memref<16x64xf32, #tpu.memory_space<vmem_shared>>) target(%dma_start3A_46 : memref<16x64xf32, #tpu.memory_space<hbm>>) target_semaphore(%run_scoped3A : memref<!tpu.dma_semaphore, #tpu.memory_space<semaphore_mem>>)
        %dma_wait3A = arith.constant 0 : i32
        %dma_wait3A_50 = tpu.memref_slice %arg5[%add3A_44, %dma_wait3A] : memref<20000x64xf32, #tpu.memory_space<hbm>> -> memref<16x64xf32, #tpu.memory_space<hbm>>
        %dma_wait3A_51 = arith.constant 9984 : i32
        %dma_wait3A_52 = arith.constant 0 : i32
        %dma_wait3A_53 = tpu.memref_slice %arg12[%dma_wait3A_51, %dma_wait3A_52] : memref<10000x64xf32, #tpu.memory_space<vmem_shared>> -> memref<16x64xf32, #tpu.memory_space<vmem_shared>>
        tpu.wait_dma2 semaphore(%run_scoped3A : memref<!tpu.dma_semaphore, #tpu.memory_space<semaphore_mem>>) src(%dma_wait3A_53 : memref<16x64xf32, #tpu.memory_space<vmem_shared>>) dst(%dma_wait3A_50 : memref<16x64xf32, #tpu.memory_space<hbm>>)
        tpu.yield
      }) : () -> ()
    } else {
    }
    return
  }
}

module attributes {stable_mosaic.version = 14 : i64} {
  func.func @_xe_body(%arg0: i32, %arg1: memref<400x1600xf32, #tpu.memory_space<vmem>>, %arg2: memref<400x1600xf32, #tpu.memory_space<vmem>>, %arg3: memref<1600x512xbf16, #tpu.memory_space<vmem>>, %arg4: memref<512xf32, #tpu.memory_space<vmem>>, %arg5: memref<512x128xbf16, #tpu.memory_space<vmem>>, %arg6: memref<128xf32, #tpu.memory_space<vmem>>, %arg7: memref<128xf32, #tpu.memory_space<vmem>>, %arg8: memref<128xf32, #tpu.memory_space<vmem>>, %arg9: memref<400x128xf32, #tpu.memory_space<vmem>>) attributes {dimension_semantics = [#tpu.dimension_semantics<arbitrary>], iteration_bounds = array<i64: 25>, scalar_prefetch = 0 : i64, scratch_operands = 0 : i64, tpu.core_type = #tpu.core_type<tc>, window_params = [{transform_indices = @transform_0, window_bounds = array<i64: 400, 1600>}, {transform_indices = @transform_1, window_bounds = array<i64: 400, 1600>}, {pipeline_mode = #tpu.pipeline_mode<synchronous>, transform_indices = @transform_2, window_bounds = array<i64: 1600, 512>}, {pipeline_mode = #tpu.pipeline_mode<synchronous>, transform_indices = @transform_3, window_bounds = array<i64: 512>}, {pipeline_mode = #tpu.pipeline_mode<synchronous>, transform_indices = @transform_4, window_bounds = array<i64: 512, 128>}, {pipeline_mode = #tpu.pipeline_mode<synchronous>, transform_indices = @transform_5, window_bounds = array<i64: 128>}, {pipeline_mode = #tpu.pipeline_mode<synchronous>, transform_indices = @transform_6, window_bounds = array<i64: 128>}, {pipeline_mode = #tpu.pipeline_mode<synchronous>, transform_indices = @transform_7, window_bounds = array<i64: 128>}, {transform_indices = @transform_8, window_bounds = array<i64: 400, 128>}]} {
    %get3A = arith.constant 0 : index
    %get3A_0 = arith.constant 0 : index
    %get3A_1 = vector.load %arg1[%get3A, %get3A_0] : memref<400x1600xf32, #tpu.memory_space<vmem>>, vector<400x1600xf32>
    %get3A_2 = arith.constant 0 : index
    %get3A_3 = arith.constant 0 : index
    %get3A_4 = vector.load %arg2[%get3A_2, %get3A_3] : memref<400x1600xf32, #tpu.memory_space<vmem>>, vector<400x1600xf32>
    %add3A = arith.addf %get3A_1, %get3A_4 : vector<400x1600xf32>
    %convert_element_type3A = arith.truncf %add3A : vector<400x1600xf32> to vector<400x1600xbf16>
    %get3A_5 = arith.constant 0 : index
    %get3A_6 = arith.constant 0 : index
    %get3A_7 = vector.load %arg3[%get3A_5, %get3A_6] : memref<1600x512xbf16, #tpu.memory_space<vmem>>, vector<1600x512xbf16>
    %dot_general3A = arith.constant dense<0.000000e+00> : vector<400x512xf32>
    %dot_general3A_8 = tpu.matmul %convert_element_type3A, %get3A_7, %dot_general3A {dimension_numbers = #tpu.dot_dimension_numbers<[1], [0], [0], [1], [0, 0, 1, 1], [], []>, transpose_lhs_hint = false} : vector<400x1600xbf16>, vector<1600x512xbf16>, vector<400x512xf32> -> vector<400x512xf32>
    %get3A_9 = arith.constant 0 : index
    %get3A_10 = vector.load %arg4[%get3A_9] : memref<512xf32, #tpu.memory_space<vmem>>, vector<512xf32>
    %broadcast_in_dim3A = vector.shape_cast %get3A_10 : vector<512xf32> to vector<1x512xf32>
    %add3A_11 = vector.broadcast %broadcast_in_dim3A : vector<1x512xf32> to vector<400x512xf32>
    %add3A_12 = arith.addf %dot_general3A_8, %add3A_11 : vector<400x512xf32>
    %max3A = arith.constant 0.000000e+00 : f32
    %max3A_13 = vector.broadcast %max3A : f32 to vector<400x512xf32>
    %max3A_14 = arith.maximumf %add3A_12, %max3A_13 : vector<400x512xf32>
    %convert_element_type3A_15 = arith.truncf %max3A_14 : vector<400x512xf32> to vector<400x512xbf16>
    %get3A_16 = arith.constant 0 : index
    %get3A_17 = arith.constant 0 : index
    %get3A_18 = vector.load %arg5[%get3A_16, %get3A_17] : memref<512x128xbf16, #tpu.memory_space<vmem>>, vector<512x128xbf16>
    %dot_general3A_19 = arith.constant dense<0.000000e+00> : vector<400x128xf32>
    %dot_general3A_20 = tpu.matmul %convert_element_type3A_15, %get3A_18, %dot_general3A_19 {dimension_numbers = #tpu.dot_dimension_numbers<[1], [0], [0], [1], [0, 0, 1, 1], [], []>, transpose_lhs_hint = false} : vector<400x512xbf16>, vector<512x128xbf16>, vector<400x128xf32> -> vector<400x128xf32>
    %get3A_21 = arith.constant 0 : index
    %get3A_22 = vector.load %arg6[%get3A_21] : memref<128xf32, #tpu.memory_space<vmem>>, vector<128xf32>
    %broadcast_in_dim3A_23 = vector.shape_cast %get3A_22 : vector<128xf32> to vector<1x128xf32>
    %add3A_24 = vector.broadcast %broadcast_in_dim3A_23 : vector<1x128xf32> to vector<400x128xf32>
    %add3A_25 = arith.addf %dot_general3A_20, %add3A_24 : vector<400x128xf32>
    %reduce_sum3A = arith.constant dense<0.000000e+00> : vector<400xf32>
    %reduce_sum3A_26 = vector.multi_reduction <add>, %add3A_25, %reduce_sum3A [1] : vector<400x128xf32> to vector<400xf32>
    %broadcast_in_dim3A_27 = vector.shape_cast %reduce_sum3A_26 : vector<400xf32> to vector<400x1xf32>
    %div3A = arith.constant 1.280000e+02 : f32
    %div3A_28 = vector.broadcast %div3A : f32 to vector<400x1xf32>
    %div3A_29 = arith.divf %broadcast_in_dim3A_27, %div3A_28 : vector<400x1xf32>
    %sub3A = vector.broadcast %div3A_29 : vector<400x1xf32> to vector<400x128xf32>
    %sub3A_30 = arith.subf %add3A_25, %sub3A : vector<400x128xf32>
    %integer_pow3A = arith.mulf %sub3A_30, %sub3A_30 : vector<400x128xf32>
    %reduce_sum3A_31 = arith.constant dense<0.000000e+00> : vector<400xf32>
    %reduce_sum3A_32 = vector.multi_reduction <add>, %integer_pow3A, %reduce_sum3A_31 [1] : vector<400x128xf32> to vector<400xf32>
    %broadcast_in_dim3A_33 = vector.shape_cast %reduce_sum3A_32 : vector<400xf32> to vector<400x1xf32>
    %div3A_34 = arith.constant 1.280000e+02 : f32
    %div3A_35 = vector.broadcast %div3A_34 : f32 to vector<400x1xf32>
    %div3A_36 = arith.divf %broadcast_in_dim3A_33, %div3A_35 : vector<400x1xf32>
    %sub3A_37 = vector.broadcast %div3A_29 : vector<400x1xf32> to vector<400x128xf32>
    %sub3A_38 = arith.subf %add3A_25, %sub3A_37 : vector<400x128xf32>
    %add3A_39 = arith.constant 9.99999996E-13 : f32
    %add3A_40 = vector.broadcast %add3A_39 : f32 to vector<400x1xf32>
    %add3A_41 = arith.addf %div3A_36, %add3A_40 : vector<400x1xf32>
    %rsqrt3A = math.rsqrt %add3A_41 : vector<400x1xf32>
    %mul3A = vector.broadcast %rsqrt3A : vector<400x1xf32> to vector<400x128xf32>
    %mul3A_42 = arith.mulf %sub3A_38, %mul3A : vector<400x128xf32>
    %get3A_43 = arith.constant 0 : index
    %get3A_44 = vector.load %arg7[%get3A_43] : memref<128xf32, #tpu.memory_space<vmem>>, vector<128xf32>
    %broadcast_in_dim3A_45 = vector.shape_cast %get3A_44 : vector<128xf32> to vector<1x128xf32>
    %mul3A_46 = vector.broadcast %broadcast_in_dim3A_45 : vector<1x128xf32> to vector<400x128xf32>
    %mul3A_47 = arith.mulf %mul3A_42, %mul3A_46 : vector<400x128xf32>
    %get3A_48 = arith.constant 0 : index
    %get3A_49 = vector.load %arg8[%get3A_48] : memref<128xf32, #tpu.memory_space<vmem>>, vector<128xf32>
    %broadcast_in_dim3A_50 = vector.shape_cast %get3A_49 : vector<128xf32> to vector<1x128xf32>
    %add3A_51 = vector.broadcast %broadcast_in_dim3A_50 : vector<1x128xf32> to vector<400x128xf32>
    %add3A_52 = arith.addf %mul3A_47, %add3A_51 : vector<400x128xf32>
    %swap3A = arith.constant 0 : index
    %swap3A_53 = arith.constant 0 : index
    %swap3A_54 = vector.load %arg9[%swap3A, %swap3A_53] : memref<400x128xf32, #tpu.memory_space<vmem>>, vector<400x128xf32>
    tpu.vector_store %arg9[%swap3A, %swap3A_53], %add3A_52 {strides = array<i32>} : memref<400x128xf32, #tpu.memory_space<vmem>>, vector<400x128xf32>,
    return
  }
  func.func @transform_0(%arg0: i32) -> (i32, i32) {
    %c0_i32 = arith.constant 0 : i32
    %c0_i32_0 = arith.constant 0 : i32
    return %arg0, %c0_i32 : i32, i32
  }
  func.func @transform_1(%arg0: i32) -> (i32, i32) {
    %c0_i32 = arith.constant 0 : i32
    %c0_i32_0 = arith.constant 0 : i32
    return %arg0, %c0_i32 : i32, i32
  }
  func.func @transform_2(%arg0: i32) -> (i32, i32) {
    %c0_i32 = arith.constant 0 : i32
    %c0_i32_0 = arith.constant 0 : i32
    %c0_i32_1 = arith.constant 0 : i32
    return %c0_i32, %c0_i32_0 : i32, i32
  }
  func.func @transform_3(%arg0: i32) -> i32 {
    %c0_i32 = arith.constant 0 : i32
    %c0_i32_0 = arith.constant 0 : i32
    return %c0_i32 : i32
  }
  func.func @transform_4(%arg0: i32) -> (i32, i32) {
    %c0_i32 = arith.constant 0 : i32
    %c0_i32_0 = arith.constant 0 : i32
    %c0_i32_1 = arith.constant 0 : i32
    return %c0_i32, %c0_i32_0 : i32, i32
  }
  func.func @transform_5(%arg0: i32) -> i32 {
    %c0_i32 = arith.constant 0 : i32
    %c0_i32_0 = arith.constant 0 : i32
    return %c0_i32 : i32
  }
  func.func @transform_6(%arg0: i32) -> i32 {
    %c0_i32 = arith.constant 0 : i32
    %c0_i32_0 = arith.constant 0 : i32
    return %c0_i32 : i32
  }
  func.func @transform_7(%arg0: i32) -> i32 {
    %c0_i32 = arith.constant 0 : i32
    %c0_i32_0 = arith.constant 0 : i32
    return %c0_i32 : i32
  }
  func.func @transform_8(%arg0: i32) -> (i32, i32) {
    %c0_i32 = arith.constant 0 : i32
    %c0_i32_0 = arith.constant 0 : i32
    return %arg0, %c0_i32 : i32, i32
  }
}

module attributes {stable_mosaic.version = 14 : i64} {
  func.func @_h_body(%arg0: i32, %arg1: memref<1000x64xf32, #tpu.memory_space<vmem>>, %arg2: memref<1000x64xf32, #tpu.memory_space<vmem>>, %arg3: memref<1000x16xf32, #tpu.memory_space<vmem>>, %arg4: memref<1000x16xf32, #tpu.memory_space<vmem>>, %arg5: memref<64x128xf32, #tpu.memory_space<vmem>>, %arg6: memref<64x128xf32, #tpu.memory_space<vmem>>, %arg7: memref<128xf32, #tpu.memory_space<vmem>>, %arg8: memref<1000x128xf32, #tpu.memory_space<vmem>>) attributes {dimension_semantics = [#tpu.dimension_semantics<arbitrary>], iteration_bounds = array<i64: 10>, scalar_prefetch = 0 : i64, scratch_operands = 0 : i64, tpu.core_type = #tpu.core_type<tc>, window_params = [{transform_indices = @transform_0, window_bounds = array<i64: 1000, 64>}, {transform_indices = @transform_1, window_bounds = array<i64: 1000, 64>}, {transform_indices = @transform_2, window_bounds = array<i64: 1000, 16>}, {transform_indices = @transform_3, window_bounds = array<i64: 1000, 16>}, {pipeline_mode = #tpu.pipeline_mode<synchronous>, transform_indices = @transform_4, window_bounds = array<i64: 64, 128>}, {pipeline_mode = #tpu.pipeline_mode<synchronous>, transform_indices = @transform_5, window_bounds = array<i64: 64, 128>}, {pipeline_mode = #tpu.pipeline_mode<synchronous>, transform_indices = @transform_6, window_bounds = array<i64: 128>}, {transform_indices = @transform_7, window_bounds = array<i64: 1000, 128>}]} {
    %get3A = arith.constant 0 : index
    %get3A_0 = arith.constant 0 : index
    %get3A_1 = vector.load %arg3[%get3A, %get3A_0] : memref<1000x16xf32, #tpu.memory_space<vmem>>, vector<1000x1xf32>
    %get3A_2 = arith.constant 0 : index
    %get3A_3 = arith.constant 0 : index
    %get3A_4 = vector.load %arg4[%get3A_2, %get3A_3] : memref<1000x16xf32, #tpu.memory_space<vmem>>, vector<1000x1xf32>
    %add3A = arith.addf %get3A_1, %get3A_4 : vector<1000x1xf32>
    %jit3A = arith.constant 1.000000e+00 : f32
    %max3A = vector.broadcast %jit3A : f32 to vector<1000x1xf32>
    %max3A_5 = arith.maximumf %max3A, %add3A : vector<1000x1xf32>
    %get3A_6 = arith.constant 0 : index
    %get3A_7 = arith.constant 0 : index
    %get3A_8 = vector.load %arg1[%get3A_6, %get3A_7] : memref<1000x64xf32, #tpu.memory_space<vmem>>, vector<1000x64xf32>
    %div3A = vector.broadcast %max3A_5 : vector<1000x1xf32> to vector<1000x64xf32>
    %div3A_9 = arith.divf %get3A_8, %div3A : vector<1000x64xf32>
    %get3A_10 = arith.constant 0 : index
    %get3A_11 = arith.constant 0 : index
    %get3A_12 = vector.load %arg2[%get3A_10, %get3A_11] : memref<1000x64xf32, #tpu.memory_space<vmem>>, vector<1000x64xf32>
    %div3A_13 = vector.broadcast %max3A_5 : vector<1000x1xf32> to vector<1000x64xf32>
    %div3A_14 = arith.divf %get3A_12, %div3A_13 : vector<1000x64xf32>
    %get3A_15 = arith.constant 0 : index
    %get3A_16 = arith.constant 0 : index
    %get3A_17 = vector.load %arg5[%get3A_15, %get3A_16] : memref<64x128xf32, #tpu.memory_space<vmem>>, vector<64x128xf32>
    %dot_general3A = arith.constant dense<0.000000e+00> : vector<1000x128xf32>
    %dot_general3A_18 = tpu.matmul %div3A_9, %get3A_17, %dot_general3A {dimension_numbers = #tpu.dot_dimension_numbers<[1], [0], [0], [1], [0, 0, 1, 1], [], []>, transpose_lhs_hint = false} : vector<1000x64xf32>, vector<64x128xf32>, vector<1000x128xf32> -> vector<1000x128xf32>
    %get3A_19 = arith.constant 0 : index
    %get3A_20 = arith.constant 0 : index
    %get3A_21 = vector.load %arg6[%get3A_19, %get3A_20] : memref<64x128xf32, #tpu.memory_space<vmem>>, vector<64x128xf32>
    %dot_general3A_22 = arith.constant dense<0.000000e+00> : vector<1000x128xf32>
    %dot_general3A_23 = tpu.matmul %div3A_14, %get3A_21, %dot_general3A_22 {dimension_numbers = #tpu.dot_dimension_numbers<[1], [0], [0], [1], [0, 0, 1, 1], [], []>, transpose_lhs_hint = false} : vector<1000x64xf32>, vector<64x128xf32>, vector<1000x128xf32> -> vector<1000x128xf32>
    %add3A_24 = arith.addf %dot_general3A_18, %dot_general3A_23 : vector<1000x128xf32>
    %get3A_25 = arith.constant 0 : index
    %get3A_26 = vector.load %arg7[%get3A_25] : memref<128xf32, #tpu.memory_space<vmem>>, vector<128xf32>
    %broadcast_in_dim3A = vector.shape_cast %get3A_26 : vector<128xf32> to vector<1x128xf32>
    %add3A_27 = vector.broadcast %broadcast_in_dim3A : vector<1x128xf32> to vector<1000x128xf32>
    %add3A_28 = arith.addf %add3A_24, %add3A_27 : vector<1000x128xf32>
    %max3A_29 = arith.constant 0.000000e+00 : f32
    %max3A_30 = vector.broadcast %max3A_29 : f32 to vector<1000x128xf32>
    %max3A_31 = arith.maximumf %add3A_28, %max3A_30 : vector<1000x128xf32>
    %swap3A = arith.constant 0 : index
    %swap3A_32 = arith.constant 0 : index
    %swap3A_33 = vector.load %arg8[%swap3A, %swap3A_32] : memref<1000x128xf32, #tpu.memory_space<vmem>>, vector<1000x128xf32>
    tpu.vector_store %arg8[%swap3A, %swap3A_32], %max3A_31 {strides = array<i32>} : memref<1000x128xf32, #tpu.memory_space<vmem>>, vector<1000x128xf32>,
    return
  }
  func.func @transform_0(%arg0: i32) -> (i32, i32) {
    %c0_i32 = arith.constant 0 : i32
    %c0_i32_0 = arith.constant 0 : i32
    return %arg0, %c0_i32 : i32, i32
  }
  func.func @transform_1(%arg0: i32) -> (i32, i32) {
    %add3A = arith.constant 10 : i32
    %add3A_0 = arith.addi %arg0, %add3A : i32
    %c0_i32 = arith.constant 0 : i32
    %c0_i32_1 = arith.constant 0 : i32
    return %add3A_0, %c0_i32 : i32, i32
  }
  func.func @transform_2(%arg0: i32) -> (i32, i32) {
    %c0_i32 = arith.constant 0 : i32
    %c0_i32_0 = arith.constant 0 : i32
    return %arg0, %c0_i32 : i32, i32
  }
  func.func @transform_3(%arg0: i32) -> (i32, i32) {
    %add3A = arith.constant 10 : i32
    %add3A_0 = arith.addi %arg0, %add3A : i32
    %c0_i32 = arith.constant 0 : i32
    %c0_i32_1 = arith.constant 0 : i32
    return %add3A_0, %c0_i32 : i32, i32
  }
  func.func @transform_4(%arg0: i32) -> (i32, i32) {
    %c0_i32 = arith.constant 0 : i32
    %c0_i32_0 = arith.constant 0 : i32
    %c0_i32_1 = arith.constant 0 : i32
    return %c0_i32, %c0_i32_0 : i32, i32
  }
  func.func @transform_5(%arg0: i32) -> (i32, i32) {
    %c0_i32 = arith.constant 0 : i32
    %c0_i32_0 = arith.constant 0 : i32
    %c0_i32_1 = arith.constant 0 : i32
    return %c0_i32, %c0_i32_0 : i32, i32
  }
  func.func @transform_6(%arg0: i32) -> i32 {
    %c0_i32 = arith.constant 0 : i32
    %c0_i32_0 = arith.constant 0 : i32
    return %c0_i32 : i32
  }
  func.func @transform_7(%arg0: i32) -> (i32, i32) {
    %c0_i32 = arith.constant 0 : i32
    %c0_i32_0 = arith.constant 0 : i32
    return %arg0, %c0_i32 : i32, i32
  }
}

module attributes {stable_mosaic.version = 14 : i64} {
  func.func @_head_body(%arg0: i32, %arg1: memref<1000x128xf32, #tpu.memory_space<vmem>>, %arg2: memref<1000x128xf32, #tpu.memory_space<vmem>>, %arg3: memref<128x256xf32, #tpu.memory_space<vmem>>, %arg4: memref<128x256xf32, #tpu.memory_space<vmem>>, %arg5: memref<256xf32, #tpu.memory_space<vmem>>, %arg6: memref<256x128xf32, #tpu.memory_space<vmem>>, %arg7: memref<128xf32, #tpu.memory_space<vmem>>, %arg8: memref<128x10xf32, #tpu.memory_space<vmem>>, %arg9: memref<10xf32, #tpu.memory_space<vmem>>, %arg10: memref<1000x10xf32, #tpu.memory_space<vmem>>) attributes {dimension_semantics = [#tpu.dimension_semantics<arbitrary>], iteration_bounds = array<i64: 5>, scalar_prefetch = 0 : i64, scratch_operands = 0 : i64, tpu.core_type = #tpu.core_type<tc>, window_params = [{transform_indices = @transform_0, window_bounds = array<i64: 1000, 128>}, {transform_indices = @transform_1, window_bounds = array<i64: 1000, 128>}, {pipeline_mode = #tpu.pipeline_mode<synchronous>, transform_indices = @transform_2, window_bounds = array<i64: 128, 256>}, {pipeline_mode = #tpu.pipeline_mode<synchronous>, transform_indices = @transform_3, window_bounds = array<i64: 128, 256>}, {pipeline_mode = #tpu.pipeline_mode<synchronous>, transform_indices = @transform_4, window_bounds = array<i64: 256>}, {pipeline_mode = #tpu.pipeline_mode<synchronous>, transform_indices = @transform_5, window_bounds = array<i64: 256, 128>}, {pipeline_mode = #tpu.pipeline_mode<synchronous>, transform_indices = @transform_6, window_bounds = array<i64: 128>}, {pipeline_mode = #tpu.pipeline_mode<synchronous>, transform_indices = @transform_7, window_bounds = array<i64: 128, 10>}, {pipeline_mode = #tpu.pipeline_mode<synchronous>, transform_indices = @transform_8, window_bounds = array<i64: 10>}, {transform_indices = @transform_9, window_bounds = array<i64: 1000, 10>}]} {
    %get3A = arith.constant 0 : index
    %get3A_0 = arith.constant 0 : index
    %get3A_1 = vector.load %arg2[%get3A, %get3A_0] : memref<1000x128xf32, #tpu.memory_space<vmem>>, vector<1000x128xf32>
    %get3A_2 = arith.constant 0 : index
    %get3A_3 = arith.constant 0 : index
    %get3A_4 = vector.load %arg3[%get3A_2, %get3A_3] : memref<128x256xf32, #tpu.memory_space<vmem>>, vector<128x256xf32>
    %dot_general3A = arith.constant dense<0.000000e+00> : vector<1000x256xf32>
    %dot_general3A_5 = tpu.matmul %get3A_1, %get3A_4, %dot_general3A {dimension_numbers = #tpu.dot_dimension_numbers<[1], [0], [0], [1], [0, 0, 1, 1], [], []>, transpose_lhs_hint = false} : vector<1000x128xf32>, vector<128x256xf32>, vector<1000x256xf32> -> vector<1000x256xf32>
    %get3A_6 = arith.constant 0 : index
    %get3A_7 = arith.constant 0 : index
    %get3A_8 = vector.load %arg1[%get3A_6, %get3A_7] : memref<1000x128xf32, #tpu.memory_space<vmem>>, vector<1000x128xf32>
    %get3A_9 = arith.constant 0 : index
    %get3A_10 = arith.constant 0 : index
    %get3A_11 = vector.load %arg4[%get3A_9, %get3A_10] : memref<128x256xf32, #tpu.memory_space<vmem>>, vector<128x256xf32>
    %dot_general3A_12 = arith.constant dense<0.000000e+00> : vector<1000x256xf32>
    %dot_general3A_13 = tpu.matmul %get3A_8, %get3A_11, %dot_general3A_12 {dimension_numbers = #tpu.dot_dimension_numbers<[1], [0], [0], [1], [0, 0, 1, 1], [], []>, transpose_lhs_hint = false} : vector<1000x128xf32>, vector<128x256xf32>, vector<1000x256xf32> -> vector<1000x256xf32>
    %add3A = arith.addf %dot_general3A_5, %dot_general3A_13 : vector<1000x256xf32>
    %get3A_14 = arith.constant 0 : index
    %get3A_15 = vector.load %arg5[%get3A_14] : memref<256xf32, #tpu.memory_space<vmem>>, vector<256xf32>
    %broadcast_in_dim3A = vector.shape_cast %get3A_15 : vector<256xf32> to vector<1x256xf32>
    %add3A_16 = vector.broadcast %broadcast_in_dim3A : vector<1x256xf32> to vector<1000x256xf32>
    %add3A_17 = arith.addf %add3A, %add3A_16 : vector<1000x256xf32>
    %max3A = arith.constant 0.000000e+00 : f32
    %max3A_18 = vector.broadcast %max3A : f32 to vector<1000x256xf32>
    %max3A_19 = arith.maximumf %add3A_17, %max3A_18 : vector<1000x256xf32>
    %get3A_20 = arith.constant 0 : index
    %get3A_21 = arith.constant 0 : index
    %get3A_22 = vector.load %arg6[%get3A_20, %get3A_21] : memref<256x128xf32, #tpu.memory_space<vmem>>, vector<256x128xf32>
    %dot_general3A_23 = arith.constant dense<0.000000e+00> : vector<1000x128xf32>
    %dot_general3A_24 = tpu.matmul %max3A_19, %get3A_22, %dot_general3A_23 {dimension_numbers = #tpu.dot_dimension_numbers<[1], [0], [0], [1], [0, 0, 1, 1], [], []>, transpose_lhs_hint = false} : vector<1000x256xf32>, vector<256x128xf32>, vector<1000x128xf32> -> vector<1000x128xf32>
    %get3A_25 = arith.constant 0 : index
    %get3A_26 = vector.load %arg7[%get3A_25] : memref<128xf32, #tpu.memory_space<vmem>>, vector<128xf32>
    %broadcast_in_dim3A_27 = vector.shape_cast %get3A_26 : vector<128xf32> to vector<1x128xf32>
    %add3A_28 = vector.broadcast %broadcast_in_dim3A_27 : vector<1x128xf32> to vector<1000x128xf32>
    %add3A_29 = arith.addf %dot_general3A_24, %add3A_28 : vector<1000x128xf32>
    %max3A_30 = arith.constant 0.000000e+00 : f32
    %max3A_31 = vector.broadcast %max3A_30 : f32 to vector<1000x128xf32>
    %max3A_32 = arith.maximumf %add3A_29, %max3A_31 : vector<1000x128xf32>
    %get3A_33 = arith.constant 0 : index
    %get3A_34 = arith.constant 0 : index
    %get3A_35 = vector.load %arg8[%get3A_33, %get3A_34] : memref<128x10xf32, #tpu.memory_space<vmem>>, vector<128x10xf32>
    %dot_general3A_36 = arith.constant dense<0.000000e+00> : vector<1000x10xf32>
    %dot_general3A_37 = tpu.matmul %max3A_32, %get3A_35, %dot_general3A_36 {dimension_numbers = #tpu.dot_dimension_numbers<[1], [0], [0], [1], [0, 0, 1, 1], [], []>, transpose_lhs_hint = false} : vector<1000x128xf32>, vector<128x10xf32>, vector<1000x10xf32> -> vector<1000x10xf32>
    %get3A_38 = arith.constant 0 : index
    %get3A_39 = vector.load %arg9[%get3A_38] : memref<10xf32, #tpu.memory_space<vmem>>, vector<10xf32>
    %broadcast_in_dim3A_40 = vector.shape_cast %get3A_39 : vector<10xf32> to vector<1x10xf32>
    %add3A_41 = vector.broadcast %broadcast_in_dim3A_40 : vector<1x10xf32> to vector<1000x10xf32>
    %add3A_42 = arith.addf %dot_general3A_37, %add3A_41 : vector<1000x10xf32>
    %swap3A = arith.constant 0 : index
    %swap3A_43 = arith.constant 0 : index
    %swap3A_44 = vector.load %arg10[%swap3A, %swap3A_43] : memref<1000x10xf32, #tpu.memory_space<vmem>>, vector<1000x10xf32>
    tpu.vector_store %arg10[%swap3A, %swap3A_43], %add3A_42 {strides = array<i32>} : memref<1000x10xf32, #tpu.memory_space<vmem>>, vector<1000x10xf32>,
    return
  }
  func.func @transform_0(%arg0: i32) -> (i32, i32) {
    %c0_i32 = arith.constant 0 : i32
    %c0_i32_0 = arith.constant 0 : i32
    return %arg0, %c0_i32 : i32, i32
  }
  func.func @transform_1(%arg0: i32) -> (i32, i32) {
    %c0_i32 = arith.constant 0 : i32
    %c0_i32_0 = arith.constant 0 : i32
    return %arg0, %c0_i32 : i32, i32
  }
  func.func @transform_2(%arg0: i32) -> (i32, i32) {
    %c0_i32 = arith.constant 0 : i32
    %c0_i32_0 = arith.constant 0 : i32
    %c0_i32_1 = arith.constant 0 : i32
    return %c0_i32, %c0_i32_0 : i32, i32
  }
  func.func @transform_3(%arg0: i32) -> (i32, i32) {
    %c0_i32 = arith.constant 0 : i32
    %c0_i32_0 = arith.constant 0 : i32
    %c0_i32_1 = arith.constant 0 : i32
    return %c0_i32, %c0_i32_0 : i32, i32
  }
  func.func @transform_4(%arg0: i32) -> i32 {
    %c0_i32 = arith.constant 0 : i32
    %c0_i32_0 = arith.constant 0 : i32
    return %c0_i32 : i32
  }
  func.func @transform_5(%arg0: i32) -> (i32, i32) {
    %c0_i32 = arith.constant 0 : i32
    %c0_i32_0 = arith.constant 0 : i32
    %c0_i32_1 = arith.constant 0 : i32
    return %c0_i32, %c0_i32_0 : i32, i32
  }
  func.func @transform_6(%arg0: i32) -> i32 {
    %c0_i32 = arith.constant 0 : i32
    %c0_i32_0 = arith.constant 0 : i32
    return %c0_i32 : i32
  }
  func.func @transform_7(%arg0: i32) -> (i32, i32) {
    %c0_i32 = arith.constant 0 : i32
    %c0_i32_0 = arith.constant 0 : i32
    %c0_i32_1 = arith.constant 0 : i32
    return %c0_i32, %c0_i32_0 : i32, i32
  }
  func.func @transform_8(%arg0: i32) -> i32 {
    %c0_i32 = arith.constant 0 : i32
    %c0_i32_0 = arith.constant 0 : i32
    return %c0_i32 : i32
  }
  func.func @transform_9(%arg0: i32) -> (i32, i32) {
    %c0_i32 = arith.constant 0 : i32
    %c0_i32_0 = arith.constant 0 : i32
    return %arg0, %c0_i32 : i32, i32
  }
}

</mosaic_0001>

<sc_bundles>
// kernel: kernel.12.cloned.1.call-start
scs
__scs_entry_jumppad:
0x0: {  	(pc) =	sbr.rel $0x88, $3  }
0x1: {  	(tag) =	ssettag $0x0;
	lr =	simm.s32 $0x1  }
0x2: {  	[smem:$0x3F8C] =	sst lr;
	_ =	strace $0xD0000000  }
0x3: {  	_ = 	snop  }
0x4: {  	_ = 	snop  }
0x5: {  	_ = 	snop  }
0x6: {  	_ = 	snop  }
0x7: {  	_ = 	snop  }
__scs_overlays_trampoline_lowered:
0x8: {  	[smem:$0x3F9B] =	sst s0  }
0x9: {  	[smem:$0x3F9C] =	sst s1  }
0xa: {  	[smem:$0x3F9D] =	sst s2  }
0xb: {  	[smem:$0x3F9E] =	sst s3  }
0xc: {  	[smem:$0x3F9F] =	sst s4  }
0xd: {  	[smem:$0x3FA0] =	sst s5  }
0xe: {  	[smem:$0x3FA1] =	sst s6  }
0xf: {  	[smem:$0x3FA2] =	sst s7  }
0x10: {  	[smem:$0x3FA3] =	sst s8  }
0x11: {  	[smem:$0x3FA4] =	sst s9;
	s0 =	simm.s32 @!p0 $0x0  }
0x12: {  	s1 =	sld [smem:$0x3F8A];
	s0 =	simm.s32 @p0 $0x1  }
0x13: {  	[smem:$0x3FA5] =	sst s0;
	s0 =	simm.s32 @!p1 $0x0  }
0x14: {  	s2 =	sld [smem:$0x3F89];
	s0 =	simm.s32 @p1 $0x1  }
0x15: {  	[smem:$0x3FA6] =	sst s0;
	s0 =	simm.s32 @!p2 $0x0  }
0x16: {  	s3 =	sld [smem:$0x3FDB];
	s0 =	simm.s32 @p2 $0x1  }
0x17: {  	s4 =	simm.s32 $0x1BF5;
	[smem:$0x3FA8] =	sst s0  }
0x18: {  	s0 =	sld [smem:$0x3F8B];
	_ =	swait.ge [sflag:s4], $0x0  }
0x19: {  	s7 =	sld [smem:$0x3F8C]  }
0x1a: {  	s8 =	sadd.s32 $0xFFFFE003, lr  }
0x1b: {  	s9 =	sadd.s32 $0xFFFFFEF7, lr;
	s5 =	simm.s32 $0xFFFFFFFF;
	p2 =	slt.u32 s8, $0xFFFFF086  }
0x1c: {  	p1 =	slt.u32 s9, $0xF7A;
	s5 =	simm.s32 @!p2 $0x0  }
0x1d: {  	s5 =	simm.s32 @p1 $0x1;
	p0 =	seq.s32 s7, s2  }
0x1e: {  	s7 =	smul.u32 @!p0 $0xF7A, s2;
	p2 =	seq.s32 @!p0 s5, $0x0  }
0x1f: {  	s9 =	smul.u32 $0xF7A, s1;
	s8 =	simm.s32 @!p0 $0x1BF5;
	p2 =	por !p2, p0  }
0x20: {  	[sflag:s8] =	ssyncset.s32 @!p0 $0xFFFFF086;
	s6 =	sadd.s32 @!p0 s3, s7;
	s7 =	simm.s32 @!p0 $0x108  }
0x21: {  	s3 =	sadd.s32 s3, s9;
	s6 =	sadd.s32 @!p0 $0x88, s6;
	s7 =	simm.s32 @p2 $0x1082  }
0x22: {  	[simem:s7], [sflag:s8] =	dma.local @!p0 [hbm:s6], $0xF7A  }
0x23: {  	s9 =	sor.u32 $0xD0000000, s2;
	s6 =	simm.s32 $0x108;
	_ =	swait.ge @!p0 [sflag:s8], $0x0  }
0x24: {  	s3 =	sadd.s32 $0x88, s3;
	s6 =	simm.s32 @!p1 $0x1082;
	[sflag:s4] =	ssyncset.s32 $0xFFFFF086  }
0x25: {  	[simem:s6], [sflag:s4] =	dma.local [hbm:s3], $0xF7A  }
0x26: {  	[smem:$0x3F8C] =	sst s1;
	(tag) =	ssettag s2;
	_ =	strace s9  }
0x27: {  	s1 =	sld [smem:$0x3F9C]  }
0x28: {  	s2 =	sld [smem:$0x3F9D]  }
0x29: {  	s4 =	sld [smem:$0x3F9F]  }
0x2a: {  	p0 =	seq.s32 s5, $0x0;
	s5 =	sld [smem:$0x3FA0]  }
0x2b: {  	s6 =	sld [smem:$0x3FA1]  }
0x2c: {  	s7 =	sld [smem:$0x3FA2]  }
0x2d: {  	s3 =	simm.s32 $0x108;
	s8 =	sld [smem:$0x3FA3]  }
0x2e: {  	s3 =	simm.s32 @!p0 $0x1082;
	s9 =	sld [smem:$0x3FA4]  }
0x2f: {  	lr =	sadd.s32 s0, s3;
	s0 =	sld [smem:$0x3F9B]  }
0x30: {  	s3 =	sld [smem:$0x3F9E]  }
0x31: {  	[smem:$0x3FA7] =	sst s10  }
0x32: {  	s10 =	sld [smem:$0x3FA5];
	_ =	sdelay $0x3  }
0x33: {  	p0 =	seq.s32 s10, $0x1;
	s10 =	sld [smem:$0x3FA7];
	_ =	sdelay $0x3  }
0x34: {  	[smem:$0x3FA7] =	sst s10  }
0x35: {  	s10 =	sld [smem:$0x3FA6];
	_ =	sdelay $0x3  }
0x36: {  	p1 =	seq.s32 s10, $0x1;
	s10 =	sld [smem:$0x3FA7];
	_ =	sdelay $0x3  }
0x37: {  	[smem:$0x3FA7] =	sst s10  }
0x38: {  	s10 =	sld [smem:$0x3FA8]  }
0x39: {  	_ = 	snop;
	(pc) =	sbr.ind lr, $3  }
0x3a: {  	_ = 	snop  }
0x3b: {  	_ = 	snop  }
0x3c: {  	p2 =	seq.s32 s10, $0x1;
	s10 =	sld [smem:$0x3FA7]  }
0x3d: {  	_ =	shalt  }
0x3e: {  	_ =	shalt  }
0x3f: {  	_ =	shalt  }
0x40: {  	_ =	shalt  }
0x41: {  	_ =	shalt  }
0x42: {  	_ =	shalt  }
0x43: {  	_ =	shalt  }
0x44: {  	_ =	shalt  }
0x45: {  	_ =	shalt  }
0x46: {  	_ =	shalt  }
0x47: {  	_ =	shalt  }
0x48: {  	_ =	shalt  }
0x49: {  	_ =	shalt  }
0x4a: {  	_ =	shalt  }
0x4b: {  	_ =	shalt  }
0x4c: {  	_ =	shalt  }
0x4d: {  	_ =	shalt  }
0x4e: {  	_ =	shalt  }
0x4f: {  	_ =	shalt  }
0x50: {  	_ =	shalt  }
0x51: {  	_ =	shalt  }
0x52: {  	_ =	shalt  }
0x53: {  	_ =	shalt  }
0x54: {  	_ =	shalt  }
0x55: {  	_ =	shalt  }
0x56: {  	_ =	shalt  }
0x57: {  	_ =	shalt  }
0x58: {  	_ =	shalt  }
0x59: {  	_ =	shalt  }
0x5a: {  	_ =	shalt  }
0x5b: {  	_ =	shalt  }
0x5c: {  	_ =	shalt  }
0x5d: {  	_ =	shalt  }
0x5e: {  	_ =	shalt  }
0x5f: {  	_ =	shalt  }
0x60: {  	_ =	shalt  }
0x61: {  	_ =	shalt  }
0x62: {  	_ =	shalt  }
0x63: {  	_ =	shalt  }
0x64: {  	_ =	shalt  }
0x65: {  	_ =	shalt  }
0x66: {  	_ =	shalt  }
0x67: {  	_ =	shalt  }
0x68: {  	_ =	shalt  }
0x69: {  	_ =	shalt  }
0x6a: {  	_ =	shalt  }
0x6b: {  	_ =	shalt  }
0x6c: {  	_ =	shalt  }
0x6d: {  	_ =	shalt  }
0x6e: {  	_ =	shalt  }
0x6f: {  	_ =	shalt  }
0x70: {  	_ =	shalt  }
0x71: {  	_ =	shalt  }
0x72: {  	_ =	shalt  }
0x73: {  	_ =	shalt  }
0x74: {  	_ =	shalt  }
0x75: {  	_ =	shalt  }
0x76: {  	_ =	shalt  }
0x77: {  	_ =	shalt  }
0x78: {  	_ =	shalt  }
0x79: {  	_ =	shalt  }
0x7a: {  	_ =	shalt  }
0x7b: {  	_ =	shalt  }
0x7c: {  	_ =	shalt  }
0x7d: {  	_ =	shalt  }
0x7e: {  	_ =	shalt  }
0x7f: {  	_ =	shalt  }
0x80: {  	_ =	shalt  }
0x81: {  	_ =	shalt  }
0x82: {  	_ =	shalt  }
0x83: {  	_ =	shalt  }
0x84: {  	_ =	shalt  }
0x85: {  	_ =	shalt  }
0x86: {  	_ =	shalt  }
0x87: {  	_ =	shalt  }
.Lfunc_end0:
.L_simem_size_0:
called_computation.1_lowered:
.L_overlay_start_0:
0x88: {  	s2 =	sld [smem:$0x3FD9]  }
0x89: {  	s3 =	sld [smem:$0x3FFE];
	_ =	sdelay $0x1  }
0x8a: {  	s1 =	srdreg.scid  }
0x8b: {  	s0 =	sand.u32 $0x1, s1  }
0x8c: {  	s17 =	sshll.u32 s0, $0xA;
	s2 =	sadd.s32 s3, s2  }
0x8d: {  	s2 =	sadd.s32 s2, s17  }
0x8e: {  	[smem:$0x3FB3] =	sst s2  }
0x8f: {  	_ = 	snop  }
0x90: {  	(tm) =	ssettm $0x1  }
0x91: {  	s18 =	sld [smem:$0x3FFB];
	_ =	sdelay $0x3  }
0x92: {  	_ =	strace s18  }
0x93: {  	s2 =	sld [smem:$0x3FFC];
	_ =	sdelay $0x3  }
0x94: {  	_ =	strace s2  }
0x95: {  	s2 =	sld [smem:$0x3FFD];
	_ =	sdelay $0x3  }
0x96: {  	_ =	strace s2  }
0x97: {  	_ =	strace $0x8FFFFFFF  }
0x98: {  	s19 =	sld [smem:$0x3FDB];
	_ =	sdelay $0x1  }
0x99: {  	s20 =	simm.s32 $_scs_section_size  }
0x9a: {  	s4 =	simm.s32 $_size__tile_overlayer_lowered;
	s5 =	simm.s32 $_tile_overlayer_lowered  }
0x9b: {  	s6 =	simm.s32 $0x1BFF;
	s21 =	sshll.u32 s5, $0x1;
	s3 =	sadd.s32 s20, s19  }
0x9c: {  	s22 =	simm.s32 $0x0;
	s4 =	sshll.u32 s4, $0x1;
	s5 =	sadd.s32 s21, s3  }
0x9d: {  	[timem:s22], [sflag:s6] =	dma.local [hbm:s5], s4  }
0x9e: {  	_ =	swait.ge [sflag:s6], s4  }
0x9f: {  	s4 =	ssub.s32 $0x0, s4;
	[sflag:s6] =	ssyncset.done $0x0  }
0xa0: {  	[sflag:s6] =	ssyncadd.s32 s4;
	_ =	sdelay $0x1  }
0xa1: {  	s23 =	simm.s32 $0x1B8B  }
0xa2: {  	_ =	swait.ge [sflag:s23], $0x1  }
0xa3: {  	[sflag:s23] =	ssyncset.done $0x0  }
0xa4: {  	[sflag:s23] =	ssyncadd.s32 $0xFFFFFFFF  }
0xa5: {  	s4 =	sld [smem:$0x0]  }
0xa6: {  	s5 =	sand.u32 $0xFFFFFFFE, s1  }
0xa7: {  	p0 =	sne.s32 s1, s5  }
0xa8: {  	s5 =	sshll.u32 @p0 s5, $0xE  }
0xa9: {  	s5 =	sadd.s32 @p0 $0x11B8D, s5;
	s6 =	sshll.u32 @p0 s4, $0x11  }
0xaa: {  	s5 =	sor.u32 @p0 s6, s5  }
0xab: {  	[sflag:s5] =	ssyncadd.remote.s32 @p0 $0x1;
	_ =	sdelay $0x1  }
0xac: {  	s5 =	simm.s32 @p0 $0x1B8D  }
0xad: {  	_ =	swait.eq @p0 [sflag:s5], $0x1  }
0xae: {  	[sflag:s5] =	ssyncadd.s32 @p0 $0xFFFFFFFF  }
0xaf: {  	s6 =	sshll.u32 @!p0 s1, $0xE  }
0xb0: {  	s6 =	sor.u32 @!p0 $0x4000, s6;
	s5 =	simm.s32 @!p0 $0x1B8D  }
0xb1: {  	s4 =	sshll.u32 @!p0 s4, $0x11;
	s6 =	sadd.s32 @!p0 $0x11B8D, s6;
	_ =	swait.eq @!p0 [sflag:s5], $0x1  }
0xb2: {  	s4 =	sor.u32 @!p0 s4, s6;
	[sflag:s5] =	ssyncadd.s32 @!p0 $0xFFFFFFFF  }
0xb3: {  	s25 =	simm.s32 $0x1B8E;
	s24 =	sld [smem:$0x3FFE];
	[sflag:s4] =	ssyncadd.remote.s32 @!p0 $0x1  }
0xb4: {  	s26 =	simm.s32 $execute0_lowered;
	[smem:$0x3FD2] =	sst s25  }
0xb5: {  	s5 =	sshll.u32 s26, $0x1;
	_ =	strace $0x80000049;
	[dreg:$0x1] =	wrdreg $0xFFFFFFFF  }
0xb6: {  	s28 =	simm.s32 $_size_execute0_lowered;
	s3 =	sadd.s32 s3, s5;
	[dreg:$0x0] =	wrdreg $0x0  }
0xb7: {  	s5 =	sshll.u32 s28, $0x1;
	[dreg:$0x2] =	wrdreg s3  }
0xb8: {  	[dreg:$0x3] =	wrdreg s5  }
0xb9: {  	[dreg:$0x4] =	wrdreg $0xC0  }
0xba: {  	_ =	task [dreg:s22], $0x5FFFF  }
0xbb: {  	[dreg:$0x1] =	wrdreg $0xFFFFFFFF  }
0xbc: {  	[dreg:$0x0] =	wrdreg $0x60  }
0xbd: {  	[dreg:$0x2] =	wrdreg s24  }
0xbe: {  	[dreg:$0x3] =	wrdreg $0x41900  }
0xbf: {  	[dreg:$0x4] =	wrdreg $0x9  }
0xc0: {  	_ =	task.clear_ibuf [dreg:s22], $0x5FFFF;
	_ =	strace $0x90000049  }
0xc1: {  	s29 =	simm.s32 $0x9;
	_ =	strace $0x8000004B  }
0xc2: {  	_ =	swait.ge [sflag:s29], $0x1  }
0xc3: {  	[sflag:s29] =	ssyncadd.s32 $0xFFFFFFFF  }
0xc4: {  	_ =	strace $0x9000004B  }
0xc5: {  	_ =	sfence  }
0xc6: {  	s30 =	sld [smem:$0x0];
	_ =	sdelay $0x2  }
0xc7: {  	s31 =	sshll.u32 s1, $0xD;
	s1 =	sshrl.u32 s1, $0x2  }
0xc8: {  	s4 =	sand.u32 $0x4000, s31;
	s1 =	sadd.s32 s1, s30  }
0xc9: {  	s0 =	sor.u32 s4, s0;
	s1 =	sshll.u32 s1, $0x11  }
0xca: {  	s0 =	sor.u32 s1, s0  }
0xcb: {  	s0 =	sadd.s32 $0x8F2B, s0  }
0xcc: {  	[sflag:s0] =	ssyncadd.remote.s32 $0x1  }
0xcd: {  	_ =	sfence.sel $0xFFFF  }
0xce: {  	[dreg:$0x0] =	wrdreg $0xFFFFFFFF;
	(pc) =	sbr.abs _section_cstart, $3  }
0xcf: {  	[dreg:$0x1] =	wrdreg $0xFFFFFFFF  }
0xd0: {  	_ =	task.clear_ibuf [dreg:s22], $0x2FFFF;
	_ =	strace $0x9FFFFFFF  }
0xd1: {  	(tm) =	ssettm $0x7FFFFFFF  }
tec
execute0_lowered:
.L_overlay_start_1:
0x0: {  	(tag) =	ssettag $0x1  }
0x1: {  	s4 =	rddreg [dreg:$0x0]  }
0x2: {  	s1 =	srdreg.scid;
	s0 =	stileid.u32  }
0x3: {  	s2 =	rddreg [dreg:$0x1];
	s6 =	smul.u32 $0x4E20, s0  }
0x4: {  	s3 =	simm.s32 $0x0;
	s16 =	simm.s32 $0x0;
	s8 =	smul.u32 $0x4E0, s0  }
0x5: {  	s5 =	sand.u32 $0x1, s1;
	s1 =	rddreg [dreg:$0x2];
	s26 =	smul.u32 $0x9C00, s0  }
0x6: {  	[smem:$0x7FF] =	sst s3;
	s12 =	sadd.s32 $0x407400, s4;
	s7 =	smul.u32 $0x2710, s5  }
0x7: {  	p0 =	sne.s32 s0, $0xF;
	s13 =	sshll.u32 s0, $0x6;
	s10 =	smul.u32 $0x4E20, s5  }
0x8: {  	_ =	strace $0x8000004A;
	s9 =	ssub.s32 $0x2, s5;
	s5 =	smul.u32 $0x27100, s5  }
0x9: {  	s13 =	sor.u32 $0x1C01, s13;
	s28 =	sshrl.u32 s9, $0x1;
	s29 =	sshrl.u32 s26, $0x2  }
0xa: {  	s6 =	sadd.s32 s7, s6;
	s9 =	ssub.s32 s9, s28;
	s30 =	sadd.s32 s8, s10  }
0xb: {  	s31 =	sshrl.u32 s5, $0x3;
	s5 =	sadd.s32 $0x27000, s2;
	s10 =	simm.s32 $0x1A90  }
0xc: {  	s6 =	sshrl.u32 s6, $0x3;
	s7 =	sadd.s32 s12, s31;
	s8 =	smax.u32 s9, $0x1  }
0xd: {  	s15 =	sshrl.u32 @!p0 s5, $0x3;
	s11 =	sadd.s32 s6, s4;
	s4 =	sadd.s32 s29, s2  }
0xe: {  	v0 =	vimm.f32 $0.0e+00;
	vm0 =	vcmask $0x300;
	s6 =	sadd.s32 s12, s30;
	s7 =	sadd.s32 $0x4E00, s7;
	s12 =	simm.s32 $0x190  }
0xf: {  	v1 =	vsel vm0, $0x3F800000, v0;
	s9 =	sadd.s32 $0x3F3800, s11;
	s11 =	simm.s32 $0x1;
	s14 =	sshrl.u32 s4, $0x3  }
.LBB2_1:
0x10: {  	s17 =	simm.s32 $0x0  }
.LBB2_2:
0x11: {  	p1 =	sne.s32 s17, $0x63C0  }
.Ltmp0:
0x12: {  	_ = 	snop;
	(pc) =	sbr.rel @p1 .LBB2_2-.Ltmp0, $3  }
0x13: {  	_ =	sdelay $0x1  }
0x14: {  	s18 =	sshra.s32 s17, $0x2  }
0x15: {  	s17 =	sadd.s32 $0x40, s17;
	[tilespmem:s18+$0x190] =	vst v1  }
0x16: {  	s17 =	simm.s32 $0x40;
	s18 =	simm.s32 $0x0  }
.LBB2_4:
0x17: {  	p1 =	sne.s32 s17, $0x9BC0;
	[tilespmem:s18+$0x1A90] =	vst v0;
	s18 =	smov.u32 s17;
	s17 =	sadd.s32 $0x40, s17  }
.Ltmp1:
0x18: {  	(pc) =	sbr.rel @p1 .LBB2_4-.Ltmp1, $2  }
0x19: {  	_ =	sdelay $0x2  }
0x1a: {  	s18 =	sshra.s32 s18, $0x2  }
0x1b: {  	[tilespmem:s18+$0x1A90] =	vst v0  }
0x1c: {  	[spmem:s4] =	stream.linear.scatter [tilespmem:s10], [sflag:$0x1], $0x2700, $0x38;
	[tilespmem:$0x68A0] =	vst v63  }
0x1d: {  	_ =	swait.ge [sflag:s11], $0x2700  }
0x1e: {  	[sflag:s11] =	ssyncset.done $0x0  }
0x1f: {  	s17 =	simm.s32 @!p0 $0x1A90;
	[sflag:s11] =	ssyncadd.s32 $0xFFFFD900  }
0x20: {  	[spmem:s5] =	stream.linear.scatter @!p0 [tilespmem:s17], [sflag:$0x1], $0x100, $0x38;
	[tilespmem:$0x68A0] =	vst v63  }
0x21: {  	s17 =	simm.s32 @!p0 $0x1  }
0x22: {  	_ =	swait.ge @!p0 [sflag:s17], $0x100  }
0x23: {  	[sflag:s17] =	ssyncset.done @!p0 $0x0  }
0x24: {  	[sflag:s17] =	ssyncadd.s32 @!p0 $0xFFFFFF00  }
0x25: {  	s31 =	sadd.s32 $0x0, s9;
	[bflag:$0x0] =	sbarrier.arrive $0xFFFF  }
0x26: {  	[tilespmem:s3], [sflag:$0x1] =	stream.linear.gather [hbm4b:s31+s3], $0x190, $0x38;
	[tilespmem:$0x68A0] =	vst v63  }
0x27: {  	_ =	swait.ge [sflag:s11], $0x190  }
0x28: {  	[sflag:s11] =	ssyncset.done $0x0  }
0x29: {  	[sflag:s11] =	ssyncadd.s32 $0xFFFFFE70  }
0x2a: {  	[spmem:s2] =	stream.indirect.scatter.add.f32 [tilespmem:s12], [sflag:$0x1], $0x10, s3, s12, $0xb8;
	[tilespmem:$0x68A0] =	vst v63  }
0x2b: {  	_ =	swait.ge [sflag:s11], $0x1900  }
0x2c: {  	s18 =	simm.s32 $0x64;
	s17 =	simm.s32 $0x32;
	[sflag:s11] =	ssyncset.done $0x0  }
.LBB2_6:
0x2d: {  	s19 =	sadd.s32 s17, s9  }
0x2e: {  	[sflag:s11] =	ssyncadd.s32 $0xFFFFE700;
	s17 =	smov.u32 s18;
	s20 =	sadd.s32 $0x32, s18  }
0x2f: {  	[tilespmem:s3], [sflag:$0x1] =	stream.linear.gather [hbm4b:s19+s3], $0x190, $0x38;
	[tilespmem:$0x68A0] =	vst v63  }
0x30: {  	p1 =	sne.s32 s18, $0x4B0;
	_ =	swait.ge [sflag:s11], $0x190  }
.Ltmp2:
0x31: {  	[sflag:s11] =	ssyncset.done $0x0;
	(pc) =	sbr.rel @p1 .LBB2_6-.Ltmp2, $4  }
0x32: {  	[sflag:s11] =	ssyncadd.s32 $0xFFFFFE70  }
0x33: {  	[spmem:s2] =	stream.indirect.scatter.add.f32 [tilespmem:s12], [sflag:$0x1], $0x10, s3, s12, $0xb8;
	[tilespmem:$0x68A0] =	vst v63  }
0x34: {  	_ =	swait.ge [sflag:s11], $0x1900  }
0x35: {  	s18 =	smov.u32 s20;
	[sflag:s11] =	ssyncset.done $0x0  }
0x36: {  	s17 =	sadd.s32 s17, s9;
	[sflag:s11] =	ssyncadd.s32 $0xFFFFE700  }
0x37: {  	[tilespmem:s3], [sflag:$0x1] =	stream.linear.gather [hbm4b:s17+s3], $0x190, $0x38;
	[tilespmem:$0x68A0] =	vst v63  }
0x38: {  	_ =	swait.ge [sflag:s11], $0x190  }
0x39: {  	[sflag:s11] =	ssyncset.done $0x0  }
0x3a: {  	[sflag:s11] =	ssyncadd.s32 $0xFFFFFE70  }
0x3b: {  	[spmem:s2] =	stream.indirect.scatter.add.f32 [tilespmem:s12], [sflag:$0x1], $0x10, s3, s12, $0xb8;
	[tilespmem:$0x68A0] =	vst v63  }
0x3c: {  	_ =	swait.ge [sflag:s11], $0x1900  }
0x3d: {  	[sflag:s11] =	ssyncset.done $0x0  }
0x3e: {  	[sflag:s11] =	ssyncadd.s32 $0xFFFFE700  }
0x3f: {  	[bflag:$0x0] =	sbarrier.arrive $0xFFFF  }
0x40: {  	[hbm:s6], [sflag:s13] =	dma.local [spmem:s14], $0x4E0  }
0x41: {  	s16 =	sadd.s32 $0x1, s16;
	_ =	swait.ge [sflag:s11], $0x4E0  }
0x42: {  	p1 =	sne.s32 s16, s8;
	[sflag:s11] =	ssyncset.done $0x0  }
.Ltmp3:
0x43: {  	s17 =	simm.s32 @!p0 $0x1;
	[sflag:s11] =	ssyncadd.s32 $0xFFFFFB20;
	(pc) =	sbr.rel @p1 .LBB2_1-.Ltmp3, $4  }
0x44: {  	[hbm:s7], [sflag:s13] =	dma.local @!p0 [spmem:s15], $0x20  }
0x45: {  	_ =	swait.ge @!p0 [sflag:s17], $0x20  }
0x46: {  	[sflag:s17] =	ssyncset.done @!p0 $0x0  }
0x47: {  	[sflag:s17] =	ssyncadd.s32 @!p0 $0xFFFFFFE0  }
0x48: {  	_ =	sfence.sel $0x180000  }
0x49: {  	[bflag:$0x0] =	sbarrier.arrive $0xFFFF  }
0x4a: {  	p0 =	sne.s32 s0, $0x0;
	_ =	strace $0x9000004A  }
0x4b: {  	s0 =	sadd.s32 @!p0 $0x100000, s1;
	[bflag:$0x2] =	sbarrier.arrive $0xFFFF  }
0x4c: {  	[sflag:s0] =	ssyncadd.tile.s32 @!p0 $0x1;
	_ =	shalt  }
.Lfunc_end2:
_tile_overlayer_lowered:
.L_overlay_start_2:
0x4d: {  	(tag) =	ssettag $0x2  }
0x4e: {  	s0 =	rddreg [dreg:$0x0];
	s2 =	stileid.u32  }
0x4f: {  	s1 =	rddreg [dreg:$0x1];
	p0 =	sne.s32 s2, $0x0  }
0x50: {  	s3 =	rddreg [dreg:$0x2];
	[bflag:$0x3] =	sbarrier.arrive $0xFFFF;
	s2 =	simm.s32 @!p0 $0x1C01  }
0x51: {  	[timem:s3], [sflag:s2] =	dma.local @!p0 [hbm:s0], s1  }
0x52: {  	s0 =	simm.s32 @!p0 $0x1  }
0x53: {  	_ =	swait.ge @!p0 [sflag:s0], s1  }
0x54: {  	s1 =	ssub.s32 @!p0 $0x0, s1;
	[sflag:s0] =	ssyncset.done @!p0 $0x0  }
0x55: {  	[sflag:s0] =	ssyncadd.s32 @!p0 s1  }
0x56: {  	[bflag:$0x3] =	sbarrier.arrive $0xFFFF  }
0x57: {  	_ =	shalt  }

// kernel: kernel.15.cloned.1.call-start
scs
__scs_entry_jumppad:
0x0: {  	(pc) =	sbr.rel $0x88, $3  }
0x1: {  	(tag) =	ssettag $0x0;
	lr =	simm.s32 $0x1  }
0x2: {  	[smem:$0x3F8C] =	sst lr;
	_ =	strace $0xD0000000  }
0x3: {  	_ = 	snop  }
0x4: {  	_ = 	snop  }
0x5: {  	_ = 	snop  }
0x6: {  	_ = 	snop  }
0x7: {  	_ = 	snop  }
__scs_overlays_trampoline_lowered:
0x8: {  	[smem:$0x3F9B] =	sst s0  }
0x9: {  	[smem:$0x3F9C] =	sst s1  }
0xa: {  	[smem:$0x3F9D] =	sst s2  }
0xb: {  	[smem:$0x3F9E] =	sst s3  }
0xc: {  	[smem:$0x3F9F] =	sst s4  }
0xd: {  	[smem:$0x3FA0] =	sst s5  }
0xe: {  	[smem:$0x3FA1] =	sst s6  }
0xf: {  	[smem:$0x3FA2] =	sst s7  }
0x10: {  	[smem:$0x3FA3] =	sst s8  }
0x11: {  	[smem:$0x3FA4] =	sst s9;
	s0 =	simm.s32 @!p0 $0x0  }
0x12: {  	s1 =	sld [smem:$0x3F8A];
	s0 =	simm.s32 @p0 $0x1  }
0x13: {  	[smem:$0x3FA5] =	sst s0;
	s0 =	simm.s32 @!p1 $0x0  }
0x14: {  	s2 =	sld [smem:$0x3F89];
	s0 =	simm.s32 @p1 $0x1  }
0x15: {  	[smem:$0x3FA6] =	sst s0;
	s0 =	simm.s32 @!p2 $0x0  }
0x16: {  	s3 =	sld [smem:$0x3FDB];
	s0 =	simm.s32 @p2 $0x1  }
0x17: {  	s4 =	simm.s32 $0x1BF5;
	[smem:$0x3FA8] =	sst s0  }
0x18: {  	s0 =	sld [smem:$0x3F8B];
	_ =	swait.ge [sflag:s4], $0x0  }
0x19: {  	s7 =	sld [smem:$0x3F8C]  }
0x1a: {  	s8 =	sadd.s32 $0xFFFFE003, lr  }
0x1b: {  	s9 =	sadd.s32 $0xFFFFFEF7, lr;
	s5 =	simm.s32 $0xFFFFFFFF;
	p2 =	slt.u32 s8, $0xFFFFF086  }
0x1c: {  	p1 =	slt.u32 s9, $0xF7A;
	s5 =	simm.s32 @!p2 $0x0  }
0x1d: {  	s5 =	simm.s32 @p1 $0x1;
	p0 =	seq.s32 s7, s2  }
0x1e: {  	s7 =	smul.u32 @!p0 $0xF7A, s2;
	p2 =	seq.s32 @!p0 s5, $0x0  }
0x1f: {  	s9 =	smul.u32 $0xF7A, s1;
	s8 =	simm.s32 @!p0 $0x1BF5;
	p2 =	por !p2, p0  }
0x20: {  	[sflag:s8] =	ssyncset.s32 @!p0 $0xFFFFF086;
	s6 =	sadd.s32 @!p0 s3, s7;
	s7 =	simm.s32 @!p0 $0x108  }
0x21: {  	s3 =	sadd.s32 s3, s9;
	s6 =	sadd.s32 @!p0 $0x88, s6;
	s7 =	simm.s32 @p2 $0x1082  }
0x22: {  	[simem:s7], [sflag:s8] =	dma.local @!p0 [hbm:s6], $0xF7A  }
0x23: {  	s9 =	sor.u32 $0xD0000000, s2;
	s6 =	simm.s32 $0x108;
	_ =	swait.ge @!p0 [sflag:s8], $0x0  }
0x24: {  	s3 =	sadd.s32 $0x88, s3;
	s6 =	simm.s32 @!p1 $0x1082;
	[sflag:s4] =	ssyncset.s32 $0xFFFFF086  }
0x25: {  	[simem:s6], [sflag:s4] =	dma.local [hbm:s3], $0xF7A  }
0x26: {  	[smem:$0x3F8C] =	sst s1;
	(tag) =	ssettag s2;
	_ =	strace s9  }
0x27: {  	s1 =	sld [smem:$0x3F9C]  }
0x28: {  	s2 =	sld [smem:$0x3F9D]  }
0x29: {  	s4 =	sld [smem:$0x3F9F]  }
0x2a: {  	p0 =	seq.s32 s5, $0x0;
	s5 =	sld [smem:$0x3FA0]  }
0x2b: {  	s6 =	sld [smem:$0x3FA1]  }
0x2c: {  	s7 =	sld [smem:$0x3FA2]  }
0x2d: {  	s3 =	simm.s32 $0x108;
	s8 =	sld [smem:$0x3FA3]  }
0x2e: {  	s3 =	simm.s32 @!p0 $0x1082;
	s9 =	sld [smem:$0x3FA4]  }
0x2f: {  	lr =	sadd.s32 s0, s3;
	s0 =	sld [smem:$0x3F9B]  }
0x30: {  	s3 =	sld [smem:$0x3F9E]  }
0x31: {  	[smem:$0x3FA7] =	sst s10  }
0x32: {  	s10 =	sld [smem:$0x3FA5];
	_ =	sdelay $0x3  }
0x33: {  	p0 =	seq.s32 s10, $0x1;
	s10 =	sld [smem:$0x3FA7];
	_ =	sdelay $0x3  }
0x34: {  	[smem:$0x3FA7] =	sst s10  }
0x35: {  	s10 =	sld [smem:$0x3FA6];
	_ =	sdelay $0x3  }
0x36: {  	p1 =	seq.s32 s10, $0x1;
	s10 =	sld [smem:$0x3FA7];
	_ =	sdelay $0x3  }
0x37: {  	[smem:$0x3FA7] =	sst s10  }
0x38: {  	s10 =	sld [smem:$0x3FA8]  }
0x39: {  	_ = 	snop;
	(pc) =	sbr.ind lr, $3  }
0x3a: {  	_ = 	snop  }
0x3b: {  	_ = 	snop  }
0x3c: {  	p2 =	seq.s32 s10, $0x1;
	s10 =	sld [smem:$0x3FA7]  }
0x3d: {  	_ =	shalt  }
0x3e: {  	_ =	shalt  }
0x3f: {  	_ =	shalt  }
0x40: {  	_ =	shalt  }
0x41: {  	_ =	shalt  }
0x42: {  	_ =	shalt  }
0x43: {  	_ =	shalt  }
0x44: {  	_ =	shalt  }
0x45: {  	_ =	shalt  }
0x46: {  	_ =	shalt  }
0x47: {  	_ =	shalt  }
0x48: {  	_ =	shalt  }
0x49: {  	_ =	shalt  }
0x4a: {  	_ =	shalt  }
0x4b: {  	_ =	shalt  }
0x4c: {  	_ =	shalt  }
0x4d: {  	_ =	shalt  }
0x4e: {  	_ =	shalt  }
0x4f: {  	_ =	shalt  }
0x50: {  	_ =	shalt  }
0x51: {  	_ =	shalt  }
0x52: {  	_ =	shalt  }
0x53: {  	_ =	shalt  }
0x54: {  	_ =	shalt  }
0x55: {  	_ =	shalt  }
0x56: {  	_ =	shalt  }
0x57: {  	_ =	shalt  }
0x58: {  	_ =	shalt  }
0x59: {  	_ =	shalt  }
0x5a: {  	_ =	shalt  }
0x5b: {  	_ =	shalt  }
0x5c: {  	_ =	shalt  }
0x5d: {  	_ =	shalt  }
0x5e: {  	_ =	shalt  }
0x5f: {  	_ =	shalt  }
0x60: {  	_ =	shalt  }
0x61: {  	_ =	shalt  }
0x62: {  	_ =	shalt  }
0x63: {  	_ =	shalt  }
0x64: {  	_ =	shalt  }
0x65: {  	_ =	shalt  }
0x66: {  	_ =	shalt  }
0x67: {  	_ =	shalt  }
0x68: {  	_ =	shalt  }
0x69: {  	_ =	shalt  }
0x6a: {  	_ =	shalt  }
0x6b: {  	_ =	shalt  }
0x6c: {  	_ =	shalt  }
0x6d: {  	_ =	shalt  }
0x6e: {  	_ =	shalt  }
0x6f: {  	_ =	shalt  }
0x70: {  	_ =	shalt  }
0x71: {  	_ =	shalt  }
0x72: {  	_ =	shalt  }
0x73: {  	_ =	shalt  }
0x74: {  	_ =	shalt  }
0x75: {  	_ =	shalt  }
0x76: {  	_ =	shalt  }
0x77: {  	_ =	shalt  }
0x78: {  	_ =	shalt  }
0x79: {  	_ =	shalt  }
0x7a: {  	_ =	shalt  }
0x7b: {  	_ =	shalt  }
0x7c: {  	_ =	shalt  }
0x7d: {  	_ =	shalt  }
0x7e: {  	_ =	shalt  }
0x7f: {  	_ =	shalt  }
0x80: {  	_ =	shalt  }
0x81: {  	_ =	shalt  }
0x82: {  	_ =	shalt  }
0x83: {  	_ =	shalt  }
0x84: {  	_ =	shalt  }
0x85: {  	_ =	shalt  }
0x86: {  	_ =	shalt  }
0x87: {  	_ =	shalt  }
.Lfunc_end0:
.L_simem_size_0:
called_computation.2_lowered:
.L_overlay_start_0:
0x88: {  	s2 =	sld [smem:$0x3FD9]  }
0x89: {  	s3 =	sld [smem:$0x3FFE];
	_ =	sdelay $0x1  }
0x8a: {  	s1 =	srdreg.scid  }
0x8b: {  	s0 =	sand.u32 $0x1, s1  }
0x8c: {  	s17 =	sshll.u32 s0, $0xA;
	s2 =	sadd.s32 s3, s2  }
0x8d: {  	s2 =	sadd.s32 s2, s17  }
0x8e: {  	[smem:$0x3FB3] =	sst s2  }
0x8f: {  	_ = 	snop  }
0x90: {  	(tm) =	ssettm $0x1  }
0x91: {  	s18 =	sld [smem:$0x3FFB];
	_ =	sdelay $0x3  }
0x92: {  	_ =	strace s18  }
0x93: {  	s2 =	sld [smem:$0x3FFC];
	_ =	sdelay $0x3  }
0x94: {  	_ =	strace s2  }
0x95: {  	s2 =	sld [smem:$0x3FFD];
	_ =	sdelay $0x3  }
0x96: {  	_ =	strace s2  }
0x97: {  	_ =	strace $0x8FFFFFFF  }
0x98: {  	s19 =	sld [smem:$0x3FDB];
	_ =	sdelay $0x1  }
0x99: {  	s20 =	simm.s32 $_scs_section_size  }
0x9a: {  	s4 =	simm.s32 $_size__tile_overlayer_lowered;
	s5 =	simm.s32 $_tile_overlayer_lowered  }
0x9b: {  	s6 =	simm.s32 $0x1BFF;
	s21 =	sshll.u32 s5, $0x1;
	s3 =	sadd.s32 s20, s19  }
0x9c: {  	s22 =	simm.s32 $0x0;
	s4 =	sshll.u32 s4, $0x1;
	s5 =	sadd.s32 s21, s3  }
0x9d: {  	[timem:s22], [sflag:s6] =	dma.local [hbm:s5], s4  }
0x9e: {  	_ =	swait.ge [sflag:s6], s4  }
0x9f: {  	s4 =	ssub.s32 $0x0, s4;
	[sflag:s6] =	ssyncset.done $0x0  }
0xa0: {  	[sflag:s6] =	ssyncadd.s32 s4;
	_ =	sdelay $0x1  }
0xa1: {  	s23 =	simm.s32 $0x1B8B  }
0xa2: {  	_ =	swait.ge [sflag:s23], $0x1  }
0xa3: {  	[sflag:s23] =	ssyncset.done $0x0  }
0xa4: {  	[sflag:s23] =	ssyncadd.s32 $0xFFFFFFFF  }
0xa5: {  	s4 =	sld [smem:$0x0]  }
0xa6: {  	s5 =	sand.u32 $0xFFFFFFFE, s1  }
0xa7: {  	p0 =	sne.s32 s1, s5  }
0xa8: {  	s5 =	sshll.u32 @p0 s5, $0xE  }
0xa9: {  	s5 =	sadd.s32 @p0 $0x11B8D, s5;
	s6 =	sshll.u32 @p0 s4, $0x11  }
0xaa: {  	s5 =	sor.u32 @p0 s6, s5  }
0xab: {  	[sflag:s5] =	ssyncadd.remote.s32 @p0 $0x1;
	_ =	sdelay $0x1  }
0xac: {  	s5 =	simm.s32 @p0 $0x1B8D  }
0xad: {  	_ =	swait.eq @p0 [sflag:s5], $0x1  }
0xae: {  	[sflag:s5] =	ssyncadd.s32 @p0 $0xFFFFFFFF  }
0xaf: {  	s6 =	sshll.u32 @!p0 s1, $0xE  }
0xb0: {  	s6 =	sor.u32 @!p0 $0x4000, s6;
	s5 =	simm.s32 @!p0 $0x1B8D  }
0xb1: {  	s4 =	sshll.u32 @!p0 s4, $0x11;
	s6 =	sadd.s32 @!p0 $0x11B8D, s6;
	_ =	swait.eq @!p0 [sflag:s5], $0x1  }
0xb2: {  	s4 =	sor.u32 @!p0 s4, s6;
	[sflag:s5] =	ssyncadd.s32 @!p0 $0xFFFFFFFF  }
0xb3: {  	s25 =	simm.s32 $0x1B8E;
	s24 =	sld [smem:$0x3FFE];
	[sflag:s4] =	ssyncadd.remote.s32 @!p0 $0x1  }
0xb4: {  	s26 =	simm.s32 $execute0_lowered;
	[smem:$0x3FD2] =	sst s25  }
0xb5: {  	s5 =	sshll.u32 s26, $0x1;
	_ =	strace $0x8000004C;
	[dreg:$0x1] =	wrdreg $0xFFFFFFFF  }
0xb6: {  	s28 =	simm.s32 $_size_execute0_lowered;
	s3 =	sadd.s32 s3, s5;
	[dreg:$0x0] =	wrdreg $0x0  }
0xb7: {  	s5 =	sshll.u32 s28, $0x1;
	[dreg:$0x2] =	wrdreg s3  }
0xb8: {  	[dreg:$0x3] =	wrdreg s5  }
0xb9: {  	[dreg:$0x4] =	wrdreg $0xC0  }
0xba: {  	_ =	task [dreg:s22], $0x5FFFF  }
0xbb: {  	[dreg:$0x1] =	wrdreg $0xFFFFFFFF  }
0xbc: {  	[dreg:$0x0] =	wrdreg $0x60  }
0xbd: {  	[dreg:$0x2] =	wrdreg s24  }
0xbe: {  	[dreg:$0x3] =	wrdreg $0xCE400  }
0xbf: {  	[dreg:$0x4] =	wrdreg $0xA  }
0xc0: {  	_ =	task.clear_ibuf [dreg:s22], $0x5FFFF;
	_ =	strace $0x9000004C  }
0xc1: {  	s29 =	simm.s32 $0xA;
	_ =	strace $0x8000004E  }
0xc2: {  	_ =	swait.ge [sflag:s29], $0x1  }
0xc3: {  	[sflag:s29] =	ssyncadd.s32 $0xFFFFFFFF  }
0xc4: {  	_ =	strace $0x9000004E  }
0xc5: {  	_ =	sfence  }
0xc6: {  	s30 =	sld [smem:$0x0];
	_ =	sdelay $0x2  }
0xc7: {  	s31 =	sshll.u32 s1, $0xD;
	s1 =	sshrl.u32 s1, $0x2  }
0xc8: {  	s4 =	sand.u32 $0x4000, s31;
	s1 =	sadd.s32 s1, s30  }
0xc9: {  	s0 =	sor.u32 s4, s0;
	s1 =	sshll.u32 s1, $0x11  }
0xca: {  	s0 =	sor.u32 s1, s0  }
0xcb: {  	s0 =	sadd.s32 $0x8F2B, s0  }
0xcc: {  	[sflag:s0] =	ssyncadd.remote.s32 $0x1  }
0xcd: {  	_ =	sfence.sel $0xFFFF  }
0xce: {  	[dreg:$0x0] =	wrdreg $0xFFFFFFFF;
	(pc) =	sbr.abs _section_cstart, $3  }
0xcf: {  	[dreg:$0x1] =	wrdreg $0xFFFFFFFF  }
0xd0: {  	_ =	task.clear_ibuf [dreg:s22], $0x2FFFF;
	_ =	strace $0x9FFFFFFF  }
0xd1: {  	(tm) =	ssettm $0x7FFFFFFF  }
tec
execute0_lowered:
.L_overlay_start_1:
0x0: {  	(tag) =	ssettag $0x1  }
0x1: {  	s5 =	rddreg [dreg:$0x0]  }
0x2: {  	s1 =	rddreg [dreg:$0x1]  }
0x3: {  	s0 =	rddreg [dreg:$0x2];
	s2 =	simm.s32 $0x0  }
0x4: {  	s3 =	srdreg.scid;
	s17 =	simm.s32 $0x320;
	s18 =	simm.s32 $0x190  }
0x5: {  	s19 =	simm.s32 $0x4B0;
	s20 =	simm.s32 $0x6A40;
	s6 =	sand.u32 $0x1, s3  }
0x6: {  	s22 =	simm.s32 $0x2;
	s3 =	stileid.u32;
	s21 =	smul.u32 $0x2710, s6  }
0x7: {  	s23 =	simm.s32 $0x0;
	s14 =	sadd.s32 $0x3FD600, s5;
	s8 =	smul.u32 $0x27000, s3  }
0x8: {  	[smem:$0x7FF] =	sst s2;
	s13 =	sadd.s32 $0x3F3800, s5;
	s9 =	smul.u32 $0x4E20, s3  }
0x9: {  	s4 =	sadd.s32 $0x3C00, s5;
	s10 =	sadd.s32 $0x2AE00, s5;
	s11 =	smul.u32 $0x270, s3  }
0xa: {  	_ =	strace $0x8000004D;
	s7 =	ssub.s32 $0x2, s6;
	s15 =	smul.u32 $0x9C400, s6  }
0xb: {  	s16 =	smul.u32 $0x9C4, s3;
	p0 =	sne.s32 s3, $0xF;
	s30 =	sshrl.u32 s7, $0x1  }
0xc: {  	s12 =	ssub.s32 s7, s30;
	s31 =	sshrl.u32 s8, $0x2;
	s9 =	sshrl.u32 s9, $0x3  }
0xd: {  	s7 =	sadd.s32 $0x9C000, s1;
	s11 =	sadd.s32 s11, s21;
	s15 =	sshrl.u32 s15, $0x3  }
.Ltmp0:
0xe: {  	v0 =	vmov s21;
	s21 =	simm.s32 $0x1;
	s5 =	sadd.s32 s31, s1;
	(pc) =	sbr.rel .LBB2_1-.Ltmp0, $4  }
0xf: {  	s8 =	sadd.s32 s14, s9;
	s9 =	sadd.s32 s13, s9;
	s11 =	sshll.u32 s11, $0x3  }
0x10: {  	s15 =	sadd.s32 s10, s15;
	s12 =	smax.u32 s12, $0x1;
	s13 =	sadd.s32 s16, s13  }
0x11: {  	s14 =	sadd.s32 s16, s14;
	s16 =	simm.s32 $0x3;
	s6 =	sadd.s32 $0x6400, s5  }
0x12: {  	v1 =	vimm.f32 $0.0e+00;
	s10 =	sadd.s32 s10, s11;
	s11 =	sadd.s32 $0x13800, s15;
	s15 =	simm.s32 $0x640  }
.LBB2_7:
0x13: {  	s24 =	sshll.u32 s3, $0x6  }
0x14: {  	[bflag:$0x0] =	sbarrier.arrive $0xFFFF;
	s25 =	sshrl.u32 s5, $0x3;
	s24 =	sor.u32 $0x1C03, s24  }
0x15: {  	[hbm:s10], [sflag:s24] =	dma.local [spmem:s25], $0x1380  }
0x16: {  	_ =	swait.ge [sflag:s16], $0x1380  }
0x17: {  	s23 =	sadd.s32 $0x1, s23;
	[sflag:s16] =	ssyncset.done $0x0  }
0x18: {  	p1 =	sne.s32 s23, s12;
	s25 =	sshrl.u32 @!p0 s7, $0x3;
	[sflag:s16] =	ssyncadd.s32 $0xFFFFEC80  }
0x19: {  	[hbm:s11], [sflag:s24] =	dma.local @!p0 [spmem:s25], $0x80  }
.Ltmp1:
0x1a: {  	_ = 	snop;
	(pc) =	sbr.rel @!p1 .LBB2_8-.Ltmp1, $4  }
0x1b: {  	s24 =	simm.s32 @!p0 $0x3  }
0x1c: {  	_ =	swait.ge @!p0 [sflag:s24], $0x80  }
0x1d: {  	[sflag:s24] =	ssyncset.done @!p0 $0x0  }
0x1e: {  	[sflag:s24] =	ssyncadd.s32 @!p0 $0xFFFFFF80  }
.LBB2_1:
0x1f: {  	s24 =	simm.s32 $0x0;
	s25 =	simm.s32 $0x100  }
.LBB2_2:
0x20: {  	p1 =	sne.s32 s25, $0x18F00;
	[tilespmem:s24+$0x6A70] =	vst v1  }
0x21: {  	[tilespmem:s24+$0x640] =	vst v1  }
0x22: {  	[tilespmem:s24+$0x6A40] =	vst v1  }
.Ltmp2:
0x23: {  	[tilespmem:s24+$0x650] =	vst v1;
	(pc) =	sbr.rel @p1 .LBB2_2-.Ltmp2, $4  }
0x24: {  	[tilespmem:s24+$0x6A50] =	vst v1  }
0x25: {  	[tilespmem:s24+$0x660] =	vst v1  }
0x26: {  	[tilespmem:s24+$0x6A60] =	vst v1  }
0x27: {  	[tilespmem:s24+$0x670] =	vst v1;
	s24 =	sshra.s32 s25, $0x2;
	s25 =	sadd.s32 $0x100, s25  }
0x28: {  	[tilespmem:s24+$0x6A70] =	vst v1  }
0x29: {  	[tilespmem:s24+$0x640] =	vst v1  }
0x2a: {  	[tilespmem:s24+$0x6A40] =	vst v1  }
0x2b: {  	[tilespmem:s24+$0x650] =	vst v1  }
0x2c: {  	[tilespmem:s24+$0x6A50] =	vst v1  }
0x2d: {  	[tilespmem:s24+$0x660] =	vst v1  }
0x2e: {  	[tilespmem:s24+$0x6A60] =	vst v1  }
0x2f: {  	[tilespmem:s24+$0x670] =	vst v1  }
0x30: {  	[spmem:s5] =	stream.linear.scatter [tilespmem:s15], [sflag:$0x3], $0x6400, $0x38;
	[tilespmem:$0x16A80] =	vst v63  }
0x31: {  	_ =	swait.ge [sflag:s16], $0x6400  }
0x32: {  	[sflag:s16] =	ssyncset.done $0x0  }
0x33: {  	[sflag:s16] =	ssyncadd.s32 $0xFFFF9C00  }
0x34: {  	[spmem:s6] =	stream.linear.scatter [tilespmem:s15], [sflag:$0x3], $0x3800, $0x38;
	[tilespmem:$0x16A80] =	vst v63  }
0x35: {  	_ =	swait.ge [sflag:s16], $0x3800  }
0x36: {  	[sflag:s16] =	ssyncset.done $0x0  }
0x37: {  	s24 =	simm.s32 @!p0 $0x640;
	[sflag:s16] =	ssyncadd.s32 $0xFFFFC800  }
0x38: {  	[spmem:s7] =	stream.linear.scatter @!p0 [tilespmem:s24], [sflag:$0x3], $0x400, $0x38;
	[tilespmem:$0x16A80] =	vst v63  }
0x39: {  	s24 =	simm.s32 @!p0 $0x3  }
0x3a: {  	_ =	swait.ge @!p0 [sflag:s24], $0x400  }
0x3b: {  	[sflag:s24] =	ssyncset.done @!p0 $0x0  }
0x3c: {  	[sflag:s24] =	ssyncadd.s32 @!p0 $0xFFFFFC00  }
0x3d: {  	s24 =	simm.s32 $0x0;
	[bflag:$0x0] =	sbarrier.arrive $0xFFFF  }
0x3e: {  	[tilespmem:s24], [sflag:$0x3] =	stream.linear.gather [hbm4b:s8+s24], $0x190, $0x38;
	[tilespmem:$0x16A80] =	vst v63  }
0x3f: {  	_ =	swait.ge [sflag:s16], $0x190  }
0x40: {  	[sflag:s16] =	ssyncset.done $0x0  }
0x41: {  	[sflag:s16] =	ssyncadd.s32 $0xFFFFFE70  }
0x42: {  	[tilespmem:s17], [sflag:$0x3] =	stream.linear.gather [hbm4b:s9+s24], $0x190, $0x38;
	[tilespmem:$0x16A80] =	vst v63  }
0x43: {  	_ =	swait.ge [sflag:s16], $0x190  }
0x44: {  	[sflag:s16] =	ssyncset.done $0x0  }
0x45: {  	[sflag:s16] =	ssyncadd.s32 $0xFFFFFE70  }
0x46: {  	v2 =	vld [tilespmem:$0x0]  }
0x47: {  	v3 =	vld [tilespmem:$0x10]  }
0x48: {  	v4 =	vld [tilespmem:$0x20]  }
0x49: {  	v5 =	vld [tilespmem:$0x30]  }
0x4a: {  	v6 =	vld [tilespmem:$0x40]  }
0x4b: {  	v7 =	vld [tilespmem:$0x50];
	v2 =	vadd.s32 v0, v2  }
0x4c: {  	[tilespmem:$0x0] =	vst v2;
	v2 =	vadd.s32 v0, v3;
	v3 =	vld [tilespmem:$0x60]  }
0x4d: {  	v49 =	vld [tilespmem:$0x70];
	[tilespmem:$0x10] =	vst v2;
	v2 =	vadd.s32 v0, v4  }
0x4e: {  	v50 =	vld [tilespmem:$0x80];
	[tilespmem:$0x20] =	vst v2;
	v2 =	vadd.s32 v0, v5  }
0x4f: {  	v51 =	vld [tilespmem:$0x90];
	[tilespmem:$0x30] =	vst v2;
	v2 =	vadd.s32 v0, v6  }
0x50: {  	v52 =	vld [tilespmem:$0xA0];
	[tilespmem:$0x40] =	vst v2;
	v2 =	vadd.s32 v0, v7  }
0x51: {  	[tilespmem:$0x50] =	vst v2;
	v2 =	vadd.s32 v0, v3;
	v3 =	vld [tilespmem:$0xB0]  }
0x52: {  	v53 =	vld [tilespmem:$0xC0];
	[tilespmem:$0x60] =	vst v2;
	v2 =	vadd.s32 v0, v49  }
0x53: {  	v54 =	vld [tilespmem:$0xD0];
	[tilespmem:$0x70] =	vst v2;
	v2 =	vadd.s32 v0, v50  }
0x54: {  	v55 =	vld [tilespmem:$0xE0];
	[tilespmem:$0x80] =	vst v2;
	v2 =	vadd.s32 v0, v51  }
0x55: {  	v56 =	vld [tilespmem:$0xF0];
	[tilespmem:$0x90] =	vst v2;
	v2 =	vadd.s32 v0, v52  }
0x56: {  	[tilespmem:$0xA0] =	vst v2;
	v2 =	vadd.s32 v0, v3;
	v3 =	vld [tilespmem:$0x100]  }
0x57: {  	v57 =	vld [tilespmem:$0x110];
	[tilespmem:$0xB0] =	vst v2;
	v2 =	vadd.s32 v0, v53  }
0x58: {  	v58 =	vld [tilespmem:$0x120];
	[tilespmem:$0xC0] =	vst v2;
	v2 =	vadd.s32 v0, v54  }
0x59: {  	v59 =	vld [tilespmem:$0x130];
	[tilespmem:$0xD0] =	vst v2;
	v2 =	vadd.s32 v0, v55  }
0x5a: {  	v60 =	vld [tilespmem:$0x140];
	[tilespmem:$0xE0] =	vst v2;
	v2 =	vadd.s32 v0, v56  }
0x5b: {  	[tilespmem:$0xF0] =	vst v2;
	v2 =	vadd.s32 v0, v3;
	v3 =	vld [tilespmem:$0x150]  }
0x5c: {  	v61 =	vld [tilespmem:$0x160];
	[tilespmem:$0x100] =	vst v2;
	v2 =	vadd.s32 v0, v57  }
0x5d: {  	v62 =	vld [tilespmem:$0x170];
	[tilespmem:$0x110] =	vst v2;
	v2 =	vadd.s32 v0, v58  }
0x5e: {  	v63 =	vld [tilespmem:$0x180];
	[tilespmem:$0x120] =	vst v2;
	v2 =	vadd.s32 v0, v59  }
0x5f: {  	[tilespmem:$0x130] =	vst v2;
	v2 =	vadd.s32 v0, v60  }
0x60: {  	[tilespmem:$0x140] =	vst v2;
	v2 =	vadd.s32 v0, v3  }
.Ltmp3:
0x61: {  	[tilespmem:$0x150] =	vst v2;
	v2 =	vadd.s32 v0, v61;
	(pc) =	sbr.rel .LBB2_4-.Ltmp3, $4  }
0x62: {  	[tilespmem:$0x160] =	vst v2;
	v2 =	vadd.s32 v0, v62  }
0x63: {  	[tilespmem:$0x170] =	vst v2;
	v2 =	vadd.s32 v0, v63  }
0x64: {  	[tilespmem:$0x180] =	vst v2  }
0x65: {  	[tilespmem:s15], [sflag:$0x1] =	stream.indirect.gather [hbm4b:s4+s18], $0x40, s24, s18, $0xb8;
	[tilespmem:$0x16A80] =	vst v63  }
.LBB2_6:
0x66: {  	_ =	swait.ge [sflag:s22], $0x6400;
	s24 =	sadd.s32 $0x64, s24  }
0x67: {  	[sflag:s22] =	ssyncset.done $0x0;
	p1 =	sne.s32 s24, $0x9C4  }
.Ltmp4:
0x68: {  	[sflag:s22] =	ssyncadd.s32 $0xFFFF9C00;
	(pc) =	sbr.rel @!p1 .LBB2_7-.Ltmp4, $4  }
0x69: {  	[spmem:s1] =	stream.indirect.scatter.add.f32 [tilespmem:s20], [sflag:$0x3], $0x40, s19, s18, $0xb8;
	[tilespmem:$0x16A80] =	vst v63  }
0x6a: {  	_ =	swait.ge [sflag:s16], $0x6400  }
0x6b: {  	[sflag:s16] =	ssyncset.done $0x0  }
0x6c: {  	[sflag:s16] =	ssyncadd.s32 $0xFFFF9C00  }
.LBB2_4:
0x6d: {  	s25 =	sadd.s32 s24, s14  }
0x6e: {  	s26 =	sadd.s32 $0x32, s25  }
0x6f: {  	[tilespmem:s18], [sflag:$0x3] =	stream.linear.gather [hbm4b:s26+s2], $0x190, $0x38;
	[tilespmem:$0x16A80] =	vst v63  }
0x70: {  	_ =	swait.ge [sflag:s16], $0x190  }
0x71: {  	s26 =	sadd.s32 s24, s13;
	[sflag:s16] =	ssyncset.done $0x0  }
0x72: {  	s28 =	sadd.s32 $0x32, s26;
	[sflag:s16] =	ssyncadd.s32 $0xFFFFFE70  }
0x73: {  	[tilespmem:s19], [sflag:$0x3] =	stream.linear.gather [hbm4b:s28+s2], $0x190, $0x38;
	[tilespmem:$0x16A80] =	vst v63  }
0x74: {  	_ =	swait.ge [sflag:s16], $0x190  }
0x75: {  	[sflag:s16] =	ssyncset.done $0x0  }
0x76: {  	[sflag:s16] =	ssyncadd.s32 $0xFFFFFE70  }
0x77: {  	v2 =	vld [tilespmem:$0x190]  }
0x78: {  	v3 =	vld [tilespmem:$0x1A0]  }
0x79: {  	v4 =	vld [tilespmem:$0x1B0]  }
0x7a: {  	v5 =	vld [tilespmem:$0x1C0]  }
0x7b: {  	v6 =	vld [tilespmem:$0x1D0]  }
0x7c: {  	v7 =	vld [tilespmem:$0x1E0];
	v2 =	vadd.s32 v0, v2  }
0x7d: {  	[tilespmem:$0x190] =	vst v2;
	v2 =	vadd.s32 v0, v3;
	v3 =	vld [tilespmem:$0x1F0]  }
0x7e: {  	v49 =	vld [tilespmem:$0x200];
	[tilespmem:$0x1A0] =	vst v2;
	v2 =	vadd.s32 v0, v4  }
0x7f: {  	v50 =	vld [tilespmem:$0x210];
	[tilespmem:$0x1B0] =	vst v2;
	v2 =	vadd.s32 v0, v5  }
0x80: {  	v51 =	vld [tilespmem:$0x220];
	[tilespmem:$0x1C0] =	vst v2;
	v2 =	vadd.s32 v0, v6  }
0x81: {  	v52 =	vld [tilespmem:$0x230];
	[tilespmem:$0x1D0] =	vst v2;
	v2 =	vadd.s32 v0, v7  }
0x82: {  	[tilespmem:$0x1E0] =	vst v2;
	v2 =	vadd.s32 v0, v3;
	v3 =	vld [tilespmem:$0x240]  }
0x83: {  	v53 =	vld [tilespmem:$0x250];
	[tilespmem:$0x1F0] =	vst v2;
	v2 =	vadd.s32 v0, v49  }
0x84: {  	v54 =	vld [tilespmem:$0x260];
	[tilespmem:$0x200] =	vst v2;
	v2 =	vadd.s32 v0, v50  }
0x85: {  	v55 =	vld [tilespmem:$0x270];
	[tilespmem:$0x210] =	vst v2;
	v2 =	vadd.s32 v0, v51  }
0x86: {  	v56 =	vld [tilespmem:$0x280];
	[tilespmem:$0x220] =	vst v2;
	v2 =	vadd.s32 v0, v52  }
0x87: {  	[tilespmem:$0x230] =	vst v2;
	v2 =	vadd.s32 v0, v3;
	v3 =	vld [tilespmem:$0x290]  }
0x88: {  	v57 =	vld [tilespmem:$0x2A0];
	[tilespmem:$0x240] =	vst v2;
	v2 =	vadd.s32 v0, v53  }
0x89: {  	v58 =	vld [tilespmem:$0x2B0];
	[tilespmem:$0x250] =	vst v2;
	v2 =	vadd.s32 v0, v54  }
0x8a: {  	v59 =	vld [tilespmem:$0x2C0];
	[tilespmem:$0x260] =	vst v2;
	v2 =	vadd.s32 v0, v55  }
0x8b: {  	v60 =	vld [tilespmem:$0x2D0];
	[tilespmem:$0x270] =	vst v2;
	v2 =	vadd.s32 v0, v56  }
0x8c: {  	[tilespmem:$0x280] =	vst v2;
	v2 =	vadd.s32 v0, v3;
	v3 =	vld [tilespmem:$0x2E0]  }
0x8d: {  	v61 =	vld [tilespmem:$0x2F0];
	[tilespmem:$0x290] =	vst v2;
	v2 =	vadd.s32 v0, v57  }
0x8e: {  	v62 =	vld [tilespmem:$0x300];
	[tilespmem:$0x2A0] =	vst v2;
	v2 =	vadd.s32 v0, v58  }
0x8f: {  	v63 =	vld [tilespmem:$0x310];
	[tilespmem:$0x2B0] =	vst v2;
	v2 =	vadd.s32 v0, v59  }
0x90: {  	[tilespmem:$0x2C0] =	vst v2;
	v2 =	vadd.s32 v0, v60  }
0x91: {  	[tilespmem:$0x2D0] =	vst v2;
	v2 =	vadd.s32 v0, v3  }
0x92: {  	[tilespmem:$0x2E0] =	vst v2;
	v2 =	vadd.s32 v0, v61  }
0x93: {  	[tilespmem:$0x2F0] =	vst v2;
	v2 =	vadd.s32 v0, v62  }
0x94: {  	[tilespmem:$0x300] =	vst v2;
	v2 =	vadd.s32 v0, v63  }
0x95: {  	[tilespmem:$0x310] =	vst v2  }
0x96: {  	[tilespmem:s20], [sflag:$0x2] =	stream.indirect.gather [hbm4b:s4+s18], $0x40, s18, s18, $0xb8;
	[tilespmem:$0x16A80] =	vst v63  }
0x97: {  	_ =	swait.ge [sflag:s21], $0x6400  }
0x98: {  	p1 =	seq.s32 s24, $0x960;
	[sflag:s21] =	ssyncset.done $0x0  }
.Ltmp5:
0x99: {  	[sflag:s21] =	ssyncadd.s32 $0xFFFF9C00;
	(pc) =	sbr.rel @p1 .LBB2_6-.Ltmp5, $4  }
0x9a: {  	[spmem:s1] =	stream.indirect.scatter.add.f32 [tilespmem:s15], [sflag:$0x3], $0x40, s17, s18, $0xb8;
	[tilespmem:$0x16A80] =	vst v63  }
0x9b: {  	_ =	swait.ge [sflag:s16], $0x6400  }
0x9c: {  	[sflag:s16] =	ssyncset.done $0x0  }
0x9d: {  	[sflag:s16] =	ssyncadd.s32 $0xFFFF9C00  }
0x9e: {  	s25 =	sadd.s32 $0x64, s25  }
0x9f: {  	[tilespmem:s2], [sflag:$0x3] =	stream.linear.gather [hbm4b:s25+s2], $0x190, $0x38;
	[tilespmem:$0x16A80] =	vst v63  }
0xa0: {  	_ =	swait.ge [sflag:s16], $0x190  }
0xa1: {  	[sflag:s16] =	ssyncset.done $0x0  }
0xa2: {  	s31 =	sadd.s32 $0x64, s26;
	[sflag:s16] =	ssyncadd.s32 $0xFFFFFE70  }
0xa3: {  	[tilespmem:s17], [sflag:$0x3] =	stream.linear.gather [hbm4b:s31+s2], $0x190, $0x38;
	[tilespmem:$0x16A80] =	vst v63  }
0xa4: {  	_ =	swait.ge [sflag:s16], $0x190  }
0xa5: {  	[sflag:s16] =	ssyncset.done $0x0  }
0xa6: {  	[sflag:s16] =	ssyncadd.s32 $0xFFFFFE70  }
0xa7: {  	v2 =	vld [tilespmem:$0x0]  }
0xa8: {  	v3 =	vld [tilespmem:$0x10]  }
0xa9: {  	v4 =	vld [tilespmem:$0x20]  }
0xaa: {  	v5 =	vld [tilespmem:$0x30]  }
0xab: {  	v6 =	vld [tilespmem:$0x40]  }
0xac: {  	v7 =	vld [tilespmem:$0x50];
	v2 =	vadd.s32 v0, v2  }
0xad: {  	[tilespmem:$0x0] =	vst v2;
	v2 =	vadd.s32 v0, v3;
	v3 =	vld [tilespmem:$0x60]  }
0xae: {  	v49 =	vld [tilespmem:$0x70];
	[tilespmem:$0x10] =	vst v2;
	v2 =	vadd.s32 v0, v4  }
0xaf: {  	v50 =	vld [tilespmem:$0x80];
	[tilespmem:$0x20] =	vst v2;
	v2 =	vadd.s32 v0, v5  }
0xb0: {  	v51 =	vld [tilespmem:$0x90];
	[tilespmem:$0x30] =	vst v2;
	v2 =	vadd.s32 v0, v6  }
0xb1: {  	v52 =	vld [tilespmem:$0xA0];
	[tilespmem:$0x40] =	vst v2;
	v2 =	vadd.s32 v0, v7  }
0xb2: {  	[tilespmem:$0x50] =	vst v2;
	v2 =	vadd.s32 v0, v3;
	v3 =	vld [tilespmem:$0xB0]  }
0xb3: {  	v53 =	vld [tilespmem:$0xC0];
	[tilespmem:$0x60] =	vst v2;
	v2 =	vadd.s32 v0, v49  }
0xb4: {  	v54 =	vld [tilespmem:$0xD0];
	[tilespmem:$0x70] =	vst v2;
	v2 =	vadd.s32 v0, v50  }
0xb5: {  	v55 =	vld [tilespmem:$0xE0];
	[tilespmem:$0x80] =	vst v2;
	v2 =	vadd.s32 v0, v51  }
0xb6: {  	v56 =	vld [tilespmem:$0xF0];
	[tilespmem:$0x90] =	vst v2;
	v2 =	vadd.s32 v0, v52  }
0xb7: {  	[tilespmem:$0xA0] =	vst v2;
	v2 =	vadd.s32 v0, v3;
	v3 =	vld [tilespmem:$0x100]  }
0xb8: {  	v57 =	vld [tilespmem:$0x110];
	[tilespmem:$0xB0] =	vst v2;
	v2 =	vadd.s32 v0, v53  }
0xb9: {  	v58 =	vld [tilespmem:$0x120];
	[tilespmem:$0xC0] =	vst v2;
	v2 =	vadd.s32 v0, v54  }
0xba: {  	v59 =	vld [tilespmem:$0x130];
	[tilespmem:$0xD0] =	vst v2;
	v2 =	vadd.s32 v0, v55  }
0xbb: {  	v60 =	vld [tilespmem:$0x140];
	[tilespmem:$0xE0] =	vst v2;
	v2 =	vadd.s32 v0, v56  }
0xbc: {  	[tilespmem:$0xF0] =	vst v2;
	v2 =	vadd.s32 v0, v3;
	v3 =	vld [tilespmem:$0x150]  }
0xbd: {  	v61 =	vld [tilespmem:$0x160];
	[tilespmem:$0x100] =	vst v2;
	v2 =	vadd.s32 v0, v57  }
0xbe: {  	v62 =	vld [tilespmem:$0x170];
	[tilespmem:$0x110] =	vst v2;
	v2 =	vadd.s32 v0, v58  }
0xbf: {  	v63 =	vld [tilespmem:$0x180];
	[tilespmem:$0x120] =	vst v2;
	v2 =	vadd.s32 v0, v59  }
0xc0: {  	[tilespmem:$0x130] =	vst v2;
	v2 =	vadd.s32 v0, v60  }
0xc1: {  	[tilespmem:$0x140] =	vst v2;
	v2 =	vadd.s32 v0, v3  }
.Ltmp6:
0xc2: {  	[tilespmem:$0x150] =	vst v2;
	v2 =	vadd.s32 v0, v61;
	(pc) =	sbr.rel .LBB2_6-.Ltmp6, $4  }
0xc3: {  	[tilespmem:$0x160] =	vst v2;
	v2 =	vadd.s32 v0, v62  }
0xc4: {  	[tilespmem:$0x170] =	vst v2;
	v2 =	vadd.s32 v0, v63  }
0xc5: {  	[tilespmem:$0x180] =	vst v2  }
0xc6: {  	[tilespmem:s15], [sflag:$0x1] =	stream.indirect.gather [hbm4b:s4+s18], $0x40, s2, s18, $0xb8;
	[tilespmem:$0x16A80] =	vst v63  }
.LBB2_8:
0xc7: {  	_ =	sfence.sel $0x180000  }
0xc8: {  	[bflag:$0x0] =	sbarrier.arrive $0xFFFF  }
0xc9: {  	p0 =	sne.s32 s3, $0x0;
	_ =	strace $0x9000004D  }
0xca: {  	s0 =	sadd.s32 @!p0 $0x100000, s0;
	[bflag:$0x2] =	sbarrier.arrive $0xFFFF  }
0xcb: {  	[sflag:s0] =	ssyncadd.tile.s32 @!p0 $0x1;
	_ =	shalt  }
.Lfunc_end2:
_tile_overlayer_lowered:
.L_overlay_start_2:
0xcc: {  	(tag) =	ssettag $0x2  }
0xcd: {  	s0 =	rddreg [dreg:$0x0];
	s2 =	stileid.u32  }
0xce: {  	s1 =	rddreg [dreg:$0x1];
	p0 =	sne.s32 s2, $0x0  }
0xcf: {  	s3 =	rddreg [dreg:$0x2];
	[bflag:$0x3] =	sbarrier.arrive $0xFFFF;
	s2 =	simm.s32 @!p0 $0x1C03  }
0xd0: {  	[timem:s3], [sflag:s2] =	dma.local @!p0 [hbm:s0], s1  }
0xd1: {  	s0 =	simm.s32 @!p0 $0x3  }
0xd2: {  	_ =	swait.ge @!p0 [sflag:s0], s1  }
0xd3: {  	s1 =	ssub.s32 @!p0 $0x0, s1;
	[sflag:s0] =	ssyncset.done @!p0 $0x0  }
0xd4: {  	[sflag:s0] =	ssyncadd.s32 @!p0 s1  }
0xd5: {  	[bflag:$0x3] =	sbarrier.arrive $0xFFFF  }
0xd6: {  	_ =	shalt  }

// kernel: kernel.18.cloned.1.call-start
scs
__scs_entry_jumppad:
0x0: {  	(pc) =	sbr.rel $0x88, $3  }
0x1: {  	(tag) =	ssettag $0x0;
	lr =	simm.s32 $0x1  }
0x2: {  	[smem:$0x3F8C] =	sst lr;
	_ =	strace $0xD0000000  }
0x3: {  	_ = 	snop  }
0x4: {  	_ = 	snop  }
0x5: {  	_ = 	snop  }
0x6: {  	_ = 	snop  }
0x7: {  	_ = 	snop  }
__scs_overlays_trampoline_lowered:
0x8: {  	[smem:$0x3F9B] =	sst s0  }
0x9: {  	[smem:$0x3F9C] =	sst s1  }
0xa: {  	[smem:$0x3F9D] =	sst s2  }
0xb: {  	[smem:$0x3F9E] =	sst s3  }
0xc: {  	[smem:$0x3F9F] =	sst s4  }
0xd: {  	[smem:$0x3FA0] =	sst s5  }
0xe: {  	[smem:$0x3FA1] =	sst s6  }
0xf: {  	[smem:$0x3FA2] =	sst s7  }
0x10: {  	[smem:$0x3FA3] =	sst s8  }
0x11: {  	[smem:$0x3FA4] =	sst s9;
	s0 =	simm.s32 @!p0 $0x0  }
0x12: {  	s1 =	sld [smem:$0x3F8A];
	s0 =	simm.s32 @p0 $0x1  }
0x13: {  	[smem:$0x3FA5] =	sst s0;
	s0 =	simm.s32 @!p1 $0x0  }
0x14: {  	s2 =	sld [smem:$0x3F89];
	s0 =	simm.s32 @p1 $0x1  }
0x15: {  	[smem:$0x3FA6] =	sst s0;
	s0 =	simm.s32 @!p2 $0x0  }
0x16: {  	s3 =	sld [smem:$0x3FDB];
	s0 =	simm.s32 @p2 $0x1  }
0x17: {  	s4 =	simm.s32 $0x1BF5;
	[smem:$0x3FA8] =	sst s0  }
0x18: {  	s0 =	sld [smem:$0x3F8B];
	_ =	swait.ge [sflag:s4], $0x0  }
0x19: {  	s7 =	sld [smem:$0x3F8C]  }
0x1a: {  	s8 =	sadd.s32 $0xFFFFE003, lr  }
0x1b: {  	s9 =	sadd.s32 $0xFFFFFEF7, lr;
	s5 =	simm.s32 $0xFFFFFFFF;
	p2 =	slt.u32 s8, $0xFFFFF086  }
0x1c: {  	p1 =	slt.u32 s9, $0xF7A;
	s5 =	simm.s32 @!p2 $0x0  }
0x1d: {  	s5 =	simm.s32 @p1 $0x1;
	p0 =	seq.s32 s7, s2  }
0x1e: {  	s7 =	smul.u32 @!p0 $0xF7A, s2;
	p2 =	seq.s32 @!p0 s5, $0x0  }
0x1f: {  	s9 =	smul.u32 $0xF7A, s1;
	s8 =	simm.s32 @!p0 $0x1BF5;
	p2 =	por !p2, p0  }
0x20: {  	[sflag:s8] =	ssyncset.s32 @!p0 $0xFFFFF086;
	s6 =	sadd.s32 @!p0 s3, s7;
	s7 =	simm.s32 @!p0 $0x108  }
0x21: {  	s3 =	sadd.s32 s3, s9;
	s6 =	sadd.s32 @!p0 $0x88, s6;
	s7 =	simm.s32 @p2 $0x1082  }
0x22: {  	[simem:s7], [sflag:s8] =	dma.local @!p0 [hbm:s6], $0xF7A  }
0x23: {  	s9 =	sor.u32 $0xD0000000, s2;
	s6 =	simm.s32 $0x108;
	_ =	swait.ge @!p0 [sflag:s8], $0x0  }
0x24: {  	s3 =	sadd.s32 $0x88, s3;
	s6 =	simm.s32 @!p1 $0x1082;
	[sflag:s4] =	ssyncset.s32 $0xFFFFF086  }
0x25: {  	[simem:s6], [sflag:s4] =	dma.local [hbm:s3], $0xF7A  }
0x26: {  	[smem:$0x3F8C] =	sst s1;
	(tag) =	ssettag s2;
	_ =	strace s9  }
0x27: {  	s1 =	sld [smem:$0x3F9C]  }
0x28: {  	s2 =	sld [smem:$0x3F9D]  }
0x29: {  	s4 =	sld [smem:$0x3F9F]  }
0x2a: {  	p0 =	seq.s32 s5, $0x0;
	s5 =	sld [smem:$0x3FA0]  }
0x2b: {  	s6 =	sld [smem:$0x3FA1]  }
0x2c: {  	s7 =	sld [smem:$0x3FA2]  }
0x2d: {  	s3 =	simm.s32 $0x108;
	s8 =	sld [smem:$0x3FA3]  }
0x2e: {  	s3 =	simm.s32 @!p0 $0x1082;
	s9 =	sld [smem:$0x3FA4]  }
0x2f: {  	lr =	sadd.s32 s0, s3;
	s0 =	sld [smem:$0x3F9B]  }
0x30: {  	s3 =	sld [smem:$0x3F9E]  }
0x31: {  	[smem:$0x3FA7] =	sst s10  }
0x32: {  	s10 =	sld [smem:$0x3FA5];
	_ =	sdelay $0x3  }
0x33: {  	p0 =	seq.s32 s10, $0x1;
	s10 =	sld [smem:$0x3FA7];
	_ =	sdelay $0x3  }
0x34: {  	[smem:$0x3FA7] =	sst s10  }
0x35: {  	s10 =	sld [smem:$0x3FA6];
	_ =	sdelay $0x3  }
0x36: {  	p1 =	seq.s32 s10, $0x1;
	s10 =	sld [smem:$0x3FA7];
	_ =	sdelay $0x3  }
0x37: {  	[smem:$0x3FA7] =	sst s10  }
0x38: {  	s10 =	sld [smem:$0x3FA8]  }
0x39: {  	_ = 	snop;
	(pc) =	sbr.ind lr, $3  }
0x3a: {  	_ = 	snop  }
0x3b: {  	_ = 	snop  }
0x3c: {  	p2 =	seq.s32 s10, $0x1;
	s10 =	sld [smem:$0x3FA7]  }
0x3d: {  	_ =	shalt  }
0x3e: {  	_ =	shalt  }
0x3f: {  	_ =	shalt  }
0x40: {  	_ =	shalt  }
0x41: {  	_ =	shalt  }
0x42: {  	_ =	shalt  }
0x43: {  	_ =	shalt  }
0x44: {  	_ =	shalt  }
0x45: {  	_ =	shalt  }
0x46: {  	_ =	shalt  }
0x47: {  	_ =	shalt  }
0x48: {  	_ =	shalt  }
0x49: {  	_ =	shalt  }
0x4a: {  	_ =	shalt  }
0x4b: {  	_ =	shalt  }
0x4c: {  	_ =	shalt  }
0x4d: {  	_ =	shalt  }
0x4e: {  	_ =	shalt  }
0x4f: {  	_ =	shalt  }
0x50: {  	_ =	shalt  }
0x51: {  	_ =	shalt  }
0x52: {  	_ =	shalt  }
0x53: {  	_ =	shalt  }
0x54: {  	_ =	shalt  }
0x55: {  	_ =	shalt  }
0x56: {  	_ =	shalt  }
0x57: {  	_ =	shalt  }
0x58: {  	_ =	shalt  }
0x59: {  	_ =	shalt  }
0x5a: {  	_ =	shalt  }
0x5b: {  	_ =	shalt  }
0x5c: {  	_ =	shalt  }
0x5d: {  	_ =	shalt  }
0x5e: {  	_ =	shalt  }
0x5f: {  	_ =	shalt  }
0x60: {  	_ =	shalt  }
0x61: {  	_ =	shalt  }
0x62: {  	_ =	shalt  }
0x63: {  	_ =	shalt  }
0x64: {  	_ =	shalt  }
0x65: {  	_ =	shalt  }
0x66: {  	_ =	shalt  }
0x67: {  	_ =	shalt  }
0x68: {  	_ =	shalt  }
0x69: {  	_ =	shalt  }
0x6a: {  	_ =	shalt  }
0x6b: {  	_ =	shalt  }
0x6c: {  	_ =	shalt  }
0x6d: {  	_ =	shalt  }
0x6e: {  	_ =	shalt  }
0x6f: {  	_ =	shalt  }
0x70: {  	_ =	shalt  }
0x71: {  	_ =	shalt  }
0x72: {  	_ =	shalt  }
0x73: {  	_ =	shalt  }
0x74: {  	_ =	shalt  }
0x75: {  	_ =	shalt  }
0x76: {  	_ =	shalt  }
0x77: {  	_ =	shalt  }
0x78: {  	_ =	shalt  }
0x79: {  	_ =	shalt  }
0x7a: {  	_ =	shalt  }
0x7b: {  	_ =	shalt  }
0x7c: {  	_ =	shalt  }
0x7d: {  	_ =	shalt  }
0x7e: {  	_ =	shalt  }
0x7f: {  	_ =	shalt  }
0x80: {  	_ =	shalt  }
0x81: {  	_ =	shalt  }
0x82: {  	_ =	shalt  }
0x83: {  	_ =	shalt  }
0x84: {  	_ =	shalt  }
0x85: {  	_ =	shalt  }
0x86: {  	_ =	shalt  }
0x87: {  	_ =	shalt  }
.Lfunc_end0:
.L_simem_size_0:
called_computation.3_lowered:
.L_overlay_start_0:
0x88: {  	s2 =	sld [smem:$0x3FD9]  }
0x89: {  	s3 =	sld [smem:$0x3FFE];
	_ =	sdelay $0x1  }
0x8a: {  	s1 =	srdreg.scid  }
0x8b: {  	s0 =	sand.u32 $0x1, s1  }
0x8c: {  	s17 =	sshll.u32 s0, $0xA;
	s2 =	sadd.s32 s3, s2  }
0x8d: {  	s2 =	sadd.s32 s2, s17  }
0x8e: {  	[smem:$0x3FB3] =	sst s2  }
0x8f: {  	_ = 	snop  }
0x90: {  	s2 =	sld [smem:$0x3FD0];
	(tm) =	ssettm $0x1  }
0x91: {  	s18 =	sld [smem:$0x3FFB];
	_ =	sdelay $0x3  }
0x92: {  	_ =	strace s18  }
0x93: {  	s3 =	sld [smem:$0x3FFC];
	_ =	sdelay $0x3  }
0x94: {  	_ =	strace s3  }
0x95: {  	s3 =	sld [smem:$0x3FFD];
	_ =	sdelay $0x3  }
0x96: {  	_ =	strace s3  }
0x97: {  	_ =	strace $0x8FFFFFFF  }
0x98: {  	s19 =	sld [smem:$0x3FDB];
	_ =	sdelay $0x1  }
0x99: {  	s4 =	simm.s32 $_scs_section_size  }
0x9a: {  	s5 =	simm.s32 $_size__tile_overlayer_lowered;
	s6 =	simm.s32 $_tile_overlayer_lowered  }
0x9b: {  	s22 =	simm.s32 $0x1BFF;
	s21 =	sshll.u32 s6, $0x1;
	s3 =	sadd.s32 s4, s19  }
0x9c: {  	s7 =	simm.s32 $0x0;
	s20 =	sshll.u32 s5, $0x1;
	s5 =	sadd.s32 s21, s3  }
0x9d: {  	[timem:s7], [sflag:s22] =	dma.local [hbm:s5], s20  }
0x9e: {  	_ =	swait.ge [sflag:s22], s20  }
0x9f: {  	s4 =	ssub.s32 $0x0, s20;
	[sflag:s22] =	ssyncset.done $0x0  }
0xa0: {  	[sflag:s22] =	ssyncadd.s32 s4;
	_ =	sdelay $0x1  }
0xa1: {  	s23 =	simm.s32 $0x1B8B  }
0xa2: {  	_ =	swait.ge [sflag:s23], $0x1  }
0xa3: {  	[sflag:s23] =	ssyncset.done $0x0  }
0xa4: {  	s25 =	simm.s32 $0x1B8E;
	s24 =	sld [smem:$0x3FFE];
	[sflag:s23] =	ssyncadd.s32 $0xFFFFFFFF  }
0xa5: {  	s26 =	simm.s32 $execute0_lowered;
	[smem:$0x3FD2] =	sst s25  }
0xa6: {  	s5 =	sshll.u32 s26, $0x1;
	_ =	strace $0x8000004F;
	[dreg:$0x1] =	wrdreg $0xFFFFFFFF  }
0xa7: {  	s28 =	simm.s32 $_size_execute0_lowered;
	s3 =	sadd.s32 s3, s5;
	[dreg:$0x0] =	wrdreg $0x0  }
0xa8: {  	s5 =	sshll.u32 s28, $0x1;
	[dreg:$0x2] =	wrdreg s3  }
0xa9: {  	[dreg:$0x3] =	wrdreg s5  }
0xaa: {  	[dreg:$0x4] =	wrdreg $0xC0  }
0xab: {  	_ =	task [dreg:s7], $0x5FFFF  }
0xac: {  	[dreg:$0x1] =	wrdreg $0xFFFFFFFF  }
0xad: {  	[dreg:$0x0] =	wrdreg $0x60  }
0xae: {  	[dreg:$0x2] =	wrdreg s2  }
0xaf: {  	[dreg:$0x3] =	wrdreg s24  }
0xb0: {  	[dreg:$0x4] =	wrdreg $0x9  }
0xb1: {  	_ =	task.clear_ibuf [dreg:s7], $0x5FFFF;
	_ =	strace $0x9000004F  }
0xb2: {  	s29 =	simm.s32 $0x9;
	_ =	strace $0x80000051  }
0xb3: {  	_ =	swait.ge [sflag:s29], $0x1  }
0xb4: {  	[sflag:s29] =	ssyncadd.s32 $0xFFFFFFFF  }
0xb5: {  	_ =	strace $0x90000051  }
0xb6: {  	_ =	sfence  }
0xb7: {  	s30 =	sld [smem:$0x0];
	_ =	sdelay $0x2  }
0xb8: {  	s31 =	sshll.u32 s1, $0xD;
	s1 =	sshrl.u32 s1, $0x2  }
0xb9: {  	s3 =	sand.u32 $0x4000, s31;
	s1 =	sadd.s32 s1, s30  }
0xba: {  	s0 =	sor.u32 s3, s0;
	s1 =	sshll.u32 s1, $0x11  }
0xbb: {  	s0 =	sor.u32 s1, s0  }
0xbc: {  	s0 =	sadd.s32 $0x8F2B, s0  }
0xbd: {  	[sflag:s0] =	ssyncadd.remote.s32 $0x1  }
0xbe: {  	_ =	sfence.sel $0xFFFF  }
0xbf: {  	[dreg:$0x0] =	wrdreg $0xFFFFFFFF;
	(pc) =	sbr.abs _section_cstart, $3  }
0xc0: {  	[dreg:$0x1] =	wrdreg $0xFFFFFFFF  }
0xc1: {  	_ =	task.clear_ibuf [dreg:s7], $0x2FFFF;
	_ =	strace $0x9FFFFFFF  }
0xc2: {  	(tm) =	ssettm $0x7FFFFFFF  }
0xc3: {  	_ =	shalt  }
tec
execute0_lowered:
.L_overlay_start_1:
0x0: {  	(tag) =	ssettag $0x1  }
0x1: {  	s1 =	srdreg.scid  }
0x2: {  	s0 =	stileid.u32;
	s3 =	rddreg [dreg:$0x0]  }
0x3: {  	s8 =	rddreg [dreg:$0x1];
	s6 =	sand.u32 $0x1, s1;
	s30 =	sshll.u32 s0, $0x1  }
0x4: {  	s2 =	simm.s32 $0x0;
	s1 =	rddreg [dreg:$0x2];
	s7 =	sor.u32 s6, s30  }
0x5: {  	[smem:$0x7FF] =	sst s2;
	s4 =	smul.u32 $0x14, s7  }
0x6: {  	s5 =	sadd.s32 $0x3C00, s8;
	_ =	strace $0x80000050;
	s10 =	ssub.s32 $0x2, s6  }
0x7: {  	s6 =	simm.s32 $0xA0;
	s4 =	sadd.s32 s3, s4;
	s3 =	simm.s32 $0x2  }
0x8: {  	[tilespmem:s2], [sflag:$0x2] =	stream.linear.gather [hbm4b:s4+s2], $0xA0, $0x38;
	[tilespmem:$0x50A0] =	vst v63  }
0x9: {  	s9 =	smul.u32 $0xA00, s7;
	s11 =	sshrl.u32 s10, $0x1;
	_ =	swait.ge [sflag:s3], $0xA0  }
0xa: {  	s7 =	simm.s32 $0x1;
	s31 =	ssub.s32 s10, s11;
	[sflag:s3] =	ssyncset.done $0x0  }
0xb: {  	s8 =	sadd.s32 s9, s8;
	s9 =	smax.u32 s31, $0x1;
	[sflag:s3] =	ssyncadd.s32 $0xFFFFFF60  }
0xc: {  	[tilespmem:s6], [sflag:$0x1] =	stream.indirect.gather [hbm4b:s5+s6], $0x80, s2, s6, $0xb8;
	[tilespmem:$0x50A0] =	vst v63  }
0xd: {  	p0 =	sne.s32 s9, $0x1;
	_ =	swait.ge [sflag:s7], $0x5000  }
.Ltmp0:
0xe: {  	[sflag:s7] =	ssyncset.done $0x0;
	(pc) =	sbr.rel @!p0 .LBB2_2-.Ltmp0, $4  }
0xf: {  	s8 =	sadd.s32 $0x2AE00, s8;
	[sflag:s7] =	ssyncadd.s32 $0xFFFFB000  }
0x10: {  	[hbm4b:s8+s2] =	stream.linear.scatter [tilespmem:s6], [sflag:$0x2], $0x5000, $0x38;
	[tilespmem:$0x50A0] =	vst v63  }
0x11: {  	_ =	swait.ge [sflag:s3], $0x5000  }
0x12: {  	s9 =	sadd.s32 $0xFFFFFFFF, s9;
	[sflag:s3] =	ssyncset.done $0x0  }
.LBB2_1:
0x13: {  	p0 =	sne.s32 s9, $0x1;
	s9 =	sadd.s32 $0xFFFFFFFF, s9;
	[sflag:s3] =	ssyncadd.s32 $0xFFFFB000  }
0x14: {  	[tilespmem:s2], [sflag:$0x2] =	stream.linear.gather [hbm4b:s4+s2], $0xA0, $0x38;
	[tilespmem:$0x50A0] =	vst v63  }
0x15: {  	_ =	swait.ge [sflag:s3], $0xA0  }
0x16: {  	[sflag:s3] =	ssyncset.done $0x0  }
0x17: {  	[sflag:s3] =	ssyncadd.s32 $0xFFFFFF60  }
0x18: {  	[tilespmem:s6], [sflag:$0x1] =	stream.indirect.gather [hbm4b:s5+s6], $0x80, s2, s6, $0xb8;
	[tilespmem:$0x50A0] =	vst v63  }
0x19: {  	_ =	swait.ge [sflag:s7], $0x5000  }
.Ltmp1:
0x1a: {  	[sflag:s7] =	ssyncset.done $0x0;
	(pc) =	sbr.rel @p0 .LBB2_1-.Ltmp1, $4  }
0x1b: {  	[sflag:s7] =	ssyncadd.s32 $0xFFFFB000  }
0x1c: {  	[hbm4b:s8+s2] =	stream.linear.scatter [tilespmem:s6], [sflag:$0x2], $0x5000, $0x38;
	[tilespmem:$0x50A0] =	vst v63  }
0x1d: {  	_ =	swait.ge [sflag:s3], $0x5000  }
0x1e: {  	[sflag:s3] =	ssyncset.done $0x0  }
.LBB2_2:
0x1f: {  	[sflag:s3] =	ssyncadd.s32 $0xFFFFB000  }
0x20: {  	_ =	sfence.sel $0x180000  }
0x21: {  	[bflag:$0x0] =	sbarrier.arrive $0xFFFF  }
0x22: {  	p0 =	sne.s32 s0, $0x0;
	_ =	strace $0x90000050  }
0x23: {  	s0 =	sadd.s32 @!p0 $0x100000, s1;
	[bflag:$0x2] =	sbarrier.arrive $0xFFFF  }
0x24: {  	[sflag:s0] =	ssyncadd.tile.s32 @!p0 $0x1;
	_ =	shalt  }
.Lfunc_end2:
_tile_overlayer_lowered:
.L_overlay_start_2:
0x25: {  	(tag) =	ssettag $0x2  }
0x26: {  	s0 =	rddreg [dreg:$0x0];
	s2 =	stileid.u32  }
0x27: {  	s1 =	rddreg [dreg:$0x1];
	p0 =	sne.s32 s2, $0x0  }
0x28: {  	s3 =	rddreg [dreg:$0x2];
	[bflag:$0x3] =	sbarrier.arrive $0xFFFF;
	s2 =	simm.s32 @!p0 $0x1C02  }
0x29: {  	[timem:s3], [sflag:s2] =	dma.local @!p0 [hbm:s0], s1  }
0x2a: {  	s0 =	simm.s32 @!p0 $0x2  }
0x2b: {  	_ =	swait.ge @!p0 [sflag:s0], s1  }
0x2c: {  	s1 =	ssub.s32 @!p0 $0x0, s1;
	[sflag:s0] =	ssyncset.done @!p0 $0x0  }
0x2d: {  	[sflag:s0] =	ssyncadd.s32 @!p0 s1  }
0x2e: {  	[bflag:$0x3] =	sbarrier.arrive $0xFFFF  }
0x2f: {  	_ =	shalt  }

// kernel: kernel.9.cloned.1.call-start
scs
__scs_entry_jumppad:
0x0: {  	(pc) =	sbr.rel $0x88, $3  }
0x1: {  	(tag) =	ssettag $0x0;
	lr =	simm.s32 $0x1  }
0x2: {  	[smem:$0x3F8C] =	sst lr;
	_ =	strace $0xD0000000  }
0x3: {  	_ = 	snop  }
0x4: {  	_ = 	snop  }
0x5: {  	_ = 	snop  }
0x6: {  	_ = 	snop  }
0x7: {  	_ = 	snop  }
__scs_overlays_trampoline_lowered:
0x8: {  	[smem:$0x3F9B] =	sst s0  }
0x9: {  	[smem:$0x3F9C] =	sst s1  }
0xa: {  	[smem:$0x3F9D] =	sst s2  }
0xb: {  	[smem:$0x3F9E] =	sst s3  }
0xc: {  	[smem:$0x3F9F] =	sst s4  }
0xd: {  	[smem:$0x3FA0] =	sst s5  }
0xe: {  	[smem:$0x3FA1] =	sst s6  }
0xf: {  	[smem:$0x3FA2] =	sst s7  }
0x10: {  	[smem:$0x3FA3] =	sst s8  }
0x11: {  	[smem:$0x3FA4] =	sst s9;
	s0 =	simm.s32 @!p0 $0x0  }
0x12: {  	s1 =	sld [smem:$0x3F8A];
	s0 =	simm.s32 @p0 $0x1  }
0x13: {  	[smem:$0x3FA5] =	sst s0;
	s0 =	simm.s32 @!p1 $0x0  }
0x14: {  	s2 =	sld [smem:$0x3F89];
	s0 =	simm.s32 @p1 $0x1  }
0x15: {  	[smem:$0x3FA6] =	sst s0;
	s0 =	simm.s32 @!p2 $0x0  }
0x16: {  	s3 =	sld [smem:$0x3FDB];
	s0 =	simm.s32 @p2 $0x1  }
0x17: {  	s4 =	simm.s32 $0x1BF5;
	[smem:$0x3FA8] =	sst s0  }
0x18: {  	s0 =	sld [smem:$0x3F8B];
	_ =	swait.ge [sflag:s4], $0x0  }
0x19: {  	s7 =	sld [smem:$0x3F8C]  }
0x1a: {  	s8 =	sadd.s32 $0xFFFFE003, lr  }
0x1b: {  	s9 =	sadd.s32 $0xFFFFFEF7, lr;
	s5 =	simm.s32 $0xFFFFFFFF;
	p2 =	slt.u32 s8, $0xFFFFF086  }
0x1c: {  	p1 =	slt.u32 s9, $0xF7A;
	s5 =	simm.s32 @!p2 $0x0  }
0x1d: {  	s5 =	simm.s32 @p1 $0x1;
	p0 =	seq.s32 s7, s2  }
0x1e: {  	s7 =	smul.u32 @!p0 $0xF7A, s2;
	p2 =	seq.s32 @!p0 s5, $0x0  }
0x1f: {  	s9 =	smul.u32 $0xF7A, s1;
	s8 =	simm.s32 @!p0 $0x1BF5;
	p2 =	por !p2, p0  }
0x20: {  	[sflag:s8] =	ssyncset.s32 @!p0 $0xFFFFF086;
	s6 =	sadd.s32 @!p0 s3, s7;
	s7 =	simm.s32 @!p0 $0x108  }
0x21: {  	s3 =	sadd.s32 s3, s9;
	s6 =	sadd.s32 @!p0 $0x88, s6;
	s7 =	simm.s32 @p2 $0x1082  }
0x22: {  	[simem:s7], [sflag:s8] =	dma.local @!p0 [hbm:s6], $0xF7A  }
0x23: {  	s9 =	sor.u32 $0xD0000000, s2;
	s6 =	simm.s32 $0x108;
	_ =	swait.ge @!p0 [sflag:s8], $0x0  }
0x24: {  	s3 =	sadd.s32 $0x88, s3;
	s6 =	simm.s32 @!p1 $0x1082;
	[sflag:s4] =	ssyncset.s32 $0xFFFFF086  }
0x25: {  	[simem:s6], [sflag:s4] =	dma.local [hbm:s3], $0xF7A  }
0x26: {  	[smem:$0x3F8C] =	sst s1;
	(tag) =	ssettag s2;
	_ =	strace s9  }
0x27: {  	s1 =	sld [smem:$0x3F9C]  }
0x28: {  	s2 =	sld [smem:$0x3F9D]  }
0x29: {  	s4 =	sld [smem:$0x3F9F]  }
0x2a: {  	p0 =	seq.s32 s5, $0x0;
	s5 =	sld [smem:$0x3FA0]  }
0x2b: {  	s6 =	sld [smem:$0x3FA1]  }
0x2c: {  	s7 =	sld [smem:$0x3FA2]  }
0x2d: {  	s3 =	simm.s32 $0x108;
	s8 =	sld [smem:$0x3FA3]  }
0x2e: {  	s3 =	simm.s32 @!p0 $0x1082;
	s9 =	sld [smem:$0x3FA4]  }
0x2f: {  	lr =	sadd.s32 s0, s3;
	s0 =	sld [smem:$0x3F9B]  }
0x30: {  	s3 =	sld [smem:$0x3F9E]  }
0x31: {  	[smem:$0x3FA7] =	sst s10  }
0x32: {  	s10 =	sld [smem:$0x3FA5];
	_ =	sdelay $0x3  }
0x33: {  	p0 =	seq.s32 s10, $0x1;
	s10 =	sld [smem:$0x3FA7];
	_ =	sdelay $0x3  }
0x34: {  	[smem:$0x3FA7] =	sst s10  }
0x35: {  	s10 =	sld [smem:$0x3FA6];
	_ =	sdelay $0x3  }
0x36: {  	p1 =	seq.s32 s10, $0x1;
	s10 =	sld [smem:$0x3FA7];
	_ =	sdelay $0x3  }
0x37: {  	[smem:$0x3FA7] =	sst s10  }
0x38: {  	s10 =	sld [smem:$0x3FA8]  }
0x39: {  	_ = 	snop;
	(pc) =	sbr.ind lr, $3  }
0x3a: {  	_ = 	snop  }
0x3b: {  	_ = 	snop  }
0x3c: {  	p2 =	seq.s32 s10, $0x1;
	s10 =	sld [smem:$0x3FA7]  }
0x3d: {  	_ =	shalt  }
0x3e: {  	_ =	shalt  }
0x3f: {  	_ =	shalt  }
0x40: {  	_ =	shalt  }
0x41: {  	_ =	shalt  }
0x42: {  	_ =	shalt  }
0x43: {  	_ =	shalt  }
0x44: {  	_ =	shalt  }
0x45: {  	_ =	shalt  }
0x46: {  	_ =	shalt  }
0x47: {  	_ =	shalt  }
0x48: {  	_ =	shalt  }
0x49: {  	_ =	shalt  }
0x4a: {  	_ =	shalt  }
0x4b: {  	_ =	shalt  }
0x4c: {  	_ =	shalt  }
0x4d: {  	_ =	shalt  }
0x4e: {  	_ =	shalt  }
0x4f: {  	_ =	shalt  }
0x50: {  	_ =	shalt  }
0x51: {  	_ =	shalt  }
0x52: {  	_ =	shalt  }
0x53: {  	_ =	shalt  }
0x54: {  	_ =	shalt  }
0x55: {  	_ =	shalt  }
0x56: {  	_ =	shalt  }
0x57: {  	_ =	shalt  }
0x58: {  	_ =	shalt  }
0x59: {  	_ =	shalt  }
0x5a: {  	_ =	shalt  }
0x5b: {  	_ =	shalt  }
0x5c: {  	_ =	shalt  }
0x5d: {  	_ =	shalt  }
0x5e: {  	_ =	shalt  }
0x5f: {  	_ =	shalt  }
0x60: {  	_ =	shalt  }
0x61: {  	_ =	shalt  }
0x62: {  	_ =	shalt  }
0x63: {  	_ =	shalt  }
0x64: {  	_ =	shalt  }
0x65: {  	_ =	shalt  }
0x66: {  	_ =	shalt  }
0x67: {  	_ =	shalt  }
0x68: {  	_ =	shalt  }
0x69: {  	_ =	shalt  }
0x6a: {  	_ =	shalt  }
0x6b: {  	_ =	shalt  }
0x6c: {  	_ =	shalt  }
0x6d: {  	_ =	shalt  }
0x6e: {  	_ =	shalt  }
0x6f: {  	_ =	shalt  }
0x70: {  	_ =	shalt  }
0x71: {  	_ =	shalt  }
0x72: {  	_ =	shalt  }
0x73: {  	_ =	shalt  }
0x74: {  	_ =	shalt  }
0x75: {  	_ =	shalt  }
0x76: {  	_ =	shalt  }
0x77: {  	_ =	shalt  }
0x78: {  	_ =	shalt  }
0x79: {  	_ =	shalt  }
0x7a: {  	_ =	shalt  }
0x7b: {  	_ =	shalt  }
0x7c: {  	_ =	shalt  }
0x7d: {  	_ =	shalt  }
0x7e: {  	_ =	shalt  }
0x7f: {  	_ =	shalt  }
0x80: {  	_ =	shalt  }
0x81: {  	_ =	shalt  }
0x82: {  	_ =	shalt  }
0x83: {  	_ =	shalt  }
0x84: {  	_ =	shalt  }
0x85: {  	_ =	shalt  }
0x86: {  	_ =	shalt  }
0x87: {  	_ =	shalt  }
.Lfunc_end0:
.L_simem_size_0:
called_computation_lowered:
.L_overlay_start_0:
0x88: {  	s2 =	sld [smem:$0x3FD9]  }
0x89: {  	s3 =	sld [smem:$0x3FFE];
	_ =	sdelay $0x1  }
0x8a: {  	s1 =	srdreg.scid  }
0x8b: {  	s0 =	sand.u32 $0x1, s1  }
0x8c: {  	s17 =	sshll.u32 s0, $0xA;
	s2 =	sadd.s32 s3, s2  }
0x8d: {  	s2 =	sadd.s32 s2, s17  }
0x8e: {  	[smem:$0x3FB3] =	sst s2  }
0x8f: {  	_ = 	snop  }
0x90: {  	s2 =	sld [smem:$0x3FD0];
	(tm) =	ssettm $0x1  }
0x91: {  	s18 =	sld [smem:$0x3FFB];
	_ =	sdelay $0x3  }
0x92: {  	_ =	strace s18  }
0x93: {  	s3 =	sld [smem:$0x3FFC];
	_ =	sdelay $0x3  }
0x94: {  	_ =	strace s3  }
0x95: {  	s3 =	sld [smem:$0x3FFD];
	_ =	sdelay $0x3  }
0x96: {  	_ =	strace s3  }
0x97: {  	_ =	strace $0x8FFFFFFF  }
0x98: {  	s19 =	sld [smem:$0x3FDB];
	_ =	sdelay $0x1  }
0x99: {  	s4 =	simm.s32 $_scs_section_size  }
0x9a: {  	s5 =	simm.s32 $_size__tile_overlayer_lowered;
	s6 =	simm.s32 $_tile_overlayer_lowered  }
0x9b: {  	s22 =	simm.s32 $0x1BFF;
	s21 =	sshll.u32 s6, $0x1;
	s3 =	sadd.s32 s4, s19  }
0x9c: {  	s7 =	simm.s32 $0x0;
	s20 =	sshll.u32 s5, $0x1;
	s5 =	sadd.s32 s21, s3  }
0x9d: {  	[timem:s7], [sflag:s22] =	dma.local [hbm:s5], s20  }
0x9e: {  	_ =	swait.ge [sflag:s22], s20  }
0x9f: {  	s4 =	ssub.s32 $0x0, s20;
	[sflag:s22] =	ssyncset.done $0x0  }
0xa0: {  	[sflag:s22] =	ssyncadd.s32 s4;
	_ =	sdelay $0x1  }
0xa1: {  	s23 =	simm.s32 $0x1B8B  }
0xa2: {  	_ =	swait.ge [sflag:s23], $0x1  }
0xa3: {  	[sflag:s23] =	ssyncset.done $0x0  }
0xa4: {  	s25 =	simm.s32 $0x1B8E;
	s24 =	sld [smem:$0x3FFE];
	[sflag:s23] =	ssyncadd.s32 $0xFFFFFFFF  }
0xa5: {  	s26 =	simm.s32 $execute0_lowered;
	[smem:$0x3FD2] =	sst s25  }
0xa6: {  	s5 =	sshll.u32 s26, $0x1;
	_ =	strace $0x80000046;
	[dreg:$0x1] =	wrdreg $0xFFFFFFFF  }
0xa7: {  	s28 =	simm.s32 $_size_execute0_lowered;
	s3 =	sadd.s32 s3, s5;
	[dreg:$0x0] =	wrdreg $0x0  }
0xa8: {  	s5 =	sshll.u32 s28, $0x1;
	[dreg:$0x2] =	wrdreg s3  }
0xa9: {  	[dreg:$0x3] =	wrdreg s5  }
0xaa: {  	[dreg:$0x4] =	wrdreg $0xC0  }
0xab: {  	_ =	task [dreg:s7], $0x5FFFF  }
0xac: {  	[dreg:$0x1] =	wrdreg $0xFFFFFFFF  }
0xad: {  	[dreg:$0x0] =	wrdreg $0x60  }
0xae: {  	[dreg:$0x2] =	wrdreg s24  }
0xaf: {  	[dreg:$0x3] =	wrdreg s2  }
0xb0: {  	[dreg:$0x4] =	wrdreg $0x19C800  }
0xb1: {  	[dreg:$0x5] =	wrdreg $0x19E800  }
0xb2: {  	[dreg:$0x6] =	wrdreg $0xA  }
0xb3: {  	_ =	task.clear_ibuf [dreg:s7], $0x7FFFF;
	_ =	strace $0x90000046  }
0xb4: {  	s29 =	simm.s32 $0xA;
	_ =	strace $0x80000048  }
0xb5: {  	_ =	swait.ge [sflag:s29], $0x1  }
0xb6: {  	[sflag:s29] =	ssyncadd.s32 $0xFFFFFFFF  }
0xb7: {  	_ =	strace $0x90000048  }
0xb8: {  	_ =	sfence  }
0xb9: {  	s30 =	sld [smem:$0x0];
	_ =	sdelay $0x2  }
0xba: {  	s31 =	sshll.u32 s1, $0xD;
	s1 =	sshrl.u32 s1, $0x2  }
0xbb: {  	s3 =	sand.u32 $0x4000, s31;
	s1 =	sadd.s32 s1, s30  }
0xbc: {  	s0 =	sor.u32 s3, s0;
	s1 =	sshll.u32 s1, $0x11  }
0xbd: {  	s0 =	sor.u32 s1, s0  }
0xbe: {  	s0 =	sadd.s32 $0x8F2B, s0  }
0xbf: {  	[sflag:s0] =	ssyncadd.remote.s32 $0x1  }
0xc0: {  	_ =	sfence.sel $0xFFFF  }
0xc1: {  	[dreg:$0x0] =	wrdreg $0xFFFFFFFF;
	(pc) =	sbr.abs _section_cstart, $3  }
0xc2: {  	[dreg:$0x1] =	wrdreg $0xFFFFFFFF  }
0xc3: {  	_ =	task.clear_ibuf [dreg:s7], $0x2FFFF;
	_ =	strace $0x9FFFFFFF  }
0xc4: {  	(tm) =	ssettm $0x7FFFFFFF  }
0xc5: {  	_ =	shalt  }
tec
execute0_lowered:
.L_overlay_start_1:
0x0: {  	(tag) =	ssettag $0x1  }
0x1: {  	s0 =	rddreg [dreg:$0x0]  }
0x2: {  	s2 =	rddreg [dreg:$0x2]  }
0x3: {  	s3 =	rddreg [dreg:$0x3];
	s4 =	simm.s32 $0x0  }
0x4: {  	s6 =	stileid.u32;
	s1 =	srdreg.scid;
	s28 =	simm.s32 $0x2  }
0x5: {  	s29 =	simm.s32 $0x7080;
	s30 =	simm.s32 $0x4;
	s31 =	simm.s32 $0x13880  }
0x6: {  	[smem:$0x7FF] =	sst s4;
	s1 =	sand.u32 $0x1, s1;
	s8 =	smul.u32 $0x1900, s6  }
0x7: {  	s7 =	sshll.u32 s6, $0x1;
	s5 =	sadd.s32 $0x13200, s0;
	s12 =	smul.u32 $0x640, s6  }
0x8: {  	s11 =	sadd.s32 $0x22800, s0;
	s23 =	smul.u32 $0xC8, s6;
	p0 =	sne.s32 s6, $0x0  }
0x9: {  	_ =	strace $0x80000047;
	s10 =	sor.u32 s1, s7;
	s19 =	smul.u32 $0x320, s1  }
0xa: {  	s7 =	sadd.s32 $0x3C00, s0;
	[dreg:$0x6] =	wrdreg s11;
	s21 =	smul.u32 $0xC80, s1  }
0xb: {  	s9 =	ssub.s32 $0x2, s1;
	s1 =	smul.u32 $0x64, s1;
	[dreg:$0x5] =	wrdreg s10  }
0xc: {  	s10 =	smul.u32 $0x64, s10;
	s17 =	sshrl.u32 s9, $0x1;
	s0 =	sadd.s32 s8, s0  }
0xd: {  	s24 =	sadd.s32 s23, s5;
	s18 =	ssub.s32 s9, s17;
	s22 =	sadd.s32 s19, s12  }
0xe: {  	s0 =	sadd.s32 s21, s0;
	s9 =	sadd.s32 s23, s7;
	s25 =	sadd.s32 s1, s24  }
0xf: {  	s17 =	sshrl.u32 @!p0 s2, $0x3;
	s19 =	simm.s32 $0x5;
	s21 =	simm.s32 $0x320  }
0x10: {  	s23 =	simm.s32 $0xD480;
	s24 =	simm.s32 $0x1;
	s20 =	sadd.s32 s5, s10  }
0x11: {  	s10 =	sadd.s32 s7, s10;
	s8 =	smax.u32 s18, $0x1;
	s13 =	sadd.s32 $0x22C00, s0  }
0x12: {  	s14 =	sadd.s32 $0x20B200, s0;
	s1 =	sadd.s32 s1, s9;
	[dreg:$0x7] =	wrdreg s20  }
.Ltmp0:
0x13: {  	s0 =	sadd.s32 $0xC80, s25;
	[dreg:$0x8] =	wrdreg s10;
	(pc) =	sbr.rel .LBB2_1-.Ltmp0, $4  }
0x14: {  	s18 =	sshrl.u32 @!p0 s3, $0x3;
	s25 =	simm.s32 $0x6;
	[dreg:$0x9] =	wrdreg s8  }
0x15: {  	s8 =	sadd.s32 $0xC800, s22;
	[dreg:$0xb] =	wrdreg s0;
	s26 =	sadd.s32 $0xC80, s1  }
0x16: {  	s20 =	simm.s32 $0x640;
	s22 =	simm.s32 $0xC80;
	[dreg:$0xa] =	wrdreg s8  }
0x17: {  	s0 =	simm.s32 $0x0;
	[dreg:$0xc] =	wrdreg s26;
	s26 =	simm.s32 $0x3  }
.LBB2_7:
0x18: {  	s0 =	sadd.s32 $0x1, s0;
	s1 =	rddreg [dreg:$0x9]  }
0x19: {  	p1 =	sne.s32 s0, s1  }
.Ltmp1:
0x1a: {  	_ = 	snop;
	(pc) =	sbr.rel @!p1 .LBB2_8-.Ltmp1, $1  }
0x1b: {  	_ =	sdelay $0x3  }
.LBB2_1:
0x1c: {  	s6 =	simm.s32 @!p0 $0x1C05;
	s1 =	rddreg [dreg:$0x6];
	s9 =	simm.s32 @!p0 $0x5  }
0x1d: {  	[spmem:s17], [sflag:s6] =	dma.local @!p0 [hbm:s1], $0x400  }
0x1e: {  	_ =	swait.ge @!p0 [sflag:s9], $0x400  }
0x1f: {  	[sflag:s9] =	ssyncset.done @!p0 $0x0  }
0x20: {  	[sflag:s9] =	ssyncadd.s32 @!p0 $0xFFFFFC00  }
0x21: {  	s1 =	rddreg [dreg:$0x1]  }
0x22: {  	[spmem:s18], [sflag:s6] =	dma.local @!p0 [hbm:s1], $0x1000  }
0x23: {  	_ =	swait.ge @!p0 [sflag:s9], $0x1000  }
0x24: {  	[sflag:s9] =	ssyncset.done @!p0 $0x0  }
0x25: {  	[sflag:s9] =	ssyncadd.s32 @!p0 $0xFFFFF000  }
0x26: {  	[bflag:$0x0] =	sbarrier.arrive $0xFFFF  }
0x27: {  	s15 =	rddreg [dreg:$0x7]  }
0x28: {  	[tilespmem:s4], [sflag:$0x5] =	stream.linear.gather [hbm4b:s15+s4], $0x320, $0x38;
	[tilespmem:$0x1A680] =	vst v63  }
0x29: {  	_ =	swait.ge [sflag:s19], $0x320  }
0x2a: {  	[sflag:s19] =	ssyncset.done $0x0  }
0x2b: {  	s16 =	rddreg [dreg:$0x8];
	[sflag:s19] =	ssyncadd.s32 $0xFFFFFCE0  }
0x2c: {  	[tilespmem:s20], [sflag:$0x5] =	stream.linear.gather [hbm4b:s16+s4], $0x320, $0x38;
	[tilespmem:$0x1A680] =	vst v63  }
0x2d: {  	_ =	swait.ge [sflag:s19], $0x320  }
0x2e: {  	s16 =	rddreg [dreg:$0xc]  }
.Ltmp2:
0x2f: {  	[sflag:s19] =	ssyncset.done $0x0;
	s15 =	rddreg [dreg:$0xb];
	(pc) =	sbr.rel .LBB2_2-.Ltmp2, $4  }
0x30: {  	s6 =	rddreg [dreg:$0x5];
	[sflag:s19] =	ssyncadd.s32 $0xFFFFFCE0  }
0x31: {  	[tilespmem:s22], [sflag:$0x1] =	stream.indirect.gather [spmem:s2], $0x20, s4, s21, $0xb8;
	[tilespmem:$0x1A680] =	vst v63  }
0x32: {  	s10 =	simm.s32 $0x0;
	s12 =	rddreg [dreg:$0xa]  }
0x33: {  	[tilespmem:s23], [sflag:$0x3] =	stream.indirect.gather [spmem:s3], $0x20, s20, s21, $0xb8;
	[tilespmem:$0x1A680] =	vst v63  }
.LBB2_3:
0x34: {  	s1 =	sshrl.u32 s12, $0x3  }
0x35: {  	s8 =	sadd.s32 s5, s1  }
0x36: {  	[tilespmem:s4], [sflag:$0x6] =	stream.linear.gather [hbm4b:s8+s4], $0x320, $0x38;
	[tilespmem:$0x1A680] =	vst v63  }
0x37: {  	_ =	swait.ge [sflag:s25], $0x320  }
0x38: {  	[sflag:s25] =	ssyncset.done $0x0  }
0x39: {  	s1 =	sadd.s32 s7, s1;
	[sflag:s25] =	ssyncadd.s32 $0xFFFFFCE0  }
0x3a: {  	[tilespmem:s20], [sflag:$0x6] =	stream.linear.gather [hbm4b:s1+s4], $0x320, $0x38;
	[tilespmem:$0x1A680] =	vst v63  }
0x3b: {  	_ =	swait.ge [sflag:s25], $0x320  }
0x3c: {  	[sflag:s25] =	ssyncset.done $0x0  }
0x3d: {  	[sflag:s25] =	ssyncadd.s32 $0xFFFFFCE0  }
0x3e: {  	[tilespmem:s22], [sflag:$0x1] =	stream.indirect.gather [spmem:s2], $0x20, s4, s21, $0xb8;
	[tilespmem:$0x1A680] =	vst v63  }
0x3f: {  	_ = 	snop  }
0x40: {  	[tilespmem:s23], [sflag:$0x3] =	stream.indirect.gather [spmem:s3], $0x20, s20, s21, $0xb8;
	[tilespmem:$0x1A680] =	vst v63  }
.LBB2_5:
0x41: {  	_ =	swait.ge [sflag:s28], $0x6400  }
0x42: {  	[sflag:s28] =	ssyncset.done $0x0  }
0x43: {  	s1 =	sadd.s32 $0x19000, s11;
	[sflag:s28] =	ssyncadd.s32 $0xFFFF9C00  }
0x44: {  	[hbm4b:s1+s4] =	stream.linear.scatter [tilespmem:s29], [sflag:$0x6], $0x6400, $0x38;
	[tilespmem:$0x1A680] =	vst v63  }
0x45: {  	_ =	swait.ge [sflag:s25], $0x6400  }
0x46: {  	[sflag:s25] =	ssyncset.done $0x0  }
0x47: {  	[sflag:s25] =	ssyncadd.s32 $0xFFFF9C00  }
0x48: {  	_ =	swait.ge [sflag:s30], $0x6400  }
0x49: {  	[sflag:s30] =	ssyncset.done $0x0  }
0x4a: {  	s11 =	sadd.s32 $0x19000, s9;
	[sflag:s30] =	ssyncadd.s32 $0xFFFF9C00  }
0x4b: {  	[hbm4b:s11+s4] =	stream.linear.scatter [tilespmem:s31], [sflag:$0x5], $0x6400, $0x38;
	[tilespmem:$0x1A680] =	vst v63  }
0x4c: {  	_ =	swait.ge [sflag:s19], $0x6400  }
0x4d: {  	[sflag:s19] =	ssyncset.done $0x0  }
0x4e: {  	[sflag:s19] =	ssyncadd.s32 $0xFFFF9C00  }
.LBB2_6:
0x4f: {  	s10 =	sadd.s32 $0x32000, s10  }
0x50: {  	p1 =	sne.s32 s10, $0x1F4000  }
.Ltmp3:
0x51: {  	_ = 	snop;
	(pc) =	sbr.rel @!p1 .LBB2_7-.Ltmp3, $3  }
0x52: {  	_ =	sdelay $0x1  }
0x53: {  	s12 =	sadd.s32 $0xC800, s12  }
0x54: {  	s6 =	sadd.s32 $0x40, s6;
	s15 =	sadd.s32 $0x1900, s15;
	s16 =	sadd.s32 $0x1900, s16  }
.LBB2_2:
0x55: {  	s9 =	sadd.s32 $0x20, s6  }
0x56: {  	p1 =	sgt.u32 s9, $0x270  }
0x57: {  	s9 =	simm.s32 @!p1 $0x0;
	s11 =	simm.s32 @!p1 $0x320;
	s8 =	simm.s32 @!p1 $0x6  }
0x58: {  	[tilespmem:s11], [sflag:$0x6] =	stream.linear.gather @!p1 [hbm4b:s15+s9], $0x320, $0x38;
	[tilespmem:$0x1A680] =	vst v63  }
0x59: {  	_ =	swait.ge @!p1 [sflag:s8], $0x320  }
0x5a: {  	[sflag:s8] =	ssyncset.done @!p1 $0x0  }
0x5b: {  	s1 =	simm.s32 @!p1 $0x960;
	[sflag:s8] =	ssyncadd.s32 @!p1 $0xFFFFFCE0  }
0x5c: {  	[tilespmem:s1], [sflag:$0x6] =	stream.linear.gather @!p1 [hbm4b:s16+s9], $0x320, $0x38;
	[tilespmem:$0x1A680] =	vst v63  }
0x5d: {  	_ =	swait.ge @!p1 [sflag:s8], $0x320  }
0x5e: {  	[sflag:s8] =	ssyncset.done @!p1 $0x0  }
0x5f: {  	[sflag:s8] =	ssyncadd.s32 @!p1 $0xFFFFFCE0;
	s8 =	simm.s32 @!p1 $0x7080  }
0x60: {  	[tilespmem:s8], [sflag:$0x2] =	stream.indirect.gather @!p1 [spmem:s2], $0x20, s11, s11, $0xb8;
	[tilespmem:$0x1A680] =	vst v63  }
0x61: {  	s8 =	simm.s32 @!p1 $0x13880  }
0x62: {  	[tilespmem:s8], [sflag:$0x4] =	stream.indirect.gather @!p1 [spmem:s3], $0x20, s1, s11, $0xb8;
	[tilespmem:$0x1A680] =	vst v63  }
0x63: {  	_ =	swait.ge [sflag:s24], $0x6400  }
0x64: {  	[sflag:s24] =	ssyncset.done $0x0  }
0x65: {  	s11 =	sadd.s32 s10, s13;
	[sflag:s24] =	ssyncadd.s32 $0xFFFF9C00  }
0x66: {  	[hbm4b:s11+s4] =	stream.linear.scatter [tilespmem:s22], [sflag:$0x6], $0x6400, $0x38;
	[tilespmem:$0x1A680] =	vst v63  }
0x67: {  	_ =	swait.ge [sflag:s25], $0x6400  }
0x68: {  	[sflag:s25] =	ssyncset.done $0x0  }
0x69: {  	[sflag:s25] =	ssyncadd.s32 $0xFFFF9C00  }
0x6a: {  	_ =	swait.ge [sflag:s26], $0x6400  }
0x6b: {  	p2 =	sgt.u32 s6, $0x230;
	[sflag:s26] =	ssyncset.done $0x0  }
.Ltmp4:
0x6c: {  	s9 =	sadd.s32 s10, s14;
	[sflag:s26] =	ssyncadd.s32 $0xFFFF9C00;
	(pc) =	sbr.rel @!p2 .LBB2_3-.Ltmp4, $4  }
0x6d: {  	[hbm4b:s9+s4] =	stream.linear.scatter [tilespmem:s23], [sflag:$0x6], $0x6400, $0x38;
	[tilespmem:$0x1A680] =	vst v63  }
0x6e: {  	_ =	swait.ge [sflag:s25], $0x6400  }
0x6f: {  	[sflag:s25] =	ssyncset.done $0x0  }
0x70: {  	[sflag:s25] =	ssyncadd.s32 $0xFFFF9C00  }
.Ltmp5:
0x71: {  	(pc) =	sbr.rel @p1 .LBB2_6-.Ltmp5, $4  }
.Ltmp6:
0x72: {  	(pc) =	sbr.rel @!p1 .LBB2_5-.Ltmp6, $4  }
0x73: {  	_ = 	snop  }
0x74: {  	_ = 	snop  }
0x75: {  	_ = 	snop  }
0x76: {  	_ = 	snop  }
.LBB2_8:
0x77: {  	_ =	sfence.sel $0x180000  }
0x78: {  	[bflag:$0x0] =	sbarrier.arrive $0xFFFF  }
0x79: {  	_ =	strace $0x90000047  }
0x7a: {  	[bflag:$0x2] =	sbarrier.arrive $0xFFFF  }
0x7b: {  	s0 =	rddreg [dreg:$0x4]  }
0x7c: {  	s0 =	sadd.s32 @!p0 $0x100000, s0  }
0x7d: {  	[sflag:s0] =	ssyncadd.tile.s32 @!p0 $0x1;
	_ =	shalt  }
.Lfunc_end2:
_tile_overlayer_lowered:
.L_overlay_start_2:
0x7e: {  	(tag) =	ssettag $0x2  }
0x7f: {  	s0 =	rddreg [dreg:$0x0];
	s2 =	stileid.u32  }
0x80: {  	s1 =	rddreg [dreg:$0x1];
	p0 =	sne.s32 s2, $0x0  }
0x81: {  	s3 =	rddreg [dreg:$0x2];
	[bflag:$0x3] =	sbarrier.arrive $0xFFFF;
	s2 =	simm.s32 @!p0 $0x1C05  }
0x82: {  	[timem:s3], [sflag:s2] =	dma.local @!p0 [hbm:s0], s1  }
0x83: {  	s0 =	simm.s32 @!p0 $0x5  }
0x84: {  	_ =	swait.ge @!p0 [sflag:s0], s1  }
0x85: {  	s1 =	ssub.s32 @!p0 $0x0, s1;
	[sflag:s0] =	ssyncset.done @!p0 $0x0  }
0x86: {  	[sflag:s0] =	ssyncadd.s32 @!p0 s1  }
0x87: {  	[bflag:$0x3] =	sbarrier.arrive $0xFFFF  }
0x88: {  	_ =	shalt  }

</sc_bundles>
